<compile_context>
chip_gen: v7x
topology: tpu7x:2x2x1
jax: 0.10.2.dev20260603
libtpu: 0.0.44.dev20260713+nightly
codegen_flags: <defaults>
</compile_context>

<pallas_src>
import functools

import jax
import jax.numpy as jnp
from jax import lax
from jax.experimental import pallas as pl
from jax.experimental.pallas import tpu as pltpu
from jax.experimental.pallas import tpu_sc as plsc

_N, _E, _D, _DE, _HS, _B = 10000, 320000, 128, 16, 128, 8
_NC, _NS = 2, 16
_NW = _NC * _NS
_EPW = _E // _NW
_CE = 80
_NCHUNK = _EPW // _CE
_NPAD = 10240
_RPW = _NPAD // _NS
_ZR = 128
_NBLK = 2000
_LANES = 16


def _sc_mesh():
    return plsc.VectorSubcoreMesh(
        core_axis_name="c", subcore_axis_name="s",
        num_cores=_NC, num_subcores=_NS)



def _gather_add_body(xa_hbm, xb_hbm, src_hbm, dst_hbm, out_hbm,
                     idxa, idxb,
                     bufa0, bufa1, bufb0, bufb1, bufo0, bufo1,
                     ga0, ga1, gb0, gb1, w0, w1):
    c = lax.axis_index("c")
    s = lax.axis_index("s")
    wid = s * _NC + c
    base = wid * _EPW
    bufa = (bufa0, bufa1)
    bufb = (bufb0, bufb1)
    bufo = (bufo0, bufo1)
    gsa = (ga0, ga1)
    gsb = (gb0, gb1)
    wsm = (w0, w1)

    pltpu.sync_copy(src_hbm.at[wid], idxa)
    pltpu.sync_copy(dst_hbm.at[wid], idxb)

    def issue(i, slot):
        pltpu.async_copy(xa_hbm.at[idxa.at[i]], bufa[slot], gsa[slot])
        pltpu.async_copy(xb_hbm.at[idxb.at[i]], bufb[slot], gsb[slot])

    def process(i, slot, first, last):
        pltpu.make_async_copy(xa_hbm.at[idxa.at[i]], bufa[slot], gsa[slot]).wait()
        pltpu.make_async_copy(xb_hbm.at[idxb.at[i]], bufb[slot], gsb[slot]).wait()
        if not first:
            pltpu.make_async_copy(
                bufo[slot], out_hbm.at[pl.ds(base, _CE)], wsm[slot]).wait()

        def row(r, rc):
            for q in range(_HS // _LANES):
                sl = pl.ds(q * _LANES, _LANES)
                bufo[slot][r, sl] = bufa[slot][r, sl] + bufb[slot][r, sl]
            return rc
        lax.fori_loop(0, _CE, row, 0)

        @pl.when(i + 2 < _NCHUNK)
        def _():
            issue(i + 2, slot)
        if last:
            pltpu.sync_copy(bufo[slot], out_hbm.at[pl.ds(base + i * _CE, _CE)])
        else:
            pltpu.async_copy(bufo[slot],
                             out_hbm.at[pl.ds(base + i * _CE, _CE)], wsm[slot])

    issue(0, 0)
    issue(1, 1)

    def pair(g, carry):
        process(2 * g, 0, False, False)
        process(2 * g + 1, 1, False, False)
        return carry

    process(0, 0, True, False)
    process(1, 1, True, False)
    lax.fori_loop(1, (_NCHUNK - 1) // 2, pair, 0)
    process(_NCHUNK - 1, 0, False, True)
    pltpu.make_async_copy(bufo[1], out_hbm.at[pl.ds(base, _CE)], wsm[1]).wait()


def _gather_add(xa, xb, src3, dst3):
    dmasem = pltpu.SemaphoreType.DMA
    k = functools.partial(
        pl.kernel, mesh=_sc_mesh(),
        out_type=jax.ShapeDtypeStruct((_E, _HS), jnp.float32),
        scratch_types=[
            pltpu.VMEM((_NCHUNK, _CE), jnp.int32),
            pltpu.VMEM((_NCHUNK, _CE), jnp.int32),
            pltpu.VMEM((_CE, _HS), jnp.float32),
            pltpu.VMEM((_CE, _HS), jnp.float32),
            pltpu.VMEM((_CE, _HS), jnp.float32),
            pltpu.VMEM((_CE, _HS), jnp.float32),
            pltpu.VMEM((_CE, _HS), jnp.float32),
            pltpu.VMEM((_CE, _HS), jnp.float32),
            dmasem, dmasem, dmasem, dmasem, dmasem, dmasem,
        ])(_gather_add_body)
    return k(xa, xb, src3, dst3)


def _scatter_sum_body(e_hbm, dst_hbm, out_hbm, idxv, buf0, buf1, acc_sh,
                      f0, f1):
    c = lax.axis_index("c")
    s = lax.axis_index("s")
    wid = s * _NC + c
    bufv = (buf0, buf1)
    fsm = (f0, f1)
    zero16 = jnp.zeros((_LANES,), jnp.float32)

    def zrow(r, rc):
        for q in range(_HS // _LANES):
            buf0[r, pl.ds(q * _LANES, _LANES)] = zero16
        return rc
    lax.fori_loop(0, _CE, zrow, 0)

    def zchunk(t, tc):
        pltpu.sync_copy(buf0, acc_sh.at[pl.ds(s * _RPW + t * _CE, _CE)])
        return tc
    lax.fori_loop(0, _RPW // _CE, zchunk, 0)
    pltpu.sync_copy(dst_hbm.at[wid], idxv)
    plsc.subcore_barrier()

    base = wid * _EPW

    def issue(i, slot):
        pltpu.async_copy(e_hbm.at[pl.ds(base + i * _CE, _CE)],
                         bufv[slot], fsm[slot])

    def process(i, slot):
        pltpu.make_async_copy(e_hbm.at[pl.ds(base, _CE)],
                              bufv[slot], fsm[slot]).wait()
        pltpu.sync_copy(bufv[slot], acc_sh.at[idxv.at[i]], add=True)

        @pl.when(i + 2 < _NCHUNK)
        def _():
            issue(i + 2, slot)

    issue(0, 0)
    issue(1, 1)

    def pair(g, carry):
        process(2 * g, 0)
        process(2 * g + 1, 1)
        return carry

    lax.fori_loop(0, (_NCHUNK - 1) // 2, pair, 0)
    process(_NCHUNK - 1, 0)
    plsc.subcore_barrier()

    def rchunk(t, tc):
        r0 = s * _RPW + t * _CE
        pltpu.sync_copy(acc_sh.at[pl.ds(r0, _CE)],
                        out_hbm.at[pl.ds(c * _NPAD + r0, _CE)])
        return tc
    lax.fori_loop(0, _RPW // _CE, rchunk, 0)


def _scatter_sum(e_new, dst3):
    dmasem = pltpu.SemaphoreType.DMA
    k = functools.partial(
        pl.kernel, mesh=_sc_mesh(),
        out_type=jax.ShapeDtypeStruct((_NC * _NPAD, _HS), jnp.float32),
        scratch_types=[
            pltpu.VMEM((_NCHUNK, _CE), jnp.int32),
            pltpu.VMEM((_CE, _HS), jnp.float32),
            pltpu.VMEM((_CE, _HS), jnp.float32),
            pltpu.VMEM_SHARED((_NPAD, _HS), jnp.float32),
            dmasem, dmasem,
        ])(_scatter_sum_body)
    return k(e_new, dst3)



def _proj_body(x_ref, wa_ref, wb_ref, xa_ref, xb_ref):
    xblk = x_ref[...]
    xa_ref[...] = jnp.dot(xblk, wa_ref[...], preferred_element_type=jnp.float32)
    xb_ref[...] = jnp.dot(xblk, wb_ref[...], preferred_element_type=jnp.float32)


def _proj(x, wsrc_t, wdst_t):
    return pl.pallas_call(
        _proj_body,
        grid=(_N // _NBLK,),
        in_specs=[
            pl.BlockSpec((_NBLK, _D), lambda i: (i, 0)),
            pl.BlockSpec((_D, _HS), lambda i: (0, 0)),
            pl.BlockSpec((_D, _HS), lambda i: (0, 0)),
        ],
        out_specs=[
            pl.BlockSpec((_NBLK, _HS), lambda i: (i, 0)),
            pl.BlockSpec((_NBLK, _HS), lambda i: (i, 0)),
        ],
        out_shape=[jax.ShapeDtypeStruct((_N, _HS), jnp.float32)] * 2,
    )(x, wsrc_t, wdst_t)


def _edge_mlp_body(s_ref, ea_ref, wat_ref, b1_ref, w2t_ref, b2_ref, out_ref):
    h = (s_ref[...]
         + jnp.dot(ea_ref[...], wat_ref[...], preferred_element_type=jnp.float32)
         + b1_ref[...])
    h = jnp.maximum(h, 0.0)
    out_ref[...] = (jnp.dot(h, w2t_ref[...], preferred_element_type=jnp.float32)
                    + b2_ref[...])


def _edge_mlp(s, edge_attr, wattr_t, b1e, w2e_t, b2e):
    return pl.pallas_call(
        _edge_mlp_body,
        grid=(_E // _NBLK,),
        in_specs=[
            pl.BlockSpec((_NBLK, _HS), lambda i: (i, 0)),
            pl.BlockSpec((_NBLK, _DE), lambda i: (i, 0)),
            pl.BlockSpec((_DE, _HS), lambda i: (0, 0)),
            pl.BlockSpec((1, _HS), lambda i: (0, 0)),
            pl.BlockSpec((_HS, _HS), lambda i: (0, 0)),
            pl.BlockSpec((1, _HS), lambda i: (0, 0)),
        ],
        out_specs=pl.BlockSpec((_NBLK, _HS), lambda i: (i, 0)),
        out_shape=jax.ShapeDtypeStruct((_E, _HS), jnp.float32),
    )(s, edge_attr, wattr_t, b1e, w2e_t, b2e)



def _node_global_body(x_ref, p_ref, b_ref, wx_ref, wg_ref, b1_ref,
                      w2t_ref, b2_ref, w1gt_ref, b1g_ref, w2gt_ref, b2g_ref,
                      xn_ref, u_ref, gacc):
    i = pl.program_id(0)
    agg = p_ref[0] + p_ref[1]
    h = (jnp.dot(x_ref[...], wx_ref[...], preferred_element_type=jnp.float32)
         + jnp.dot(agg, wg_ref[...], preferred_element_type=jnp.float32)
         + b1_ref[...])
    h = jnp.maximum(h, 0.0)
    xn = jnp.dot(h, w2t_ref[...], preferred_element_type=jnp.float32) + b2_ref[...]
    xn_ref[...] = xn
    bids = b_ref[0]
    onehot = (lax.broadcasted_iota(jnp.int32, (_B, _NBLK), 0) == bids
              ).astype(jnp.float32)
    g = jnp.dot(onehot, xn, preferred_element_type=jnp.float32)

    @pl.when(i == 0)
    def _():
        gacc[...] = g

    @pl.when(i > 0)
    def _():
        gacc[...] = gacc[...] + g

    @pl.when(i == pl.num_programs(0) - 1)
    def _():
        gg = jnp.maximum(
            jnp.dot(gacc[...], w1gt_ref[...], preferred_element_type=jnp.float32)
            + b1g_ref[...], 0.0)
        u_ref[...] = (jnp.dot(gg, w2gt_ref[...], preferred_element_type=jnp.float32)
                      + b2g_ref[...])


def _node_global(x, parts, batch3d, wx_t, wagg_t, b1n, w2n_t, b2n,
                 w1g_t, b1g, w2g_t, b2g):
    nb = _N // _NBLK
    return pl.pallas_call(
        _node_global_body,
        grid=(nb,),
        in_specs=[
            pl.BlockSpec((_NBLK, _D), lambda i: (i, 0)),
            pl.BlockSpec((2, _NBLK, _HS), lambda i: (0, i, 0)),
            pl.BlockSpec((1, 1, _NBLK), lambda i: (i, 0, 0)),
            pl.BlockSpec((_D, _HS), lambda i: (0, 0)),
            pl.BlockSpec((_HS, _HS), lambda i: (0, 0)),
            pl.BlockSpec((1, _HS), lambda i: (0, 0)),
            pl.BlockSpec((_HS, _HS), lambda i: (0, 0)),
            pl.BlockSpec((1, _HS), lambda i: (0, 0)),
            pl.BlockSpec((_HS, _HS), lambda i: (0, 0)),
            pl.BlockSpec((1, _HS), lambda i: (0, 0)),
            pl.BlockSpec((_HS, _HS), lambda i: (0, 0)),
            pl.BlockSpec((1, _HS), lambda i: (0, 0)),
        ],
        out_specs=[
            pl.BlockSpec((_NBLK, _HS), lambda i: (i, 0)),
            pl.BlockSpec((_B, _HS), lambda i: (0, 0)),
        ],
        out_shape=[
            jax.ShapeDtypeStruct((_N, _HS), jnp.float32),
            jax.ShapeDtypeStruct((_B, _HS), jnp.float32),
        ],
        scratch_shapes=[pltpu.VMEM((_B, _HS), jnp.float32)],
    )(x, parts, batch3d, wx_t, wagg_t, b1n, w2n_t, b2n, w1g_t, b1g, w2g_t, b2g)



def kernel(x, edge_index, edge_attr, batch,
           W1e, b1e, W2e, b2e,
           W1n, b1n, W2n, b2n,
           W1g, b1g, W2g, b2g):
    src3 = edge_index[0].reshape(_NW, _NCHUNK, _CE)
    dst3 = edge_index[1].reshape(_NW, _NCHUNK, _CE)
    wsrc_t = W1e[:, :_D].T
    wdst_t = W1e[:, _D:2 * _D].T
    wattr_t = W1e[:, 2 * _D:].T

    xa_f, xb_f = _proj(x, wsrc_t, wdst_t)
    s = _gather_add(xa_f, xb_f, src3, dst3)
    e_new = _edge_mlp(s, edge_attr, wattr_t, b1e.reshape(1, _HS),
                      W2e.T, b2e.reshape(1, _HS))
    parts = _scatter_sum(e_new, dst3).reshape(_NC, _NPAD, _HS)[:, :_N, :]

    batch3d = batch.reshape(_N // _NBLK, 1, _NBLK)
    x_new, u = _node_global(
        x, parts, batch3d,
        W1n[:, :_D].T, W1n[:, _D:].T, b1n.reshape(1, _HS),
        W2n.T, b2n.reshape(1, _HS),
        W1g.T, b1g.reshape(1, _HS), W2g.T, b2g.reshape(1, _HS))
    return (x_new, e_new, u)

# --- scband reference (transcript-rebuilt; emitter-appended) ---
"""Pipeline reference for scband-meta-bind-multi-edges-83562883711143 (READ-ONLY COPY).

The authoritative reference and input builder live on the scoring server;
editing this copy changes nothing except your own understanding.
"""

import jax, jax.numpy as jnp
import numpy as np

N, E, D, DE, HS, B = 10000, 320000, 128, 16, 128, 8

def setup_inputs(seed: int = 0) -> dict:
    key = jax.random.key(seed)
    ks = jax.random.split(key, 20)
    sc = 0.05
    x = jax.random.normal(ks[0], (N, D), dtype=jnp.float32)
    edge_index = jax.random.randint(ks[1], (2, E), 0, N, dtype=jnp.int32)
    edge_attr = jax.random.normal(ks[2], (E, DE), dtype=jnp.float32)
    batch = jnp.sort(jax.random.randint(ks[3], (N,), 0, B, dtype=jnp.int32))
    # Edge MLP (Conv1d k=1 == Linear). BatchNorm1d at init in eval mode is identity.
    W1e = sc * jax.random.normal(ks[4], (HS, 2 * D + DE), dtype=jnp.float32)
    b1e = jnp.zeros((HS,), dtype=jnp.float32)
    W2e = sc * jax.random.normal(ks[5], (HS, HS), dtype=jnp.float32)
    b2e = jnp.zeros((HS,), dtype=jnp.float32)
    # Node MLP2: input = x_ind + e_hs (aggregated updated edge feats)
    W1n = sc * jax.random.normal(ks[6], (HS, D + HS), dtype=jnp.float32)
    b1n = jnp.zeros((HS,), dtype=jnp.float32)
    W2n = sc * jax.random.normal(ks[7], (HS, HS), dtype=jnp.float32)
    b2n = jnp.zeros((HS,), dtype=jnp.float32)
    # Global MLP: input = x_hs (u_ind = 0 in MetaBind_MultiEdges)
    W1g = sc * jax.random.normal(ks[8], (HS, HS), dtype=jnp.float32)
    b1g = jnp.zeros((HS,), dtype=jnp.float32)
    W2g = sc * jax.random.normal(ks[9], (HS, HS), dtype=jnp.float32)
    b2g = jnp.zeros((HS,), dtype=jnp.float32)
    return {"x": x, "edge_index": edge_index, "edge_attr": edge_attr, "batch": batch,
            "W1e": W1e, "b1e": b1e, "W2e": W2e, "b2e": b2e,
            "W1n": W1n, "b1n": b1n, "W2n": W2n, "b2n": b2n,
            "W1g": W1g, "b1g": b1g, "W2g": W2g, "b2g": b2g}

def reference(x, edge_index, edge_attr, batch,
              W1e, b1e, W2e, b2e,
              W1n, b1n, W2n, b2n,
              W1g, b1g, W2g, b2g):
    # EdgeModel: cat(x[src], x[dst], edge_attr) -> conv1x1 -> BN(id) -> relu -> dropout(eval) -> conv1x1 -> BN(id)
    src = jnp.take(x, edge_index[0], axis=0)
    dst = jnp.take(x, edge_index[1], axis=0)
    e = jnp.concatenate([src, dst, edge_attr], axis=-1)
    e = jnp.maximum(e @ W1e.T + b1e, 0.0)
    e_new = e @ W2e.T + b2e
    # NodeModel: aggr='add' of edge_attr over dst (col) via scatter-add, cat with x -> MLP
    agg = jax.ops.segment_sum(e_new, edge_index[1], num_segments=x.shape[0])
    h = jnp.concatenate([x, agg], axis=-1)
    h = jnp.maximum(h @ W1n.T + b1n, 0.0)
    x_new = h @ W2n.T + b2n
    # GlobalModel: global_add_pool over graph batch ids -> MLP
    g = jax.ops.segment_sum(x_new, batch, num_segments=B)
    g = jnp.maximum(g @ W1g.T + b1g, 0.0)
    u = g @ W2g.T + b2g
    return (x_new, e_new, u)

if __name__ == "__main__":
    import jax
    _d = setup_inputs()
    print(jax.jit(kernel)(*tuple(_d.values())))

</pallas_src>

<mosaic_0001>
#map = affine_map<(d0, d1) -> (0, 0)>
#map1 = affine_map<(d0, d1) -> (0, 0, 0)>
module attributes {stable_mosaic.version = 14 : i64} {
  func.func @_gather_add_body(%arg0: i32, %arg1: i32, %arg2: memref<10000x128xf32, #tpu.memory_space<hbm>>, %arg3: memref<10000x128xf32, #tpu.memory_space<hbm>>, %arg4: memref<32x125x80xi32, #tpu.memory_space<hbm>>, %arg5: memref<32x125x80xi32, #tpu.memory_space<hbm>>, %arg6: memref<320000x128xf32, #tpu.memory_space<hbm>>, %arg7: memref<125x80xi32, #tpu.memory_space<vmem>>, %arg8: memref<125x80xi32, #tpu.memory_space<vmem>>, %arg9: memref<80x128xf32, #tpu.memory_space<vmem>>, %arg10: memref<80x128xf32, #tpu.memory_space<vmem>>, %arg11: memref<80x128xf32, #tpu.memory_space<vmem>>, %arg12: memref<80x128xf32, #tpu.memory_space<vmem>>, %arg13: memref<80x128xf32, #tpu.memory_space<vmem>>, %arg14: memref<80x128xf32, #tpu.memory_space<vmem>>, %arg15: memref<!tpu.dma_semaphore, #tpu.memory_space<semaphore_mem>>, %arg16: memref<!tpu.dma_semaphore, #tpu.memory_space<semaphore_mem>>, %arg17: memref<!tpu.dma_semaphore, #tpu.memory_space<semaphore_mem>>, %arg18: memref<!tpu.dma_semaphore, #tpu.memory_space<semaphore_mem>>, %arg19: memref<!tpu.dma_semaphore, #tpu.memory_space<semaphore_mem>>, %arg20: memref<!tpu.dma_semaphore, #tpu.memory_space<semaphore_mem>>) attributes {dimension_semantics = [#tpu.dimension_semantics<core_parallel>, #tpu.dimension_semantics<subcore_parallel>], iteration_bounds = array<i64: 2, 16>, scalar_prefetch = 0 : i64, scratch_operands = 14 : i64, tpu.core_type = #tpu.core_type<sc_vector_subcore>, window_params = [{transform_indices = #map}, {transform_indices = #map}, {transform_indices = #map1}, {transform_indices = #map1}, {transform_indices = #map}]} {
    %mul3A = arith.constant 2 : i32
    %mul3A_0 = arith.muli %arg1, %mul3A : i32
    %add3A = arith.addi %mul3A_0, %arg0 : i32
    %mul3A_1 = arith.constant 10000 : i32
    %mul3A_2 = arith.muli %add3A, %mul3A_1 : i32
    "tpu.region"() ({
      %run_scoped3A = tpu.sem_alloc : memref<!tpu.dma_semaphore, #tpu.memory_space<semaphore_mem>>
      %dma_start3A_144 = arith.constant 0 : i32
      %dma_start3A_145 = arith.constant 0 : i32
      %dma_start3A_146 = tpu.memref_slice %arg4[%add3A, %dma_start3A_144, %dma_start3A_145] : memref<32x125x80xi32, #tpu.memory_space<hbm>> -> memref<1x125x80xi32, #tpu.memory_space<hbm>>
      %dma_start3A_147 = tpu.memref_squeeze %dma_start3A_146 : memref<1x125x80xi32, #tpu.memory_space<hbm>> -> memref<125x80xi32, #tpu.memory_space<hbm>>
      %dma_start3A_148 = arith.constant 0 : i32
      %dma_start3A_149 = arith.constant 0 : i32
      %dma_start3A_150 = tpu.memref_slice %arg4[%add3A, %dma_start3A_148, %dma_start3A_149] : memref<32x125x80xi32, #tpu.memory_space<hbm>> -> memref<1x125x80xi32, #tpu.memory_space<hbm>>
      %dma_start3A_151 = tpu.memref_squeeze %dma_start3A_150 : memref<1x125x80xi32, #tpu.memory_space<hbm>> -> memref<125x80xi32, #tpu.memory_space<hbm>>
      tpu.enqueue_dma source(%dma_start3A_151 : memref<125x80xi32, #tpu.memory_space<hbm>>) target(%arg7 : memref<125x80xi32, #tpu.memory_space<vmem>>) target_semaphore(%run_scoped3A : memref<!tpu.dma_semaphore, #tpu.memory_space<semaphore_mem>>)
      %dma_wait3A_152 = arith.constant 0 : i32
      %dma_wait3A_153 = arith.constant 0 : i32
      %dma_wait3A_154 = tpu.memref_slice %arg4[%add3A, %dma_wait3A_152, %dma_wait3A_153] : memref<32x125x80xi32, #tpu.memory_space<hbm>> -> memref<1x125x80xi32, #tpu.memory_space<hbm>>
      %dma_wait3A_155 = tpu.memref_squeeze %dma_wait3A_154 : memref<1x125x80xi32, #tpu.memory_space<hbm>> -> memref<125x80xi32, #tpu.memory_space<hbm>>
      %dma_wait3A_156 = arith.constant 0 : i32
      %dma_wait3A_157 = arith.constant 0 : i32
      %dma_wait3A_158 = tpu.memref_slice %arg4[%add3A, %dma_wait3A_156, %dma_wait3A_157] : memref<32x125x80xi32, #tpu.memory_space<hbm>> -> memref<1x125x80xi32, #tpu.memory_space<hbm>>
      %dma_wait3A_159 = tpu.memref_squeeze %dma_wait3A_158 : memref<1x125x80xi32, #tpu.memory_space<hbm>> -> memref<125x80xi32, #tpu.memory_space<hbm>>
      tpu.wait_dma2 semaphore(%run_scoped3A : memref<!tpu.dma_semaphore, #tpu.memory_space<semaphore_mem>>) src(%dma_wait3A_159 : memref<125x80xi32, #tpu.memory_space<hbm>>) dst(%arg7 : memref<125x80xi32, #tpu.memory_space<vmem>>)
      tpu.yield
    }) : () -> ()
    "tpu.region"() ({
      %run_scoped3A = tpu.sem_alloc : memref<!tpu.dma_semaphore, #tpu.memory_space<semaphore_mem>>
      %dma_start3A_144 = arith.constant 0 : i32
      %dma_start3A_145 = arith.constant 0 : i32
      %dma_start3A_146 = tpu.memref_slice %arg5[%add3A, %dma_start3A_144, %dma_start3A_145] : memref<32x125x80xi32, #tpu.memory_space<hbm>> -> memref<1x125x80xi32, #tpu.memory_space<hbm>>
      %dma_start3A_147 = tpu.memref_squeeze %dma_start3A_146 : memref<1x125x80xi32, #tpu.memory_space<hbm>> -> memref<125x80xi32, #tpu.memory_space<hbm>>
      %dma_start3A_148 = arith.constant 0 : i32
      %dma_start3A_149 = arith.constant 0 : i32
      %dma_start3A_150 = tpu.memref_slice %arg5[%add3A, %dma_start3A_148, %dma_start3A_149] : memref<32x125x80xi32, #tpu.memory_space<hbm>> -> memref<1x125x80xi32, #tpu.memory_space<hbm>>
      %dma_start3A_151 = tpu.memref_squeeze %dma_start3A_150 : memref<1x125x80xi32, #tpu.memory_space<hbm>> -> memref<125x80xi32, #tpu.memory_space<hbm>>
      tpu.enqueue_dma source(%dma_start3A_151 : memref<125x80xi32, #tpu.memory_space<hbm>>) target(%arg8 : memref<125x80xi32, #tpu.memory_space<vmem>>) target_semaphore(%run_scoped3A : memref<!tpu.dma_semaphore, #tpu.memory_space<semaphore_mem>>)
      %dma_wait3A_152 = arith.constant 0 : i32
      %dma_wait3A_153 = arith.constant 0 : i32
      %dma_wait3A_154 = tpu.memref_slice %arg5[%add3A, %dma_wait3A_152, %dma_wait3A_153] : memref<32x125x80xi32, #tpu.memory_space<hbm>> -> memref<1x125x80xi32, #tpu.memory_space<hbm>>
      %dma_wait3A_155 = tpu.memref_squeeze %dma_wait3A_154 : memref<1x125x80xi32, #tpu.memory_space<hbm>> -> memref<125x80xi32, #tpu.memory_space<hbm>>
      %dma_wait3A_156 = arith.constant 0 : i32
      %dma_wait3A_157 = arith.constant 0 : i32
      %dma_wait3A_158 = tpu.memref_slice %arg5[%add3A, %dma_wait3A_156, %dma_wait3A_157] : memref<32x125x80xi32, #tpu.memory_space<hbm>> -> memref<1x125x80xi32, #tpu.memory_space<hbm>>
      %dma_wait3A_159 = tpu.memref_squeeze %dma_wait3A_158 : memref<1x125x80xi32, #tpu.memory_space<hbm>> -> memref<125x80xi32, #tpu.memory_space<hbm>>
      tpu.wait_dma2 semaphore(%run_scoped3A : memref<!tpu.dma_semaphore, #tpu.memory_space<semaphore_mem>>) src(%dma_wait3A_159 : memref<125x80xi32, #tpu.memory_space<hbm>>) dst(%arg8 : memref<125x80xi32, #tpu.memory_space<vmem>>)
      tpu.yield
    }) : () -> ()
    %dma_start3A = arith.constant 0 : i32
    %dma_start3A_3 = arith.constant 0 : i32
    %dma_start3A_4 = tpu.memref_slice %arg7[%dma_start3A, %dma_start3A_3] : memref<125x80xi32, #tpu.memory_space<vmem>> -> memref<1x80xi32, #tpu.memory_space<vmem>>
    %dma_start3A_5 = tpu.memref_squeeze %dma_start3A_4 : memref<1x80xi32, #tpu.memory_space<vmem>> -> memref<80xi32, #tpu.memory_space<vmem>>
    %dma_start3A_6 = arith.constant 0 : i32
    %dma_start3A_7 = arith.constant 0 : i32
    %dma_start3A_8 = tpu.memref_slice %arg2[%dma_start3A_6, %dma_start3A_7] : memref<10000x128xf32, #tpu.memory_space<hbm>> -> memref<10000x128xf32, #tpu.memory_space<hbm>>
    tpu.enqueue_indirect_dma source(%dma_start3A_8 : memref<10000x128xf32, #tpu.memory_space<hbm>>) target(%arg9 : memref<80x128xf32, #tpu.memory_space<vmem>>) offsets(%dma_start3A_5 : memref<80xi32, #tpu.memory_space<vmem>>) semaphore(%arg15 : memref<!tpu.dma_semaphore, #tpu.memory_space<semaphore_mem>>)
    %dma_start3A_9 = arith.constant 0 : i32
    %dma_start3A_10 = arith.constant 0 : i32
    %dma_start3A_11 = tpu.memref_slice %arg8[%dma_start3A_9, %dma_start3A_10] : memref<125x80xi32, #tpu.memory_space<vmem>> -> memref<1x80xi32, #tpu.memory_space<vmem>>
    %dma_start3A_12 = tpu.memref_squeeze %dma_start3A_11 : memref<1x80xi32, #tpu.memory_space<vmem>> -> memref<80xi32, #tpu.memory_space<vmem>>
    %dma_start3A_13 = arith.constant 0 : i32
    %dma_start3A_14 = arith.constant 0 : i32
    %dma_start3A_15 = tpu.memref_slice %arg3[%dma_start3A_13, %dma_start3A_14] : memref<10000x128xf32, #tpu.memory_space<hbm>> -> memref<10000x128xf32, #tpu.memory_space<hbm>>
    tpu.enqueue_indirect_dma source(%dma_start3A_15 : memref<10000x128xf32, #tpu.memory_space<hbm>>) target(%arg11 : memref<80x128xf32, #tpu.memory_space<vmem>>) offsets(%dma_start3A_12 : memref<80xi32, #tpu.memory_space<vmem>>) semaphore(%arg17 : memref<!tpu.dma_semaphore, #tpu.memory_space<semaphore_mem>>)
    %dma_start3A_16 = arith.constant 1 : i32
    %dma_start3A_17 = arith.constant 0 : i32
    %dma_start3A_18 = tpu.memref_slice %arg7[%dma_start3A_16, %dma_start3A_17] : memref<125x80xi32, #tpu.memory_space<vmem>> -> memref<1x80xi32, #tpu.memory_space<vmem>>
    %dma_start3A_19 = tpu.memref_squeeze %dma_start3A_18 : memref<1x80xi32, #tpu.memory_space<vmem>> -> memref<80xi32, #tpu.memory_space<vmem>>
    %dma_start3A_20 = arith.constant 0 : i32
    %dma_start3A_21 = arith.constant 0 : i32
    %dma_start3A_22 = tpu.memref_slice %arg2[%dma_start3A_20, %dma_start3A_21] : memref<10000x128xf32, #tpu.memory_space<hbm>> -> memref<10000x128xf32, #tpu.memory_space<hbm>>
    tpu.enqueue_indirect_dma source(%dma_start3A_22 : memref<10000x128xf32, #tpu.memory_space<hbm>>) target(%arg10 : memref<80x128xf32, #tpu.memory_space<vmem>>) offsets(%dma_start3A_19 : memref<80xi32, #tpu.memory_space<vmem>>) semaphore(%arg16 : memref<!tpu.dma_semaphore, #tpu.memory_space<semaphore_mem>>)
    %dma_start3A_23 = arith.constant 1 : i32
    %dma_start3A_24 = arith.constant 0 : i32
    %dma_start3A_25 = tpu.memref_slice %arg8[%dma_start3A_23, %dma_start3A_24] : memref<125x80xi32, #tpu.memory_space<vmem>> -> memref<1x80xi32, #tpu.memory_space<vmem>>
    %dma_start3A_26 = tpu.memref_squeeze %dma_start3A_25 : memref<1x80xi32, #tpu.memory_space<vmem>> -> memref<80xi32, #tpu.memory_space<vmem>>
    %dma_start3A_27 = arith.constant 0 : i32
    %dma_start3A_28 = arith.constant 0 : i32
    %dma_start3A_29 = tpu.memref_slice %arg3[%dma_start3A_27, %dma_start3A_28] : memref<10000x128xf32, #tpu.memory_space<hbm>> -> memref<10000x128xf32, #tpu.memory_space<hbm>>
    tpu.enqueue_indirect_dma source(%dma_start3A_29 : memref<10000x128xf32, #tpu.memory_space<hbm>>) target(%arg12 : memref<80x128xf32, #tpu.memory_space<vmem>>) offsets(%dma_start3A_26 : memref<80xi32, #tpu.memory_space<vmem>>) semaphore(%arg18 : memref<!tpu.dma_semaphore, #tpu.memory_space<semaphore_mem>>)
    %dma_wait3A = arith.constant 0 : i32
    %dma_wait3A_30 = arith.constant 0 : i32
    %dma_wait3A_31 = tpu.memref_slice %arg7[%dma_wait3A, %dma_wait3A_30] : memref<125x80xi32, #tpu.memory_space<vmem>> -> memref<1x80xi32, #tpu.memory_space<vmem>>
    %dma_wait3A_32 = tpu.memref_squeeze %dma_wait3A_31 : memref<1x80xi32, #tpu.memory_space<vmem>> -> memref<80xi32, #tpu.memory_space<vmem>>
    %dma_wait3A_33 = arith.constant 0 : i32
    %dma_wait3A_34 = arith.constant 0 : i32
    %dma_wait3A_35 = tpu.memref_slice %arg2[%dma_wait3A_33, %dma_wait3A_34] : memref<10000x128xf32, #tpu.memory_space<hbm>> -> memref<10000x128xf32, #tpu.memory_space<hbm>>
    tpu.wait_indirect_dma semaphore(%arg15 : memref<!tpu.dma_semaphore, #tpu.memory_space<semaphore_mem>>) src(%dma_wait3A_35 : memref<10000x128xf32, #tpu.memory_space<hbm>>) dst(%arg9 : memref<80x128xf32, #tpu.memory_space<vmem>>)
    %dma_wait3A_36 = arith.constant 0 : i32
    %dma_wait3A_37 = arith.constant 0 : i32
    %dma_wait3A_38 = tpu.memref_slice %arg8[%dma_wait3A_36, %dma_wait3A_37] : memref<125x80xi32, #tpu.memory_space<vmem>> -> memref<1x80xi32, #tpu.memory_space<vmem>>
    %dma_wait3A_39 = tpu.memref_squeeze %dma_wait3A_38 : memref<1x80xi32, #tpu.memory_space<vmem>> -> memref<80xi32, #tpu.memory_space<vmem>>
    %dma_wait3A_40 = arith.constant 0 : i32
    %dma_wait3A_41 = arith.constant 0 : i32
    %dma_wait3A_42 = tpu.memref_slice %arg3[%dma_wait3A_40, %dma_wait3A_41] : memref<10000x128xf32, #tpu.memory_space<hbm>> -> memref<10000x128xf32, #tpu.memory_space<hbm>>
    tpu.wait_indirect_dma semaphore(%arg17 : memref<!tpu.dma_semaphore, #tpu.memory_space<semaphore_mem>>) src(%dma_wait3A_42 : memref<10000x128xf32, #tpu.memory_space<hbm>>) dst(%arg11 : memref<80x128xf32, #tpu.memory_space<vmem>>)
    %scan3A = arith.constant 0 : i32
    %scan3A_43 = arith.constant 0 : i32
    %scan3A_44 = arith.constant 80 : i32
    %scan3A_45 = arith.addi %scan3A_43, %scan3A_44 : i32
    %scan3A_46 = arith.constant 1 : i32
    scf.for %scan3A_144 = %scan3A_43 to %scan3A_45 step %scan3A_46  : i32 {
      %get3A = arith.index_cast %scan3A_144 : i32 to index
      %get3A_145 = arith.constant 0 : index
      %get3A_146 = tpu.vector_load %arg9[%get3A, %get3A_145] {strides = array<i32>} : memref<80x128xf32, #tpu.memory_space<vmem>>, vector<1x16xf32>,
      %get3A_147 = vector.shape_cast %get3A_146 : vector<1x16xf32> to vector<16xf32>
      %get3A_148 = arith.index_cast %scan3A_144 : i32 to index
      %get3A_149 = arith.constant 0 : index
      %get3A_150 = tpu.vector_load %arg11[%get3A_148, %get3A_149] {strides = array<i32>} : memref<80x128xf32, #tpu.memory_space<vmem>>, vector<1x16xf32>,
      %get3A_151 = vector.shape_cast %get3A_150 : vector<1x16xf32> to vector<16xf32>
      %add3A_152 = arith.addf %get3A_147, %get3A_151 : vector<16xf32>
      %swap3A = arith.index_cast %scan3A_144 : i32 to index
      %swap3A_153 = arith.constant 0 : index
      %swap3A_154 = tpu.vector_load %arg13[%swap3A, %swap3A_153] {strides = array<i32>} : memref<80x128xf32, #tpu.memory_space<vmem>>, vector<1x16xf32>,
      %swap3A_155 = vector.shape_cast %swap3A_154 : vector<1x16xf32> to vector<16xf32>
      %swap3A_156 = vector.shape_cast %add3A_152 : vector<16xf32> to vector<1x16xf32>
      tpu.vector_store %arg13[%swap3A, %swap3A_153], %swap3A_156 {strides = array<i32>} : memref<80x128xf32, #tpu.memory_space<vmem>>, vector<1x16xf32>,
      %get3A_157 = arith.index_cast %scan3A_144 : i32 to index
      %get3A_158 = arith.constant 16 : index
      %get3A_159 = tpu.vector_load %arg9[%get3A_157, %get3A_158] {strides = array<i32>} : memref<80x128xf32, #tpu.memory_space<vmem>>, vector<1x16xf32>,
      %get3A_160 = vector.shape_cast %get3A_159 : vector<1x16xf32> to vector<16xf32>
      %get3A_161 = arith.index_cast %scan3A_144 : i32 to index
      %get3A_162 = arith.constant 16 : index
      %get3A_163 = tpu.vector_load %arg11[%get3A_161, %get3A_162] {strides = array<i32>} : memref<80x128xf32, #tpu.memory_space<vmem>>, vector<1x16xf32>,
      %get3A_164 = vector.shape_cast %get3A_163 : vector<1x16xf32> to vector<16xf32>
      %add3A_165 = arith.addf %get3A_160, %get3A_164 : vector<16xf32>
      %swap3A_166 = arith.index_cast %scan3A_144 : i32 to index
      %swap3A_167 = arith.constant 16 : index
      %swap3A_168 = tpu.vector_load %arg13[%swap3A_166, %swap3A_167] {strides = array<i32>} : memref<80x128xf32, #tpu.memory_space<vmem>>, vector<1x16xf32>,
      %swap3A_169 = vector.shape_cast %swap3A_168 : vector<1x16xf32> to vector<16xf32>
      %swap3A_170 = vector.shape_cast %add3A_165 : vector<16xf32> to vector<1x16xf32>
      tpu.vector_store %arg13[%swap3A_166, %swap3A_167], %swap3A_170 {strides = array<i32>} : memref<80x128xf32, #tpu.memory_space<vmem>>, vector<1x16xf32>,
      %get3A_171 = arith.index_cast %scan3A_144 : i32 to index
      %get3A_172 = arith.constant 32 : index
      %get3A_173 = tpu.vector_load %arg9[%get3A_171, %get3A_172] {strides = array<i32>} : memref<80x128xf32, #tpu.memory_space<vmem>>, vector<1x16xf32>,
      %get3A_174 = vector.shape_cast %get3A_173 : vector<1x16xf32> to vector<16xf32>
      %get3A_175 = arith.index_cast %scan3A_144 : i32 to index
      %get3A_176 = arith.constant 32 : index
      %get3A_177 = tpu.vector_load %arg11[%get3A_175, %get3A_176] {strides = array<i32>} : memref<80x128xf32, #tpu.memory_space<vmem>>, vector<1x16xf32>,
      %get3A_178 = vector.shape_cast %get3A_177 : vector<1x16xf32> to vector<16xf32>
      %add3A_179 = arith.addf %get3A_174, %get3A_178 : vector<16xf32>
      %swap3A_180 = arith.index_cast %scan3A_144 : i32 to index
      %swap3A_181 = arith.constant 32 : index
      %swap3A_182 = tpu.vector_load %arg13[%swap3A_180, %swap3A_181] {strides = array<i32>} : memref<80x128xf32, #tpu.memory_space<vmem>>, vector<1x16xf32>,
      %swap3A_183 = vector.shape_cast %swap3A_182 : vector<1x16xf32> to vector<16xf32>
      %swap3A_184 = vector.shape_cast %add3A_179 : vector<16xf32> to vector<1x16xf32>
      tpu.vector_store %arg13[%swap3A_180, %swap3A_181], %swap3A_184 {strides = array<i32>} : memref<80x128xf32, #tpu.memory_space<vmem>>, vector<1x16xf32>,
      %get3A_185 = arith.index_cast %scan3A_144 : i32 to index
      %get3A_186 = arith.constant 48 : index
      %get3A_187 = tpu.vector_load %arg9[%get3A_185, %get3A_186] {strides = array<i32>} : memref<80x128xf32, #tpu.memory_space<vmem>>, vector<1x16xf32>,
      %get3A_188 = vector.shape_cast %get3A_187 : vector<1x16xf32> to vector<16xf32>
      %get3A_189 = arith.index_cast %scan3A_144 : i32 to index
      %get3A_190 = arith.constant 48 : index
      %get3A_191 = tpu.vector_load %arg11[%get3A_189, %get3A_190] {strides = array<i32>} : memref<80x128xf32, #tpu.memory_space<vmem>>, vector<1x16xf32>,
      %get3A_192 = vector.shape_cast %get3A_191 : vector<1x16xf32> to vector<16xf32>
      %add3A_193 = arith.addf %get3A_188, %get3A_192 : vector<16xf32>
      %swap3A_194 = arith.index_cast %scan3A_144 : i32 to index
      %swap3A_195 = arith.constant 48 : index
      %swap3A_196 = tpu.vector_load %arg13[%swap3A_194, %swap3A_195] {strides = array<i32>} : memref<80x128xf32, #tpu.memory_space<vmem>>, vector<1x16xf32>,
      %swap3A_197 = vector.shape_cast %swap3A_196 : vector<1x16xf32> to vector<16xf32>
      %swap3A_198 = vector.shape_cast %add3A_193 : vector<16xf32> to vector<1x16xf32>
      tpu.vector_store %arg13[%swap3A_194, %swap3A_195], %swap3A_198 {strides = array<i32>} : memref<80x128xf32, #tpu.memory_space<vmem>>, vector<1x16xf32>,
      %get3A_199 = arith.index_cast %scan3A_144 : i32 to index
      %get3A_200 = arith.constant 64 : index
      %get3A_201 = tpu.vector_load %arg9[%get3A_199, %get3A_200] {strides = array<i32>} : memref<80x128xf32, #tpu.memory_space<vmem>>, vector<1x16xf32>,
      %get3A_202 = vector.shape_cast %get3A_201 : vector<1x16xf32> to vector<16xf32>
      %get3A_203 = arith.index_cast %scan3A_144 : i32 to index
      %get3A_204 = arith.constant 64 : index
      %get3A_205 = tpu.vector_load %arg11[%get3A_203, %get3A_204] {strides = array<i32>} : memref<80x128xf32, #tpu.memory_space<vmem>>, vector<1x16xf32>,
      %get3A_206 = vector.shape_cast %get3A_205 : vector<1x16xf32> to vector<16xf32>
      %add3A_207 = arith.addf %get3A_202, %get3A_206 : vector<16xf32>
      %swap3A_208 = arith.index_cast %scan3A_144 : i32 to index
      %swap3A_209 = arith.constant 64 : index
      %swap3A_210 = tpu.vector_load %arg13[%swap3A_208, %swap3A_209] {strides = array<i32>} : memref<80x128xf32, #tpu.memory_space<vmem>>, vector<1x16xf32>,
      %swap3A_211 = vector.shape_cast %swap3A_210 : vector<1x16xf32> to vector<16xf32>
      %swap3A_212 = vector.shape_cast %add3A_207 : vector<16xf32> to vector<1x16xf32>
      tpu.vector_store %arg13[%swap3A_208, %swap3A_209], %swap3A_212 {strides = array<i32>} : memref<80x128xf32, #tpu.memory_space<vmem>>, vector<1x16xf32>,
      %get3A_213 = arith.index_cast %scan3A_144 : i32 to index
      %get3A_214 = arith.constant 80 : index
      %get3A_215 = tpu.vector_load %arg9[%get3A_213, %get3A_214] {strides = array<i32>} : memref<80x128xf32, #tpu.memory_space<vmem>>, vector<1x16xf32>,
      %get3A_216 = vector.shape_cast %get3A_215 : vector<1x16xf32> to vector<16xf32>
      %get3A_217 = arith.index_cast %scan3A_144 : i32 to index
      %get3A_218 = arith.constant 80 : index
      %get3A_219 = tpu.vector_load %arg11[%get3A_217, %get3A_218] {strides = array<i32>} : memref<80x128xf32, #tpu.memory_space<vmem>>, vector<1x16xf32>,
      %get3A_220 = vector.shape_cast %get3A_219 : vector<1x16xf32> to vector<16xf32>
      %add3A_221 = arith.addf %get3A_216, %get3A_220 : vector<16xf32>
      %swap3A_222 = arith.index_cast %scan3A_144 : i32 to index
      %swap3A_223 = arith.constant 80 : index
      %swap3A_224 = tpu.vector_load %arg13[%swap3A_222, %swap3A_223] {strides = array<i32>} : memref<80x128xf32, #tpu.memory_space<vmem>>, vector<1x16xf32>,
      %swap3A_225 = vector.shape_cast %swap3A_224 : vector<1x16xf32> to vector<16xf32>
      %swap3A_226 = vector.shape_cast %add3A_221 : vector<16xf32> to vector<1x16xf32>
      tpu.vector_store %arg13[%swap3A_222, %swap3A_223], %swap3A_226 {strides = array<i32>} : memref<80x128xf32, #tpu.memory_space<vmem>>, vector<1x16xf32>,
      %get3A_227 = arith.index_cast %scan3A_144 : i32 to index
      %get3A_228 = arith.constant 96 : index
      %get3A_229 = tpu.vector_load %arg9[%get3A_227, %get3A_228] {strides = array<i32>} : memref<80x128xf32, #tpu.memory_space<vmem>>, vector<1x16xf32>,
      %get3A_230 = vector.shape_cast %get3A_229 : vector<1x16xf32> to vector<16xf32>
      %get3A_231 = arith.index_cast %scan3A_144 : i32 to index
      %get3A_232 = arith.constant 96 : index
      %get3A_233 = tpu.vector_load %arg11[%get3A_231, %get3A_232] {strides = array<i32>} : memref<80x128xf32, #tpu.memory_space<vmem>>, vector<1x16xf32>,
      %get3A_234 = vector.shape_cast %get3A_233 : vector<1x16xf32> to vector<16xf32>
      %add3A_235 = arith.addf %get3A_230, %get3A_234 : vector<16xf32>
      %swap3A_236 = arith.index_cast %scan3A_144 : i32 to index
      %swap3A_237 = arith.constant 96 : index
      %swap3A_238 = tpu.vector_load %arg13[%swap3A_236, %swap3A_237] {strides = array<i32>} : memref<80x128xf32, #tpu.memory_space<vmem>>, vector<1x16xf32>,
      %swap3A_239 = vector.shape_cast %swap3A_238 : vector<1x16xf32> to vector<16xf32>
      %swap3A_240 = vector.shape_cast %add3A_235 : vector<16xf32> to vector<1x16xf32>
      tpu.vector_store %arg13[%swap3A_236, %swap3A_237], %swap3A_240 {strides = array<i32>} : memref<80x128xf32, #tpu.memory_space<vmem>>, vector<1x16xf32>,
      %get3A_241 = arith.index_cast %scan3A_144 : i32 to index
      %get3A_242 = arith.constant 112 : index
      %get3A_243 = tpu.vector_load %arg9[%get3A_241, %get3A_242] {strides = array<i32>} : memref<80x128xf32, #tpu.memory_space<vmem>>, vector<1x16xf32>,
      %get3A_244 = vector.shape_cast %get3A_243 : vector<1x16xf32> to vector<16xf32>
      %get3A_245 = arith.index_cast %scan3A_144 : i32 to index
      %get3A_246 = arith.constant 112 : index
      %get3A_247 = tpu.vector_load %arg11[%get3A_245, %get3A_246] {strides = array<i32>} : memref<80x128xf32, #tpu.memory_space<vmem>>, vector<1x16xf32>,
      %get3A_248 = vector.shape_cast %get3A_247 : vector<1x16xf32> to vector<16xf32>
      %add3A_249 = arith.addf %get3A_244, %get3A_248 : vector<16xf32>
      %swap3A_250 = arith.index_cast %scan3A_144 : i32 to index
      %swap3A_251 = arith.constant 112 : index
      %swap3A_252 = tpu.vector_load %arg13[%swap3A_250, %swap3A_251] {strides = array<i32>} : memref<80x128xf32, #tpu.memory_space<vmem>>, vector<1x16xf32>,
      %swap3A_253 = vector.shape_cast %swap3A_252 : vector<1x16xf32> to vector<16xf32>
      %swap3A_254 = vector.shape_cast %add3A_249 : vector<16xf32> to vector<1x16xf32>
      tpu.vector_store %arg13[%swap3A_250, %swap3A_251], %swap3A_254 {strides = array<i32>} : memref<80x128xf32, #tpu.memory_space<vmem>>, vector<1x16xf32>,
    }
    %scan3A_47 = arith.constant 80 : i32
    %dma_start3A_48 = arith.constant 2 : i32
    %dma_start3A_49 = arith.constant 0 : i32
    %dma_start3A_50 = tpu.memref_slice %arg7[%dma_start3A_48, %dma_start3A_49] : memref<125x80xi32, #tpu.memory_space<vmem>> -> memref<1x80xi32, #tpu.memory_space<vmem>>
    %dma_start3A_51 = tpu.memref_squeeze %dma_start3A_50 : memref<1x80xi32, #tpu.memory_space<vmem>> -> memref<80xi32, #tpu.memory_space<vmem>>
    %dma_start3A_52 = arith.constant 0 : i32
    %dma_start3A_53 = arith.constant 0 : i32
    %dma_start3A_54 = tpu.memref_slice %arg2[%dma_start3A_52, %dma_start3A_53] : memref<10000x128xf32, #tpu.memory_space<hbm>> -> memref<10000x128xf32, #tpu.memory_space<hbm>>
    tpu.enqueue_indirect_dma source(%dma_start3A_54 : memref<10000x128xf32, #tpu.memory_space<hbm>>) target(%arg9 : memref<80x128xf32, #tpu.memory_space<vmem>>) offsets(%dma_start3A_51 : memref<80xi32, #tpu.memory_space<vmem>>) semaphore(%arg15 : memref<!tpu.dma_semaphore, #tpu.memory_space<semaphore_mem>>)
    %dma_start3A_55 = arith.constant 2 : i32
    %dma_start3A_56 = arith.constant 0 : i32
    %dma_start3A_57 = tpu.memref_slice %arg8[%dma_start3A_55, %dma_start3A_56] : memref<125x80xi32, #tpu.memory_space<vmem>> -> memref<1x80xi32, #tpu.memory_space<vmem>>
    %dma_start3A_58 = tpu.memref_squeeze %dma_start3A_57 : memref<1x80xi32, #tpu.memory_space<vmem>> -> memref<80xi32, #tpu.memory_space<vmem>>
    %dma_start3A_59 = arith.constant 0 : i32
    %dma_start3A_60 = arith.constant 0 : i32
    %dma_start3A_61 = tpu.memref_slice %arg3[%dma_start3A_59, %dma_start3A_60] : memref<10000x128xf32, #tpu.memory_space<hbm>> -> memref<10000x128xf32, #tpu.memory_space<hbm>>
    tpu.enqueue_indirect_dma source(%dma_start3A_61 : memref<10000x128xf32, #tpu.memory_space<hbm>>) target(%arg11 : memref<80x128xf32, #tpu.memory_space<vmem>>) offsets(%dma_start3A_58 : memref<80xi32, #tpu.memory_space<vmem>>) semaphore(%arg17 : memref<!tpu.dma_semaphore, #tpu.memory_space<semaphore_mem>>)
    %add3A_62 = arith.constant 0 : i32
    %add3A_63 = arith.addi %mul3A_2, %add3A_62 : i32
    %dma_start3A_64 = arith.constant 0 : i32
    %dma_start3A_65 = tpu.memref_slice %arg6[%add3A_63, %dma_start3A_64] : memref<320000x128xf32, #tpu.memory_space<hbm>> -> memref<80x128xf32, #tpu.memory_space<hbm>>
    %dma_start3A_66 = arith.constant 0 : i32
    %dma_start3A_67 = tpu.memref_slice %arg6[%add3A_63, %dma_start3A_66] : memref<320000x128xf32, #tpu.memory_space<hbm>> -> memref<80x128xf32, #tpu.memory_space<hbm>>
    tpu.enqueue_dma source(%arg13 : memref<80x128xf32, #tpu.memory_space<vmem>>) target(%dma_start3A_67 : memref<80x128xf32, #tpu.memory_space<hbm>>) target_semaphore(%arg19 : memref<!tpu.dma_semaphore, #tpu.memory_space<semaphore_mem>>)
    %dma_wait3A_68 = arith.constant 1 : i32
    %dma_wait3A_69 = arith.constant 0 : i32
    %dma_wait3A_70 = tpu.memref_slice %arg7[%dma_wait3A_68, %dma_wait3A_69] : memref<125x80xi32, #tpu.memory_space<vmem>> -> memref<1x80xi32, #tpu.memory_space<vmem>>
    %dma_wait3A_71 = tpu.memref_squeeze %dma_wait3A_70 : memref<1x80xi32, #tpu.memory_space<vmem>> -> memref<80xi32, #tpu.memory_space<vmem>>
    %dma_wait3A_72 = arith.constant 0 : i32
    %dma_wait3A_73 = arith.constant 0 : i32
    %dma_wait3A_74 = tpu.memref_slice %arg2[%dma_wait3A_72, %dma_wait3A_73] : memref<10000x128xf32, #tpu.memory_space<hbm>> -> memref<10000x128xf32, #tpu.memory_space<hbm>>
    tpu.wait_indirect_dma semaphore(%arg16 : memref<!tpu.dma_semaphore, #tpu.memory_space<semaphore_mem>>) src(%dma_wait3A_74 : memref<10000x128xf32, #tpu.memory_space<hbm>>) dst(%arg10 : memref<80x128xf32, #tpu.memory_space<vmem>>)
    %dma_wait3A_75 = arith.constant 1 : i32
    %dma_wait3A_76 = arith.constant 0 : i32
    %dma_wait3A_77 = tpu.memref_slice %arg8[%dma_wait3A_75, %dma_wait3A_76] : memref<125x80xi32, #tpu.memory_space<vmem>> -> memref<1x80xi32, #tpu.memory_space<vmem>>
    %dma_wait3A_78 = tpu.memref_squeeze %dma_wait3A_77 : memref<1x80xi32, #tpu.memory_space<vmem>> -> memref<80xi32, #tpu.memory_space<vmem>>
    %dma_wait3A_79 = arith.constant 0 : i32
    %dma_wait3A_80 = arith.constant 0 : i32
    %dma_wait3A_81 = tpu.memref_slice %arg3[%dma_wait3A_79, %dma_wait3A_80] : memref<10000x128xf32, #tpu.memory_space<hbm>> -> memref<10000x128xf32, #tpu.memory_space<hbm>>
    tpu.wait_indirect_dma semaphore(%arg18 : memref<!tpu.dma_semaphore, #tpu.memory_space<semaphore_mem>>) src(%dma_wait3A_81 : memref<10000x128xf32, #tpu.memory_space<hbm>>) dst(%arg12 : memref<80x128xf32, #tpu.memory_space<vmem>>)
    %scan3A_82 = arith.constant 0 : i32
    %scan3A_83 = arith.constant 0 : i32
    %scan3A_84 = arith.constant 80 : i32
    %scan3A_85 = arith.addi %scan3A_83, %scan3A_84 : i32
    %scan3A_86 = arith.constant 1 : i32
    scf.for %scan3A_144 = %scan3A_83 to %scan3A_85 step %scan3A_86  : i32 {
      %get3A = arith.index_cast %scan3A_144 : i32 to index
      %get3A_145 = arith.constant 0 : index
      %get3A_146 = tpu.vector_load %arg10[%get3A, %get3A_145] {strides = array<i32>} : memref<80x128xf32, #tpu.memory_space<vmem>>, vector<1x16xf32>,
      %get3A_147 = vector.shape_cast %get3A_146 : vector<1x16xf32> to vector<16xf32>
      %get3A_148 = arith.index_cast %scan3A_144 : i32 to index
      %get3A_149 = arith.constant 0 : index
      %get3A_150 = tpu.vector_load %arg12[%get3A_148, %get3A_149] {strides = array<i32>} : memref<80x128xf32, #tpu.memory_space<vmem>>, vector<1x16xf32>,
      %get3A_151 = vector.shape_cast %get3A_150 : vector<1x16xf32> to vector<16xf32>
      %add3A_152 = arith.addf %get3A_147, %get3A_151 : vector<16xf32>
      %swap3A = arith.index_cast %scan3A_144 : i32 to index
      %swap3A_153 = arith.constant 0 : index
      %swap3A_154 = tpu.vector_load %arg14[%swap3A, %swap3A_153] {strides = array<i32>} : memref<80x128xf32, #tpu.memory_space<vmem>>, vector<1x16xf32>,
      %swap3A_155 = vector.shape_cast %swap3A_154 : vector<1x16xf32> to vector<16xf32>
      %swap3A_156 = vector.shape_cast %add3A_152 : vector<16xf32> to vector<1x16xf32>
      tpu.vector_store %arg14[%swap3A, %swap3A_153], %swap3A_156 {strides = array<i32>} : memref<80x128xf32, #tpu.memory_space<vmem>>, vector<1x16xf32>,
      %get3A_157 = arith.index_cast %scan3A_144 : i32 to index
      %get3A_158 = arith.constant 16 : index
      %get3A_159 = tpu.vector_load %arg10[%get3A_157, %get3A_158] {strides = array<i32>} : memref<80x128xf32, #tpu.memory_space<vmem>>, vector<1x16xf32>,
      %get3A_160 = vector.shape_cast %get3A_159 : vector<1x16xf32> to vector<16xf32>
      %get3A_161 = arith.index_cast %scan3A_144 : i32 to index
      %get3A_162 = arith.constant 16 : index
      %get3A_163 = tpu.vector_load %arg12[%get3A_161, %get3A_162] {strides = array<i32>} : memref<80x128xf32, #tpu.memory_space<vmem>>, vector<1x16xf32>,
      %get3A_164 = vector.shape_cast %get3A_163 : vector<1x16xf32> to vector<16xf32>
      %add3A_165 = arith.addf %get3A_160, %get3A_164 : vector<16xf32>
      %swap3A_166 = arith.index_cast %scan3A_144 : i32 to index
      %swap3A_167 = arith.constant 16 : index
      %swap3A_168 = tpu.vector_load %arg14[%swap3A_166, %swap3A_167] {strides = array<i32>} : memref<80x128xf32, #tpu.memory_space<vmem>>, vector<1x16xf32>,
      %swap3A_169 = vector.shape_cast %swap3A_168 : vector<1x16xf32> to vector<16xf32>
      %swap3A_170 = vector.shape_cast %add3A_165 : vector<16xf32> to vector<1x16xf32>
      tpu.vector_store %arg14[%swap3A_166, %swap3A_167], %swap3A_170 {strides = array<i32>} : memref<80x128xf32, #tpu.memory_space<vmem>>, vector<1x16xf32>,
      %get3A_171 = arith.index_cast %scan3A_144 : i32 to index
      %get3A_172 = arith.constant 32 : index
      %get3A_173 = tpu.vector_load %arg10[%get3A_171, %get3A_172] {strides = array<i32>} : memref<80x128xf32, #tpu.memory_space<vmem>>, vector<1x16xf32>,
      %get3A_174 = vector.shape_cast %get3A_173 : vector<1x16xf32> to vector<16xf32>
      %get3A_175 = arith.index_cast %scan3A_144 : i32 to index
      %get3A_176 = arith.constant 32 : index
      %get3A_177 = tpu.vector_load %arg12[%get3A_175, %get3A_176] {strides = array<i32>} : memref<80x128xf32, #tpu.memory_space<vmem>>, vector<1x16xf32>,
      %get3A_178 = vector.shape_cast %get3A_177 : vector<1x16xf32> to vector<16xf32>
      %add3A_179 = arith.addf %get3A_174, %get3A_178 : vector<16xf32>
      %swap3A_180 = arith.index_cast %scan3A_144 : i32 to index
      %swap3A_181 = arith.constant 32 : index
      %swap3A_182 = tpu.vector_load %arg14[%swap3A_180, %swap3A_181] {strides = array<i32>} : memref<80x128xf32, #tpu.memory_space<vmem>>, vector<1x16xf32>,
      %swap3A_183 = vector.shape_cast %swap3A_182 : vector<1x16xf32> to vector<16xf32>
      %swap3A_184 = vector.shape_cast %add3A_179 : vector<16xf32> to vector<1x16xf32>
      tpu.vector_store %arg14[%swap3A_180, %swap3A_181], %swap3A_184 {strides = array<i32>} : memref<80x128xf32, #tpu.memory_space<vmem>>, vector<1x16xf32>,
      %get3A_185 = arith.index_cast %scan3A_144 : i32 to index
      %get3A_186 = arith.constant 48 : index
      %get3A_187 = tpu.vector_load %arg10[%get3A_185, %get3A_186] {strides = array<i32>} : memref<80x128xf32, #tpu.memory_space<vmem>>, vector<1x16xf32>,
      %get3A_188 = vector.shape_cast %get3A_187 : vector<1x16xf32> to vector<16xf32>
      %get3A_189 = arith.index_cast %scan3A_144 : i32 to index
      %get3A_190 = arith.constant 48 : index
      %get3A_191 = tpu.vector_load %arg12[%get3A_189, %get3A_190] {strides = array<i32>} : memref<80x128xf32, #tpu.memory_space<vmem>>, vector<1x16xf32>,
      %get3A_192 = vector.shape_cast %get3A_191 : vector<1x16xf32> to vector<16xf32>
      %add3A_193 = arith.addf %get3A_188, %get3A_192 : vector<16xf32>
      %swap3A_194 = arith.index_cast %scan3A_144 : i32 to index
      %swap3A_195 = arith.constant 48 : index
      %swap3A_196 = tpu.vector_load %arg14[%swap3A_194, %swap3A_195] {strides = array<i32>} : memref<80x128xf32, #tpu.memory_space<vmem>>, vector<1x16xf32>,
      %swap3A_197 = vector.shape_cast %swap3A_196 : vector<1x16xf32> to vector<16xf32>
      %swap3A_198 = vector.shape_cast %add3A_193 : vector<16xf32> to vector<1x16xf32>
      tpu.vector_store %arg14[%swap3A_194, %swap3A_195], %swap3A_198 {strides = array<i32>} : memref<80x128xf32, #tpu.memory_space<vmem>>, vector<1x16xf32>,
      %get3A_199 = arith.index_cast %scan3A_144 : i32 to index
      %get3A_200 = arith.constant 64 : index
      %get3A_201 = tpu.vector_load %arg10[%get3A_199, %get3A_200] {strides = array<i32>} : memref<80x128xf32, #tpu.memory_space<vmem>>, vector<1x16xf32>,
      %get3A_202 = vector.shape_cast %get3A_201 : vector<1x16xf32> to vector<16xf32>
      %get3A_203 = arith.index_cast %scan3A_144 : i32 to index
      %get3A_204 = arith.constant 64 : index
      %get3A_205 = tpu.vector_load %arg12[%get3A_203, %get3A_204] {strides = array<i32>} : memref<80x128xf32, #tpu.memory_space<vmem>>, vector<1x16xf32>,
      %get3A_206 = vector.shape_cast %get3A_205 : vector<1x16xf32> to vector<16xf32>
      %add3A_207 = arith.addf %get3A_202, %get3A_206 : vector<16xf32>
      %swap3A_208 = arith.index_cast %scan3A_144 : i32 to index
      %swap3A_209 = arith.constant 64 : index
      %swap3A_210 = tpu.vector_load %arg14[%swap3A_208, %swap3A_209] {strides = array<i32>} : memref<80x128xf32, #tpu.memory_space<vmem>>, vector<1x16xf32>,
      %swap3A_211 = vector.shape_cast %swap3A_210 : vector<1x16xf32> to vector<16xf32>
      %swap3A_212 = vector.shape_cast %add3A_207 : vector<16xf32> to vector<1x16xf32>
      tpu.vector_store %arg14[%swap3A_208, %swap3A_209], %swap3A_212 {strides = array<i32>} : memref<80x128xf32, #tpu.memory_space<vmem>>, vector<1x16xf32>,
      %get3A_213 = arith.index_cast %scan3A_144 : i32 to index
      %get3A_214 = arith.constant 80 : index
      %get3A_215 = tpu.vector_load %arg10[%get3A_213, %get3A_214] {strides = array<i32>} : memref<80x128xf32, #tpu.memory_space<vmem>>, vector<1x16xf32>,
      %get3A_216 = vector.shape_cast %get3A_215 : vector<1x16xf32> to vector<16xf32>
      %get3A_217 = arith.index_cast %scan3A_144 : i32 to index
      %get3A_218 = arith.constant 80 : index
      %get3A_219 = tpu.vector_load %arg12[%get3A_217, %get3A_218] {strides = array<i32>} : memref<80x128xf32, #tpu.memory_space<vmem>>, vector<1x16xf32>,
      %get3A_220 = vector.shape_cast %get3A_219 : vector<1x16xf32> to vector<16xf32>
      %add3A_221 = arith.addf %get3A_216, %get3A_220 : vector<16xf32>
      %swap3A_222 = arith.index_cast %scan3A_144 : i32 to index
      %swap3A_223 = arith.constant 80 : index
      %swap3A_224 = tpu.vector_load %arg14[%swap3A_222, %swap3A_223] {strides = array<i32>} : memref<80x128xf32, #tpu.memory_space<vmem>>, vector<1x16xf32>,
      %swap3A_225 = vector.shape_cast %swap3A_224 : vector<1x16xf32> to vector<16xf32>
      %swap3A_226 = vector.shape_cast %add3A_221 : vector<16xf32> to vector<1x16xf32>
      tpu.vector_store %arg14[%swap3A_222, %swap3A_223], %swap3A_226 {strides = array<i32>} : memref<80x128xf32, #tpu.memory_space<vmem>>, vector<1x16xf32>,
      %get3A_227 = arith.index_cast %scan3A_144 : i32 to index
      %get3A_228 = arith.constant 96 : index
      %get3A_229 = tpu.vector_load %arg10[%get3A_227, %get3A_228] {strides = array<i32>} : memref<80x128xf32, #tpu.memory_space<vmem>>, vector<1x16xf32>,
      %get3A_230 = vector.shape_cast %get3A_229 : vector<1x16xf32> to vector<16xf32>
      %get3A_231 = arith.index_cast %scan3A_144 : i32 to index
      %get3A_232 = arith.constant 96 : index
      %get3A_233 = tpu.vector_load %arg12[%get3A_231, %get3A_232] {strides = array<i32>} : memref<80x128xf32, #tpu.memory_space<vmem>>, vector<1x16xf32>,
      %get3A_234 = vector.shape_cast %get3A_233 : vector<1x16xf32> to vector<16xf32>
      %add3A_235 = arith.addf %get3A_230, %get3A_234 : vector<16xf32>
      %swap3A_236 = arith.index_cast %scan3A_144 : i32 to index
      %swap3A_237 = arith.constant 96 : index
      %swap3A_238 = tpu.vector_load %arg14[%swap3A_236, %swap3A_237] {strides = array<i32>} : memref<80x128xf32, #tpu.memory_space<vmem>>, vector<1x16xf32>,
      %swap3A_239 = vector.shape_cast %swap3A_238 : vector<1x16xf32> to vector<16xf32>
      %swap3A_240 = vector.shape_cast %add3A_235 : vector<16xf32> to vector<1x16xf32>
      tpu.vector_store %arg14[%swap3A_236, %swap3A_237], %swap3A_240 {strides = array<i32>} : memref<80x128xf32, #tpu.memory_space<vmem>>, vector<1x16xf32>,
      %get3A_241 = arith.index_cast %scan3A_144 : i32 to index
      %get3A_242 = arith.constant 112 : index
      %get3A_243 = tpu.vector_load %arg10[%get3A_241, %get3A_242] {strides = array<i32>} : memref<80x128xf32, #tpu.memory_space<vmem>>, vector<1x16xf32>,
      %get3A_244 = vector.shape_cast %get3A_243 : vector<1x16xf32> to vector<16xf32>
      %get3A_245 = arith.index_cast %scan3A_144 : i32 to index
      %get3A_246 = arith.constant 112 : index
      %get3A_247 = tpu.vector_load %arg12[%get3A_245, %get3A_246] {strides = array<i32>} : memref<80x128xf32, #tpu.memory_space<vmem>>, vector<1x16xf32>,
      %get3A_248 = vector.shape_cast %get3A_247 : vector<1x16xf32> to vector<16xf32>
      %add3A_249 = arith.addf %get3A_244, %get3A_248 : vector<16xf32>
      %swap3A_250 = arith.index_cast %scan3A_144 : i32 to index
      %swap3A_251 = arith.constant 112 : index
      %swap3A_252 = tpu.vector_load %arg14[%swap3A_250, %swap3A_251] {strides = array<i32>} : memref<80x128xf32, #tpu.memory_space<vmem>>, vector<1x16xf32>,
      %swap3A_253 = vector.shape_cast %swap3A_252 : vector<1x16xf32> to vector<16xf32>
      %swap3A_254 = vector.shape_cast %add3A_249 : vector<16xf32> to vector<1x16xf32>
      tpu.vector_store %arg14[%swap3A_250, %swap3A_251], %swap3A_254 {strides = array<i32>} : memref<80x128xf32, #tpu.memory_space<vmem>>, vector<1x16xf32>,
    }
    %scan3A_87 = arith.constant 80 : i32
    %dma_start3A_88 = arith.constant 3 : i32
    %dma_start3A_89 = arith.constant 0 : i32
    %dma_start3A_90 = tpu.memref_slice %arg7[%dma_start3A_88, %dma_start3A_89] : memref<125x80xi32, #tpu.memory_space<vmem>> -> memref<1x80xi32, #tpu.memory_space<vmem>>
    %dma_start3A_91 = tpu.memref_squeeze %dma_start3A_90 : memref<1x80xi32, #tpu.memory_space<vmem>> -> memref<80xi32, #tpu.memory_space<vmem>>
    %dma_start3A_92 = arith.constant 0 : i32
    %dma_start3A_93 = arith.constant 0 : i32
    %dma_start3A_94 = tpu.memref_slice %arg2[%dma_start3A_92, %dma_start3A_93] : memref<10000x128xf32, #tpu.memory_space<hbm>> -> memref<10000x128xf32, #tpu.memory_space<hbm>>
    tpu.enqueue_indirect_dma source(%dma_start3A_94 : memref<10000x128xf32, #tpu.memory_space<hbm>>) target(%arg10 : memref<80x128xf32, #tpu.memory_space<vmem>>) offsets(%dma_start3A_91 : memref<80xi32, #tpu.memory_space<vmem>>) semaphore(%arg16 : memref<!tpu.dma_semaphore, #tpu.memory_space<semaphore_mem>>)
    %dma_start3A_95 = arith.constant 3 : i32
    %dma_start3A_96 = arith.constant 0 : i32
    %dma_start3A_97 = tpu.memref_slice %arg8[%dma_start3A_95, %dma_start3A_96] : memref<125x80xi32, #tpu.memory_space<vmem>> -> memref<1x80xi32, #tpu.memory_space<vmem>>
    %dma_start3A_98 = tpu.memref_squeeze %dma_start3A_97 : memref<1x80xi32, #tpu.memory_space<vmem>> -> memref<80xi32, #tpu.memory_space<vmem>>
    %dma_start3A_99 = arith.constant 0 : i32
    %dma_start3A_100 = arith.constant 0 : i32
    %dma_start3A_101 = tpu.memref_slice %arg3[%dma_start3A_99, %dma_start3A_100] : memref<10000x128xf32, #tpu.memory_space<hbm>> -> memref<10000x128xf32, #tpu.memory_space<hbm>>
    tpu.enqueue_indirect_dma source(%dma_start3A_101 : memref<10000x128xf32, #tpu.memory_space<hbm>>) target(%arg12 : memref<80x128xf32, #tpu.memory_space<vmem>>) offsets(%dma_start3A_98 : memref<80xi32, #tpu.memory_space<vmem>>) semaphore(%arg18 : memref<!tpu.dma_semaphore, #tpu.memory_space<semaphore_mem>>)
    %add3A_102 = arith.constant 80 : i32
    %add3A_103 = arith.addi %mul3A_2, %add3A_102 : i32
    %dma_start3A_104 = arith.constant 0 : i32
    %dma_start3A_105 = tpu.memref_slice %arg6[%add3A_103, %dma_start3A_104] : memref<320000x128xf32, #tpu.memory_space<hbm>> -> memref<80x128xf32, #tpu.memory_space<hbm>>
    %dma_start3A_106 = arith.constant 0 : i32
    %dma_start3A_107 = tpu.memref_slice %arg6[%add3A_103, %dma_start3A_106] : memref<320000x128xf32, #tpu.memory_space<hbm>> -> memref<80x128xf32, #tpu.memory_space<hbm>>
    tpu.enqueue_dma source(%arg14 : memref<80x128xf32, #tpu.memory_space<vmem>>) target(%dma_start3A_107 : memref<80x128xf32, #tpu.memory_space<hbm>>) target_semaphore(%arg20 : memref<!tpu.dma_semaphore, #tpu.memory_space<semaphore_mem>>)
    %scan3A_108 = arith.constant 0 : i32
    %scan3A_109 = arith.constant 1 : i32
    %scan3A_110 = arith.constant 61 : i32
    %scan3A_111 = arith.addi %scan3A_109, %scan3A_110 : i32
    %scan3A_112 = arith.constant 1 : i32
    scf.for %scan3A_144 = %scan3A_109 to %scan3A_111 step %scan3A_112  : i32 {
      %mul3A_145 = arith.constant 2 : i32
      %mul3A_146 = arith.muli %mul3A_145, %scan3A_144 : i32
      %dma_wait3A_147 = arith.constant 0 : i32
      %dma_wait3A_148 = tpu.memref_slice %arg7[%mul3A_146, %dma_wait3A_147] : memref<125x80xi32, #tpu.memory_space<vmem>> -> memref<1x80xi32, #tpu.memory_space<vmem>>
      %dma_wait3A_149 = tpu.memref_squeeze %dma_wait3A_148 : memref<1x80xi32, #tpu.memory_space<vmem>> -> memref<80xi32, #tpu.memory_space<vmem>>
      %dma_wait3A_150 = arith.constant 0 : i32
      %dma_wait3A_151 = arith.constant 0 : i32
      %dma_wait3A_152 = tpu.memref_slice %arg2[%dma_wait3A_150, %dma_wait3A_151] : memref<10000x128xf32, #tpu.memory_space<hbm>> -> memref<10000x128xf32, #tpu.memory_space<hbm>>
      tpu.wait_indirect_dma semaphore(%arg15 : memref<!tpu.dma_semaphore, #tpu.memory_space<semaphore_mem>>) src(%dma_wait3A_152 : memref<10000x128xf32, #tpu.memory_space<hbm>>) dst(%arg9 : memref<80x128xf32, #tpu.memory_space<vmem>>)
      %dma_wait3A_153 = arith.constant 0 : i32
      %dma_wait3A_154 = tpu.memref_slice %arg8[%mul3A_146, %dma_wait3A_153] : memref<125x80xi32, #tpu.memory_space<vmem>> -> memref<1x80xi32, #tpu.memory_space<vmem>>
      %dma_wait3A_155 = tpu.memref_squeeze %dma_wait3A_154 : memref<1x80xi32, #tpu.memory_space<vmem>> -> memref<80xi32, #tpu.memory_space<vmem>>
      %dma_wait3A_156 = arith.constant 0 : i32
      %dma_wait3A_157 = arith.constant 0 : i32
      %dma_wait3A_158 = tpu.memref_slice %arg3[%dma_wait3A_156, %dma_wait3A_157] : memref<10000x128xf32, #tpu.memory_space<hbm>> -> memref<10000x128xf32, #tpu.memory_space<hbm>>
      tpu.wait_indirect_dma semaphore(%arg17 : memref<!tpu.dma_semaphore, #tpu.memory_space<semaphore_mem>>) src(%dma_wait3A_158 : memref<10000x128xf32, #tpu.memory_space<hbm>>) dst(%arg11 : memref<80x128xf32, #tpu.memory_space<vmem>>)
      %dma_wait3A_159 = arith.constant 0 : i32
      %dma_wait3A_160 = tpu.memref_slice %arg6[%mul3A_2, %dma_wait3A_159] : memref<320000x128xf32, #tpu.memory_space<hbm>> -> memref<80x128xf32, #tpu.memory_space<hbm>>
      %dma_wait3A_161 = arith.constant 0 : i32
      %dma_wait3A_162 = tpu.memref_slice %arg6[%mul3A_2, %dma_wait3A_161] : memref<320000x128xf32, #tpu.memory_space<hbm>> -> memref<80x128xf32, #tpu.memory_space<hbm>>
      tpu.wait_dma2 semaphore(%arg19 : memref<!tpu.dma_semaphore, #tpu.memory_space<semaphore_mem>>) src(%arg13 : memref<80x128xf32, #tpu.memory_space<vmem>>) dst(%dma_wait3A_162 : memref<80x128xf32, #tpu.memory_space<hbm>>)
      %scan3A_163 = arith.constant 0 : i32
      %scan3A_164 = arith.constant 0 : i32
      %scan3A_165 = arith.constant 80 : i32
      %scan3A_166 = arith.addi %scan3A_164, %scan3A_165 : i32
      %scan3A_167 = arith.constant 1 : i32
      scf.for %scan3A_220 = %scan3A_164 to %scan3A_166 step %scan3A_167  : i32 {
        %get3A = arith.index_cast %scan3A_220 : i32 to index
        %get3A_221 = arith.constant 0 : index
        %get3A_222 = tpu.vector_load %arg9[%get3A, %get3A_221] {strides = array<i32>} : memref<80x128xf32, #tpu.memory_space<vmem>>, vector<1x16xf32>,
        %get3A_223 = vector.shape_cast %get3A_222 : vector<1x16xf32> to vector<16xf32>
        %get3A_224 = arith.index_cast %scan3A_220 : i32 to index
        %get3A_225 = arith.constant 0 : index
        %get3A_226 = tpu.vector_load %arg11[%get3A_224, %get3A_225] {strides = array<i32>} : memref<80x128xf32, #tpu.memory_space<vmem>>, vector<1x16xf32>,
        %get3A_227 = vector.shape_cast %get3A_226 : vector<1x16xf32> to vector<16xf32>
        %add3A_228 = arith.addf %get3A_223, %get3A_227 : vector<16xf32>
        %swap3A = arith.index_cast %scan3A_220 : i32 to index
        %swap3A_229 = arith.constant 0 : index
        %swap3A_230 = tpu.vector_load %arg13[%swap3A, %swap3A_229] {strides = array<i32>} : memref<80x128xf32, #tpu.memory_space<vmem>>, vector<1x16xf32>,
        %swap3A_231 = vector.shape_cast %swap3A_230 : vector<1x16xf32> to vector<16xf32>
        %swap3A_232 = vector.shape_cast %add3A_228 : vector<16xf32> to vector<1x16xf32>
        tpu.vector_store %arg13[%swap3A, %swap3A_229], %swap3A_232 {strides = array<i32>} : memref<80x128xf32, #tpu.memory_space<vmem>>, vector<1x16xf32>,
        %get3A_233 = arith.index_cast %scan3A_220 : i32 to index
        %get3A_234 = arith.constant 16 : index
        %get3A_235 = tpu.vector_load %arg9[%get3A_233, %get3A_234] {strides = array<i32>} : memref<80x128xf32, #tpu.memory_space<vmem>>, vector<1x16xf32>,
        %get3A_236 = vector.shape_cast %get3A_235 : vector<1x16xf32> to vector<16xf32>
        %get3A_237 = arith.index_cast %scan3A_220 : i32 to index
        %get3A_238 = arith.constant 16 : index
        %get3A_239 = tpu.vector_load %arg11[%get3A_237, %get3A_238] {strides = array<i32>} : memref<80x128xf32, #tpu.memory_space<vmem>>, vector<1x16xf32>,
        %get3A_240 = vector.shape_cast %get3A_239 : vector<1x16xf32> to vector<16xf32>
        %add3A_241 = arith.addf %get3A_236, %get3A_240 : vector<16xf32>
        %swap3A_242 = arith.index_cast %scan3A_220 : i32 to index
        %swap3A_243 = arith.constant 16 : index
        %swap3A_244 = tpu.vector_load %arg13[%swap3A_242, %swap3A_243] {strides = array<i32>} : memref<80x128xf32, #tpu.memory_space<vmem>>, vector<1x16xf32>,
        %swap3A_245 = vector.shape_cast %swap3A_244 : vector<1x16xf32> to vector<16xf32>
        %swap3A_246 = vector.shape_cast %add3A_241 : vector<16xf32> to vector<1x16xf32>
        tpu.vector_store %arg13[%swap3A_242, %swap3A_243], %swap3A_246 {strides = array<i32>} : memref<80x128xf32, #tpu.memory_space<vmem>>, vector<1x16xf32>,
        %get3A_247 = arith.index_cast %scan3A_220 : i32 to index
        %get3A_248 = arith.constant 32 : index
        %get3A_249 = tpu.vector_load %arg9[%get3A_247, %get3A_248] {strides = array<i32>} : memref<80x128xf32, #tpu.memory_space<vmem>>, vector<1x16xf32>,
        %get3A_250 = vector.shape_cast %get3A_249 : vector<1x16xf32> to vector<16xf32>
        %get3A_251 = arith.index_cast %scan3A_220 : i32 to index
        %get3A_252 = arith.constant 32 : index
        %get3A_253 = tpu.vector_load %arg11[%get3A_251, %get3A_252] {strides = array<i32>} : memref<80x128xf32, #tpu.memory_space<vmem>>, vector<1x16xf32>,
        %get3A_254 = vector.shape_cast %get3A_253 : vector<1x16xf32> to vector<16xf32>
        %add3A_255 = arith.addf %get3A_250, %get3A_254 : vector<16xf32>
        %swap3A_256 = arith.index_cast %scan3A_220 : i32 to index
        %swap3A_257 = arith.constant 32 : index
        %swap3A_258 = tpu.vector_load %arg13[%swap3A_256, %swap3A_257] {strides = array<i32>} : memref<80x128xf32, #tpu.memory_space<vmem>>, vector<1x16xf32>,
        %swap3A_259 = vector.shape_cast %swap3A_258 : vector<1x16xf32> to vector<16xf32>
        %swap3A_260 = vector.shape_cast %add3A_255 : vector<16xf32> to vector<1x16xf32>
        tpu.vector_store %arg13[%swap3A_256, %swap3A_257], %swap3A_260 {strides = array<i32>} : memref<80x128xf32, #tpu.memory_space<vmem>>, vector<1x16xf32>,
        %get3A_261 = arith.index_cast %scan3A_220 : i32 to index
        %get3A_262 = arith.constant 48 : index
        %get3A_263 = tpu.vector_load %arg9[%get3A_261, %get3A_262] {strides = array<i32>} : memref<80x128xf32, #tpu.memory_space<vmem>>, vector<1x16xf32>,
        %get3A_264 = vector.shape_cast %get3A_263 : vector<1x16xf32> to vector<16xf32>
        %get3A_265 = arith.index_cast %scan3A_220 : i32 to index
        %get3A_266 = arith.constant 48 : index
        %get3A_267 = tpu.vector_load %arg11[%get3A_265, %get3A_266] {strides = array<i32>} : memref<80x128xf32, #tpu.memory_space<vmem>>, vector<1x16xf32>,
        %get3A_268 = vector.shape_cast %get3A_267 : vector<1x16xf32> to vector<16xf32>
        %add3A_269 = arith.addf %get3A_264, %get3A_268 : vector<16xf32>
        %swap3A_270 = arith.index_cast %scan3A_220 : i32 to index
        %swap3A_271 = arith.constant 48 : index
        %swap3A_272 = tpu.vector_load %arg13[%swap3A_270, %swap3A_271] {strides = array<i32>} : memref<80x128xf32, #tpu.memory_space<vmem>>, vector<1x16xf32>,
        %swap3A_273 = vector.shape_cast %swap3A_272 : vector<1x16xf32> to vector<16xf32>
        %swap3A_274 = vector.shape_cast %add3A_269 : vector<16xf32> to vector<1x16xf32>
        tpu.vector_store %arg13[%swap3A_270, %swap3A_271], %swap3A_274 {strides = array<i32>} : memref<80x128xf32, #tpu.memory_space<vmem>>, vector<1x16xf32>,
        %get3A_275 = arith.index_cast %scan3A_220 : i32 to index
        %get3A_276 = arith.constant 64 : index
        %get3A_277 = tpu.vector_load %arg9[%get3A_275, %get3A_276] {strides = array<i32>} : memref<80x128xf32, #tpu.memory_space<vmem>>, vector<1x16xf32>,
        %get3A_278 = vector.shape_cast %get3A_277 : vector<1x16xf32> to vector<16xf32>
        %get3A_279 = arith.index_cast %scan3A_220 : i32 to index
        %get3A_280 = arith.constant 64 : index
        %get3A_281 = tpu.vector_load %arg11[%get3A_279, %get3A_280] {strides = array<i32>} : memref<80x128xf32, #tpu.memory_space<vmem>>, vector<1x16xf32>,
        %get3A_282 = vector.shape_cast %get3A_281 : vector<1x16xf32> to vector<16xf32>
        %add3A_283 = arith.addf %get3A_278, %get3A_282 : vector<16xf32>
        %swap3A_284 = arith.index_cast %scan3A_220 : i32 to index
        %swap3A_285 = arith.constant 64 : index
        %swap3A_286 = tpu.vector_load %arg13[%swap3A_284, %swap3A_285] {strides = array<i32>} : memref<80x128xf32, #tpu.memory_space<vmem>>, vector<1x16xf32>,
        %swap3A_287 = vector.shape_cast %swap3A_286 : vector<1x16xf32> to vector<16xf32>
        %swap3A_288 = vector.shape_cast %add3A_283 : vector<16xf32> to vector<1x16xf32>
        tpu.vector_store %arg13[%swap3A_284, %swap3A_285], %swap3A_288 {strides = array<i32>} : memref<80x128xf32, #tpu.memory_space<vmem>>, vector<1x16xf32>,
        %get3A_289 = arith.index_cast %scan3A_220 : i32 to index
        %get3A_290 = arith.constant 80 : index
        %get3A_291 = tpu.vector_load %arg9[%get3A_289, %get3A_290] {strides = array<i32>} : memref<80x128xf32, #tpu.memory_space<vmem>>, vector<1x16xf32>,
        %get3A_292 = vector.shape_cast %get3A_291 : vector<1x16xf32> to vector<16xf32>
        %get3A_293 = arith.index_cast %scan3A_220 : i32 to index
        %get3A_294 = arith.constant 80 : index
        %get3A_295 = tpu.vector_load %arg11[%get3A_293, %get3A_294] {strides = array<i32>} : memref<80x128xf32, #tpu.memory_space<vmem>>, vector<1x16xf32>,
        %get3A_296 = vector.shape_cast %get3A_295 : vector<1x16xf32> to vector<16xf32>
        %add3A_297 = arith.addf %get3A_292, %get3A_296 : vector<16xf32>
        %swap3A_298 = arith.index_cast %scan3A_220 : i32 to index
        %swap3A_299 = arith.constant 80 : index
        %swap3A_300 = tpu.vector_load %arg13[%swap3A_298, %swap3A_299] {strides = array<i32>} : memref<80x128xf32, #tpu.memory_space<vmem>>, vector<1x16xf32>,
        %swap3A_301 = vector.shape_cast %swap3A_300 : vector<1x16xf32> to vector<16xf32>
        %swap3A_302 = vector.shape_cast %add3A_297 : vector<16xf32> to vector<1x16xf32>
        tpu.vector_store %arg13[%swap3A_298, %swap3A_299], %swap3A_302 {strides = array<i32>} : memref<80x128xf32, #tpu.memory_space<vmem>>, vector<1x16xf32>,
        %get3A_303 = arith.index_cast %scan3A_220 : i32 to index
        %get3A_304 = arith.constant 96 : index
        %get3A_305 = tpu.vector_load %arg9[%get3A_303, %get3A_304] {strides = array<i32>} : memref<80x128xf32, #tpu.memory_space<vmem>>, vector<1x16xf32>,
        %get3A_306 = vector.shape_cast %get3A_305 : vector<1x16xf32> to vector<16xf32>
        %get3A_307 = arith.index_cast %scan3A_220 : i32 to index
        %get3A_308 = arith.constant 96 : index
        %get3A_309 = tpu.vector_load %arg11[%get3A_307, %get3A_308] {strides = array<i32>} : memref<80x128xf32, #tpu.memory_space<vmem>>, vector<1x16xf32>,
        %get3A_310 = vector.shape_cast %get3A_309 : vector<1x16xf32> to vector<16xf32>
        %add3A_311 = arith.addf %get3A_306, %get3A_310 : vector<16xf32>
        %swap3A_312 = arith.index_cast %scan3A_220 : i32 to index
        %swap3A_313 = arith.constant 96 : index
        %swap3A_314 = tpu.vector_load %arg13[%swap3A_312, %swap3A_313] {strides = array<i32>} : memref<80x128xf32, #tpu.memory_space<vmem>>, vector<1x16xf32>,
        %swap3A_315 = vector.shape_cast %swap3A_314 : vector<1x16xf32> to vector<16xf32>
        %swap3A_316 = vector.shape_cast %add3A_311 : vector<16xf32> to vector<1x16xf32>
        tpu.vector_store %arg13[%swap3A_312, %swap3A_313], %swap3A_316 {strides = array<i32>} : memref<80x128xf32, #tpu.memory_space<vmem>>, vector<1x16xf32>,
        %get3A_317 = arith.index_cast %scan3A_220 : i32 to index
        %get3A_318 = arith.constant 112 : index
        %get3A_319 = tpu.vector_load %arg9[%get3A_317, %get3A_318] {strides = array<i32>} : memref<80x128xf32, #tpu.memory_space<vmem>>, vector<1x16xf32>,
        %get3A_320 = vector.shape_cast %get3A_319 : vector<1x16xf32> to vector<16xf32>
        %get3A_321 = arith.index_cast %scan3A_220 : i32 to index
        %get3A_322 = arith.constant 112 : index
        %get3A_323 = tpu.vector_load %arg11[%get3A_321, %get3A_322] {strides = array<i32>} : memref<80x128xf32, #tpu.memory_space<vmem>>, vector<1x16xf32>,
        %get3A_324 = vector.shape_cast %get3A_323 : vector<1x16xf32> to vector<16xf32>
        %add3A_325 = arith.addf %get3A_320, %get3A_324 : vector<16xf32>
        %swap3A_326 = arith.index_cast %scan3A_220 : i32 to index
        %swap3A_327 = arith.constant 112 : index
        %swap3A_328 = tpu.vector_load %arg13[%swap3A_326, %swap3A_327] {strides = array<i32>} : memref<80x128xf32, #tpu.memory_space<vmem>>, vector<1x16xf32>,
        %swap3A_329 = vector.shape_cast %swap3A_328 : vector<1x16xf32> to vector<16xf32>
        %swap3A_330 = vector.shape_cast %add3A_325 : vector<16xf32> to vector<1x16xf32>
        tpu.vector_store %arg13[%swap3A_326, %swap3A_327], %swap3A_330 {strides = array<i32>} : memref<80x128xf32, #tpu.memory_space<vmem>>, vector<1x16xf32>,
      }
      %scan3A_168 = arith.constant 80 : i32
      %add3A_169 = arith.constant 2 : i32
      %add3A_170 = arith.addi %mul3A_146, %add3A_169 : i32
      %lt3A = arith.constant 125 : i32
      %lt3A_171 = arith.cmpi slt, %add3A_170, %lt3A : i32
      %convert_element_type3A = arith.extui %lt3A_171 : i1 to i32
      %cond3A = arith.constant 0 : i32
      %cond3A_172 = arith.cmpi ne, %convert_element_type3A, %cond3A : i32
      scf.if %cond3A_172 {
        %add3A_220 = arith.constant 2 : i32
        %add3A_221 = arith.addi %mul3A_146, %add3A_220 : i32
        %dma_start3A_222 = arith.constant 0 : i32
        %dma_start3A_223 = tpu.memref_slice %arg7[%add3A_221, %dma_start3A_222] : memref<125x80xi32, #tpu.memory_space<vmem>> -> memref<1x80xi32, #tpu.memory_space<vmem>>
        %dma_start3A_224 = tpu.memref_squeeze %dma_start3A_223 : memref<1x80xi32, #tpu.memory_space<vmem>> -> memref<80xi32, #tpu.memory_space<vmem>>
        %dma_start3A_225 = arith.constant 0 : i32
        %dma_start3A_226 = arith.constant 0 : i32
        %dma_start3A_227 = tpu.memref_slice %arg2[%dma_start3A_225, %dma_start3A_226] : memref<10000x128xf32, #tpu.memory_space<hbm>> -> memref<10000x128xf32, #tpu.memory_space<hbm>>
        tpu.enqueue_indirect_dma source(%dma_start3A_227 : memref<10000x128xf32, #tpu.memory_space<hbm>>) target(%arg9 : memref<80x128xf32, #tpu.memory_space<vmem>>) offsets(%dma_start3A_224 : memref<80xi32, #tpu.memory_space<vmem>>) semaphore(%arg15 : memref<!tpu.dma_semaphore, #tpu.memory_space<semaphore_mem>>)
        %dma_start3A_228 = arith.constant 0 : i32
        %dma_start3A_229 = tpu.memref_slice %arg8[%add3A_221, %dma_start3A_228] : memref<125x80xi32, #tpu.memory_space<vmem>> -> memref<1x80xi32, #tpu.memory_space<vmem>>
        %dma_start3A_230 = tpu.memref_squeeze %dma_start3A_229 : memref<1x80xi32, #tpu.memory_space<vmem>> -> memref<80xi32, #tpu.memory_space<vmem>>
        %dma_start3A_231 = arith.constant 0 : i32
        %dma_start3A_232 = arith.constant 0 : i32
        %dma_start3A_233 = tpu.memref_slice %arg3[%dma_start3A_231, %dma_start3A_232] : memref<10000x128xf32, #tpu.memory_space<hbm>> -> memref<10000x128xf32, #tpu.memory_space<hbm>>
        tpu.enqueue_indirect_dma source(%dma_start3A_233 : memref<10000x128xf32, #tpu.memory_space<hbm>>) target(%arg11 : memref<80x128xf32, #tpu.memory_space<vmem>>) offsets(%dma_start3A_230 : memref<80xi32, #tpu.memory_space<vmem>>) semaphore(%arg17 : memref<!tpu.dma_semaphore, #tpu.memory_space<semaphore_mem>>)
      } else {
      }
      %mul3A_173 = arith.constant 80 : i32
      %mul3A_174 = arith.muli %mul3A_146, %mul3A_173 : i32
      %add3A_175 = arith.addi %mul3A_2, %mul3A_174 : i32
      %dma_start3A_176 = arith.constant 0 : i32
      %dma_start3A_177 = tpu.memref_slice %arg6[%add3A_175, %dma_start3A_176] : memref<320000x128xf32, #tpu.memory_space<hbm>> -> memref<80x128xf32, #tpu.memory_space<hbm>>
      %dma_start3A_178 = arith.constant 0 : i32
      %dma_start3A_179 = tpu.memref_slice %arg6[%add3A_175, %dma_start3A_178] : memref<320000x128xf32, #tpu.memory_space<hbm>> -> memref<80x128xf32, #tpu.memory_space<hbm>>
      tpu.enqueue_dma source(%arg13 : memref<80x128xf32, #tpu.memory_space<vmem>>) target(%dma_start3A_179 : memref<80x128xf32, #tpu.memory_space<hbm>>) target_semaphore(%arg19 : memref<!tpu.dma_semaphore, #tpu.memory_space<semaphore_mem>>)
      %mul3A_180 = arith.constant 2 : i32
      %mul3A_181 = arith.muli %mul3A_180, %scan3A_144 : i32
      %add3A_182 = arith.constant 1 : i32
      %add3A_183 = arith.addi %mul3A_181, %add3A_182 : i32
      %dma_wait3A_184 = arith.constant 0 : i32
      %dma_wait3A_185 = tpu.memref_slice %arg7[%add3A_183, %dma_wait3A_184] : memref<125x80xi32, #tpu.memory_space<vmem>> -> memref<1x80xi32, #tpu.memory_space<vmem>>
      %dma_wait3A_186 = tpu.memref_squeeze %dma_wait3A_185 : memref<1x80xi32, #tpu.memory_space<vmem>> -> memref<80xi32, #tpu.memory_space<vmem>>
      %dma_wait3A_187 = arith.constant 0 : i32
      %dma_wait3A_188 = arith.constant 0 : i32
      %dma_wait3A_189 = tpu.memref_slice %arg2[%dma_wait3A_187, %dma_wait3A_188] : memref<10000x128xf32, #tpu.memory_space<hbm>> -> memref<10000x128xf32, #tpu.memory_space<hbm>>
      tpu.wait_indirect_dma semaphore(%arg16 : memref<!tpu.dma_semaphore, #tpu.memory_space<semaphore_mem>>) src(%dma_wait3A_189 : memref<10000x128xf32, #tpu.memory_space<hbm>>) dst(%arg10 : memref<80x128xf32, #tpu.memory_space<vmem>>)
      %dma_wait3A_190 = arith.constant 0 : i32
      %dma_wait3A_191 = tpu.memref_slice %arg8[%add3A_183, %dma_wait3A_190] : memref<125x80xi32, #tpu.memory_space<vmem>> -> memref<1x80xi32, #tpu.memory_space<vmem>>
      %dma_wait3A_192 = tpu.memref_squeeze %dma_wait3A_191 : memref<1x80xi32, #tpu.memory_space<vmem>> -> memref<80xi32, #tpu.memory_space<vmem>>
      %dma_wait3A_193 = arith.constant 0 : i32
      %dma_wait3A_194 = arith.constant 0 : i32
      %dma_wait3A_195 = tpu.memref_slice %arg3[%dma_wait3A_193, %dma_wait3A_194] : memref<10000x128xf32, #tpu.memory_space<hbm>> -> memref<10000x128xf32, #tpu.memory_space<hbm>>
      tpu.wait_indirect_dma semaphore(%arg18 : memref<!tpu.dma_semaphore, #tpu.memory_space<semaphore_mem>>) src(%dma_wait3A_195 : memref<10000x128xf32, #tpu.memory_space<hbm>>) dst(%arg12 : memref<80x128xf32, #tpu.memory_space<vmem>>)
      %dma_wait3A_196 = arith.constant 0 : i32
      %dma_wait3A_197 = tpu.memref_slice %arg6[%mul3A_2, %dma_wait3A_196] : memref<320000x128xf32, #tpu.memory_space<hbm>> -> memref<80x128xf32, #tpu.memory_space<hbm>>
      %dma_wait3A_198 = arith.constant 0 : i32
      %dma_wait3A_199 = tpu.memref_slice %arg6[%mul3A_2, %dma_wait3A_198] : memref<320000x128xf32, #tpu.memory_space<hbm>> -> memref<80x128xf32, #tpu.memory_space<hbm>>
      tpu.wait_dma2 semaphore(%arg20 : memref<!tpu.dma_semaphore, #tpu.memory_space<semaphore_mem>>) src(%arg14 : memref<80x128xf32, #tpu.memory_space<vmem>>) dst(%dma_wait3A_199 : memref<80x128xf32, #tpu.memory_space<hbm>>)
      %scan3A_200 = arith.constant 0 : i32
      %scan3A_201 = arith.constant 0 : i32
      %scan3A_202 = arith.constant 80 : i32
      %scan3A_203 = arith.addi %scan3A_201, %scan3A_202 : i32
      %scan3A_204 = arith.constant 1 : i32
      scf.for %scan3A_220 = %scan3A_201 to %scan3A_203 step %scan3A_204  : i32 {
        %get3A = arith.index_cast %scan3A_220 : i32 to index
        %get3A_221 = arith.constant 0 : index
        %get3A_222 = tpu.vector_load %arg10[%get3A, %get3A_221] {strides = array<i32>} : memref<80x128xf32, #tpu.memory_space<vmem>>, vector<1x16xf32>,
        %get3A_223 = vector.shape_cast %get3A_222 : vector<1x16xf32> to vector<16xf32>
        %get3A_224 = arith.index_cast %scan3A_220 : i32 to index
        %get3A_225 = arith.constant 0 : index
        %get3A_226 = tpu.vector_load %arg12[%get3A_224, %get3A_225] {strides = array<i32>} : memref<80x128xf32, #tpu.memory_space<vmem>>, vector<1x16xf32>,
        %get3A_227 = vector.shape_cast %get3A_226 : vector<1x16xf32> to vector<16xf32>
        %add3A_228 = arith.addf %get3A_223, %get3A_227 : vector<16xf32>
        %swap3A = arith.index_cast %scan3A_220 : i32 to index
        %swap3A_229 = arith.constant 0 : index
        %swap3A_230 = tpu.vector_load %arg14[%swap3A, %swap3A_229] {strides = array<i32>} : memref<80x128xf32, #tpu.memory_space<vmem>>, vector<1x16xf32>,
        %swap3A_231 = vector.shape_cast %swap3A_230 : vector<1x16xf32> to vector<16xf32>
        %swap3A_232 = vector.shape_cast %add3A_228 : vector<16xf32> to vector<1x16xf32>
        tpu.vector_store %arg14[%swap3A, %swap3A_229], %swap3A_232 {strides = array<i32>} : memref<80x128xf32, #tpu.memory_space<vmem>>, vector<1x16xf32>,
        %get3A_233 = arith.index_cast %scan3A_220 : i32 to index
        %get3A_234 = arith.constant 16 : index
        %get3A_235 = tpu.vector_load %arg10[%get3A_233, %get3A_234] {strides = array<i32>} : memref<80x128xf32, #tpu.memory_space<vmem>>, vector<1x16xf32>,
        %get3A_236 = vector.shape_cast %get3A_235 : vector<1x16xf32> to vector<16xf32>
        %get3A_237 = arith.index_cast %scan3A_220 : i32 to index
        %get3A_238 = arith.constant 16 : index
        %get3A_239 = tpu.vector_load %arg12[%get3A_237, %get3A_238] {strides = array<i32>} : memref<80x128xf32, #tpu.memory_space<vmem>>, vector<1x16xf32>,
        %get3A_240 = vector.shape_cast %get3A_239 : vector<1x16xf32> to vector<16xf32>
        %add3A_241 = arith.addf %get3A_236, %get3A_240 : vector<16xf32>
        %swap3A_242 = arith.index_cast %scan3A_220 : i32 to index
        %swap3A_243 = arith.constant 16 : index
        %swap3A_244 = tpu.vector_load %arg14[%swap3A_242, %swap3A_243] {strides = array<i32>} : memref<80x128xf32, #tpu.memory_space<vmem>>, vector<1x16xf32>,
        %swap3A_245 = vector.shape_cast %swap3A_244 : vector<1x16xf32> to vector<16xf32>
        %swap3A_246 = vector.shape_cast %add3A_241 : vector<16xf32> to vector<1x16xf32>
        tpu.vector_store %arg14[%swap3A_242, %swap3A_243], %swap3A_246 {strides = array<i32>} : memref<80x128xf32, #tpu.memory_space<vmem>>, vector<1x16xf32>,
        %get3A_247 = arith.index_cast %scan3A_220 : i32 to index
        %get3A_248 = arith.constant 32 : index
        %get3A_249 = tpu.vector_load %arg10[%get3A_247, %get3A_248] {strides = array<i32>} : memref<80x128xf32, #tpu.memory_space<vmem>>, vector<1x16xf32>,
        %get3A_250 = vector.shape_cast %get3A_249 : vector<1x16xf32> to vector<16xf32>
        %get3A_251 = arith.index_cast %scan3A_220 : i32 to index
        %get3A_252 = arith.constant 32 : index
        %get3A_253 = tpu.vector_load %arg12[%get3A_251, %get3A_252] {strides = array<i32>} : memref<80x128xf32, #tpu.memory_space<vmem>>, vector<1x16xf32>,
        %get3A_254 = vector.shape_cast %get3A_253 : vector<1x16xf32> to vector<16xf32>
        %add3A_255 = arith.addf %get3A_250, %get3A_254 : vector<16xf32>
        %swap3A_256 = arith.index_cast %scan3A_220 : i32 to index
        %swap3A_257 = arith.constant 32 : index
        %swap3A_258 = tpu.vector_load %arg14[%swap3A_256, %swap3A_257] {strides = array<i32>} : memref<80x128xf32, #tpu.memory_space<vmem>>, vector<1x16xf32>,
        %swap3A_259 = vector.shape_cast %swap3A_258 : vector<1x16xf32> to vector<16xf32>
        %swap3A_260 = vector.shape_cast %add3A_255 : vector<16xf32> to vector<1x16xf32>
        tpu.vector_store %arg14[%swap3A_256, %swap3A_257], %swap3A_260 {strides = array<i32>} : memref<80x128xf32, #tpu.memory_space<vmem>>, vector<1x16xf32>,
        %get3A_261 = arith.index_cast %scan3A_220 : i32 to index
        %get3A_262 = arith.constant 48 : index
        %get3A_263 = tpu.vector_load %arg10[%get3A_261, %get3A_262] {strides = array<i32>} : memref<80x128xf32, #tpu.memory_space<vmem>>, vector<1x16xf32>,
        %get3A_264 = vector.shape_cast %get3A_263 : vector<1x16xf32> to vector<16xf32>
        %get3A_265 = arith.index_cast %scan3A_220 : i32 to index
        %get3A_266 = arith.constant 48 : index
        %get3A_267 = tpu.vector_load %arg12[%get3A_265, %get3A_266] {strides = array<i32>} : memref<80x128xf32, #tpu.memory_space<vmem>>, vector<1x16xf32>,
        %get3A_268 = vector.shape_cast %get3A_267 : vector<1x16xf32> to vector<16xf32>
        %add3A_269 = arith.addf %get3A_264, %get3A_268 : vector<16xf32>
        %swap3A_270 = arith.index_cast %scan3A_220 : i32 to index
        %swap3A_271 = arith.constant 48 : index
        %swap3A_272 = tpu.vector_load %arg14[%swap3A_270, %swap3A_271] {strides = array<i32>} : memref<80x128xf32, #tpu.memory_space<vmem>>, vector<1x16xf32>,
        %swap3A_273 = vector.shape_cast %swap3A_272 : vector<1x16xf32> to vector<16xf32>
        %swap3A_274 = vector.shape_cast %add3A_269 : vector<16xf32> to vector<1x16xf32>
        tpu.vector_store %arg14[%swap3A_270, %swap3A_271], %swap3A_274 {strides = array<i32>} : memref<80x128xf32, #tpu.memory_space<vmem>>, vector<1x16xf32>,
        %get3A_275 = arith.index_cast %scan3A_220 : i32 to index
        %get3A_276 = arith.constant 64 : index
        %get3A_277 = tpu.vector_load %arg10[%get3A_275, %get3A_276] {strides = array<i32>} : memref<80x128xf32, #tpu.memory_space<vmem>>, vector<1x16xf32>,
        %get3A_278 = vector.shape_cast %get3A_277 : vector<1x16xf32> to vector<16xf32>
        %get3A_279 = arith.index_cast %scan3A_220 : i32 to index
        %get3A_280 = arith.constant 64 : index
        %get3A_281 = tpu.vector_load %arg12[%get3A_279, %get3A_280] {strides = array<i32>} : memref<80x128xf32, #tpu.memory_space<vmem>>, vector<1x16xf32>,
        %get3A_282 = vector.shape_cast %get3A_281 : vector<1x16xf32> to vector<16xf32>
        %add3A_283 = arith.addf %get3A_278, %get3A_282 : vector<16xf32>
        %swap3A_284 = arith.index_cast %scan3A_220 : i32 to index
        %swap3A_285 = arith.constant 64 : index
        %swap3A_286 = tpu.vector_load %arg14[%swap3A_284, %swap3A_285] {strides = array<i32>} : memref<80x128xf32, #tpu.memory_space<vmem>>, vector<1x16xf32>,
        %swap3A_287 = vector.shape_cast %swap3A_286 : vector<1x16xf32> to vector<16xf32>
        %swap3A_288 = vector.shape_cast %add3A_283 : vector<16xf32> to vector<1x16xf32>
        tpu.vector_store %arg14[%swap3A_284, %swap3A_285], %swap3A_288 {strides = array<i32>} : memref<80x128xf32, #tpu.memory_space<vmem>>, vector<1x16xf32>,
        %get3A_289 = arith.index_cast %scan3A_220 : i32 to index
        %get3A_290 = arith.constant 80 : index
        %get3A_291 = tpu.vector_load %arg10[%get3A_289, %get3A_290] {strides = array<i32>} : memref<80x128xf32, #tpu.memory_space<vmem>>, vector<1x16xf32>,
        %get3A_292 = vector.shape_cast %get3A_291 : vector<1x16xf32> to vector<16xf32>
        %get3A_293 = arith.index_cast %scan3A_220 : i32 to index
        %get3A_294 = arith.constant 80 : index
        %get3A_295 = tpu.vector_load %arg12[%get3A_293, %get3A_294] {strides = array<i32>} : memref<80x128xf32, #tpu.memory_space<vmem>>, vector<1x16xf32>,
        %get3A_296 = vector.shape_cast %get3A_295 : vector<1x16xf32> to vector<16xf32>
        %add3A_297 = arith.addf %get3A_292, %get3A_296 : vector<16xf32>
        %swap3A_298 = arith.index_cast %scan3A_220 : i32 to index
        %swap3A_299 = arith.constant 80 : index
        %swap3A_300 = tpu.vector_load %arg14[%swap3A_298, %swap3A_299] {strides = array<i32>} : memref<80x128xf32, #tpu.memory_space<vmem>>, vector<1x16xf32>,
        %swap3A_301 = vector.shape_cast %swap3A_300 : vector<1x16xf32> to vector<16xf32>
        %swap3A_302 = vector.shape_cast %add3A_297 : vector<16xf32> to vector<1x16xf32>
        tpu.vector_store %arg14[%swap3A_298, %swap3A_299], %swap3A_302 {strides = array<i32>} : memref<80x128xf32, #tpu.memory_space<vmem>>, vector<1x16xf32>,
        %get3A_303 = arith.index_cast %scan3A_220 : i32 to index
        %get3A_304 = arith.constant 96 : index
        %get3A_305 = tpu.vector_load %arg10[%get3A_303, %get3A_304] {strides = array<i32>} : memref<80x128xf32, #tpu.memory_space<vmem>>, vector<1x16xf32>,
        %get3A_306 = vector.shape_cast %get3A_305 : vector<1x16xf32> to vector<16xf32>
        %get3A_307 = arith.index_cast %scan3A_220 : i32 to index
        %get3A_308 = arith.constant 96 : index
        %get3A_309 = tpu.vector_load %arg12[%get3A_307, %get3A_308] {strides = array<i32>} : memref<80x128xf32, #tpu.memory_space<vmem>>, vector<1x16xf32>,
        %get3A_310 = vector.shape_cast %get3A_309 : vector<1x16xf32> to vector<16xf32>
        %add3A_311 = arith.addf %get3A_306, %get3A_310 : vector<16xf32>
        %swap3A_312 = arith.index_cast %scan3A_220 : i32 to index
        %swap3A_313 = arith.constant 96 : index
        %swap3A_314 = tpu.vector_load %arg14[%swap3A_312, %swap3A_313] {strides = array<i32>} : memref<80x128xf32, #tpu.memory_space<vmem>>, vector<1x16xf32>,
        %swap3A_315 = vector.shape_cast %swap3A_314 : vector<1x16xf32> to vector<16xf32>
        %swap3A_316 = vector.shape_cast %add3A_311 : vector<16xf32> to vector<1x16xf32>
        tpu.vector_store %arg14[%swap3A_312, %swap3A_313], %swap3A_316 {strides = array<i32>} : memref<80x128xf32, #tpu.memory_space<vmem>>, vector<1x16xf32>,
        %get3A_317 = arith.index_cast %scan3A_220 : i32 to index
        %get3A_318 = arith.constant 112 : index
        %get3A_319 = tpu.vector_load %arg10[%get3A_317, %get3A_318] {strides = array<i32>} : memref<80x128xf32, #tpu.memory_space<vmem>>, vector<1x16xf32>,
        %get3A_320 = vector.shape_cast %get3A_319 : vector<1x16xf32> to vector<16xf32>
        %get3A_321 = arith.index_cast %scan3A_220 : i32 to index
        %get3A_322 = arith.constant 112 : index
        %get3A_323 = tpu.vector_load %arg12[%get3A_321, %get3A_322] {strides = array<i32>} : memref<80x128xf32, #tpu.memory_space<vmem>>, vector<1x16xf32>,
        %get3A_324 = vector.shape_cast %get3A_323 : vector<1x16xf32> to vector<16xf32>
        %add3A_325 = arith.addf %get3A_320, %get3A_324 : vector<16xf32>
        %swap3A_326 = arith.index_cast %scan3A_220 : i32 to index
        %swap3A_327 = arith.constant 112 : index
        %swap3A_328 = tpu.vector_load %arg14[%swap3A_326, %swap3A_327] {strides = array<i32>} : memref<80x128xf32, #tpu.memory_space<vmem>>, vector<1x16xf32>,
        %swap3A_329 = vector.shape_cast %swap3A_328 : vector<1x16xf32> to vector<16xf32>
        %swap3A_330 = vector.shape_cast %add3A_325 : vector<16xf32> to vector<1x16xf32>
        tpu.vector_store %arg14[%swap3A_326, %swap3A_327], %swap3A_330 {strides = array<i32>} : memref<80x128xf32, #tpu.memory_space<vmem>>, vector<1x16xf32>,
      }
      %scan3A_205 = arith.constant 80 : i32
      %add3A_206 = arith.constant 2 : i32
      %add3A_207 = arith.addi %add3A_183, %add3A_206 : i32
      %lt3A_208 = arith.constant 125 : i32
      %lt3A_209 = arith.cmpi slt, %add3A_207, %lt3A_208 : i32
      %convert_element_type3A_210 = arith.extui %lt3A_209 : i1 to i32
      %cond3A_211 = arith.constant 0 : i32
      %cond3A_212 = arith.cmpi ne, %convert_element_type3A_210, %cond3A_211 : i32
      scf.if %cond3A_212 {
        %add3A_220 = arith.constant 2 : i32
        %add3A_221 = arith.addi %add3A_183, %add3A_220 : i32
        %dma_start3A_222 = arith.constant 0 : i32
        %dma_start3A_223 = tpu.memref_slice %arg7[%add3A_221, %dma_start3A_222] : memref<125x80xi32, #tpu.memory_space<vmem>> -> memref<1x80xi32, #tpu.memory_space<vmem>>
        %dma_start3A_224 = tpu.memref_squeeze %dma_start3A_223 : memref<1x80xi32, #tpu.memory_space<vmem>> -> memref<80xi32, #tpu.memory_space<vmem>>
        %dma_start3A_225 = arith.constant 0 : i32
        %dma_start3A_226 = arith.constant 0 : i32
        %dma_start3A_227 = tpu.memref_slice %arg2[%dma_start3A_225, %dma_start3A_226] : memref<10000x128xf32, #tpu.memory_space<hbm>> -> memref<10000x128xf32, #tpu.memory_space<hbm>>
        tpu.enqueue_indirect_dma source(%dma_start3A_227 : memref<10000x128xf32, #tpu.memory_space<hbm>>) target(%arg10 : memref<80x128xf32, #tpu.memory_space<vmem>>) offsets(%dma_start3A_224 : memref<80xi32, #tpu.memory_space<vmem>>) semaphore(%arg16 : memref<!tpu.dma_semaphore, #tpu.memory_space<semaphore_mem>>)
        %dma_start3A_228 = arith.constant 0 : i32
        %dma_start3A_229 = tpu.memref_slice %arg8[%add3A_221, %dma_start3A_228] : memref<125x80xi32, #tpu.memory_space<vmem>> -> memref<1x80xi32, #tpu.memory_space<vmem>>
        %dma_start3A_230 = tpu.memref_squeeze %dma_start3A_229 : memref<1x80xi32, #tpu.memory_space<vmem>> -> memref<80xi32, #tpu.memory_space<vmem>>
        %dma_start3A_231 = arith.constant 0 : i32
        %dma_start3A_232 = arith.constant 0 : i32
        %dma_start3A_233 = tpu.memref_slice %arg3[%dma_start3A_231, %dma_start3A_232] : memref<10000x128xf32, #tpu.memory_space<hbm>> -> memref<10000x128xf32, #tpu.memory_space<hbm>>
        tpu.enqueue_indirect_dma source(%dma_start3A_233 : memref<10000x128xf32, #tpu.memory_space<hbm>>) target(%arg12 : memref<80x128xf32, #tpu.memory_space<vmem>>) offsets(%dma_start3A_230 : memref<80xi32, #tpu.memory_space<vmem>>) semaphore(%arg18 : memref<!tpu.dma_semaphore, #tpu.memory_space<semaphore_mem>>)
      } else {
      }
      %mul3A_213 = arith.constant 80 : i32
      %mul3A_214 = arith.muli %add3A_183, %mul3A_213 : i32
      %add3A_215 = arith.addi %mul3A_2, %mul3A_214 : i32
      %dma_start3A_216 = arith.constant 0 : i32
      %dma_start3A_217 = tpu.memref_slice %arg6[%add3A_215, %dma_start3A_216] : memref<320000x128xf32, #tpu.memory_space<hbm>> -> memref<80x128xf32, #tpu.memory_space<hbm>>
      %dma_start3A_218 = arith.constant 0 : i32
      %dma_start3A_219 = tpu.memref_slice %arg6[%add3A_215, %dma_start3A_218] : memref<320000x128xf32, #tpu.memory_space<hbm>> -> memref<80x128xf32, #tpu.memory_space<hbm>>
      tpu.enqueue_dma source(%arg14 : memref<80x128xf32, #tpu.memory_space<vmem>>) target(%dma_start3A_219 : memref<80x128xf32, #tpu.memory_space<hbm>>) target_semaphore(%arg20 : memref<!tpu.dma_semaphore, #tpu.memory_space<semaphore_mem>>)
    }
    %scan3A_113 = arith.constant 61 : i32
    %dma_wait3A_114 = arith.constant 124 : i32
    %dma_wait3A_115 = arith.constant 0 : i32
    %dma_wait3A_116 = tpu.memref_slice %arg7[%dma_wait3A_114, %dma_wait3A_115] : memref<125x80xi32, #tpu.memory_space<vmem>> -> memref<1x80xi32, #tpu.memory_space<vmem>>
    %dma_wait3A_117 = tpu.memref_squeeze %dma_wait3A_116 : memref<1x80xi32, #tpu.memory_space<vmem>> -> memref<80xi32, #tpu.memory_space<vmem>>
    %dma_wait3A_118 = arith.constant 0 : i32
    %dma_wait3A_119 = arith.constant 0 : i32
    %dma_wait3A_120 = tpu.memref_slice %arg2[%dma_wait3A_118, %dma_wait3A_119] : memref<10000x128xf32, #tpu.memory_space<hbm>> -> memref<10000x128xf32, #tpu.memory_space<hbm>>
    tpu.wait_indirect_dma semaphore(%arg15 : memref<!tpu.dma_semaphore, #tpu.memory_space<semaphore_mem>>) src(%dma_wait3A_120 : memref<10000x128xf32, #tpu.memory_space<hbm>>) dst(%arg9 : memref<80x128xf32, #tpu.memory_space<vmem>>)
    %dma_wait3A_121 = arith.constant 124 : i32
    %dma_wait3A_122 = arith.constant 0 : i32
    %dma_wait3A_123 = tpu.memref_slice %arg8[%dma_wait3A_121, %dma_wait3A_122] : memref<125x80xi32, #tpu.memory_space<vmem>> -> memref<1x80xi32, #tpu.memory_space<vmem>>
    %dma_wait3A_124 = tpu.memref_squeeze %dma_wait3A_123 : memref<1x80xi32, #tpu.memory_space<vmem>> -> memref<80xi32, #tpu.memory_space<vmem>>
    %dma_wait3A_125 = arith.constant 0 : i32
    %dma_wait3A_126 = arith.constant 0 : i32
    %dma_wait3A_127 = tpu.memref_slice %arg3[%dma_wait3A_125, %dma_wait3A_126] : memref<10000x128xf32, #tpu.memory_space<hbm>> -> memref<10000x128xf32, #tpu.memory_space<hbm>>
    tpu.wait_indirect_dma semaphore(%arg17 : memref<!tpu.dma_semaphore, #tpu.memory_space<semaphore_mem>>) src(%dma_wait3A_127 : memref<10000x128xf32, #tpu.memory_space<hbm>>) dst(%arg11 : memref<80x128xf32, #tpu.memory_space<vmem>>)
    %dma_wait3A_128 = arith.constant 0 : i32
    %dma_wait3A_129 = tpu.memref_slice %arg6[%mul3A_2, %dma_wait3A_128] : memref<320000x128xf32, #tpu.memory_space<hbm>> -> memref<80x128xf32, #tpu.memory_space<hbm>>
    %dma_wait3A_130 = arith.constant 0 : i32
    %dma_wait3A_131 = tpu.memref_slice %arg6[%mul3A_2, %dma_wait3A_130] : memref<320000x128xf32, #tpu.memory_space<hbm>> -> memref<80x128xf32, #tpu.memory_space<hbm>>
    tpu.wait_dma2 semaphore(%arg19 : memref<!tpu.dma_semaphore, #tpu.memory_space<semaphore_mem>>) src(%arg13 : memref<80x128xf32, #tpu.memory_space<vmem>>) dst(%dma_wait3A_131 : memref<80x128xf32, #tpu.memory_space<hbm>>)
    %scan3A_132 = arith.constant 0 : i32
    %scan3A_133 = arith.constant 0 : i32
    %scan3A_134 = arith.constant 80 : i32
    %scan3A_135 = arith.addi %scan3A_133, %scan3A_134 : i32
    %scan3A_136 = arith.constant 1 : i32
    scf.for %scan3A_144 = %scan3A_133 to %scan3A_135 step %scan3A_136  : i32 {
      %get3A = arith.index_cast %scan3A_144 : i32 to index
      %get3A_145 = arith.constant 0 : index
      %get3A_146 = tpu.vector_load %arg9[%get3A, %get3A_145] {strides = array<i32>} : memref<80x128xf32, #tpu.memory_space<vmem>>, vector<1x16xf32>,
      %get3A_147 = vector.shape_cast %get3A_146 : vector<1x16xf32> to vector<16xf32>
      %get3A_148 = arith.index_cast %scan3A_144 : i32 to index
      %get3A_149 = arith.constant 0 : index
      %get3A_150 = tpu.vector_load %arg11[%get3A_148, %get3A_149] {strides = array<i32>} : memref<80x128xf32, #tpu.memory_space<vmem>>, vector<1x16xf32>,
      %get3A_151 = vector.shape_cast %get3A_150 : vector<1x16xf32> to vector<16xf32>
      %add3A_152 = arith.addf %get3A_147, %get3A_151 : vector<16xf32>
      %swap3A = arith.index_cast %scan3A_144 : i32 to index
      %swap3A_153 = arith.constant 0 : index
      %swap3A_154 = tpu.vector_load %arg13[%swap3A, %swap3A_153] {strides = array<i32>} : memref<80x128xf32, #tpu.memory_space<vmem>>, vector<1x16xf32>,
      %swap3A_155 = vector.shape_cast %swap3A_154 : vector<1x16xf32> to vector<16xf32>
      %swap3A_156 = vector.shape_cast %add3A_152 : vector<16xf32> to vector<1x16xf32>
      tpu.vector_store %arg13[%swap3A, %swap3A_153], %swap3A_156 {strides = array<i32>} : memref<80x128xf32, #tpu.memory_space<vmem>>, vector<1x16xf32>,
      %get3A_157 = arith.index_cast %scan3A_144 : i32 to index
      %get3A_158 = arith.constant 16 : index
      %get3A_159 = tpu.vector_load %arg9[%get3A_157, %get3A_158] {strides = array<i32>} : memref<80x128xf32, #tpu.memory_space<vmem>>, vector<1x16xf32>,
      %get3A_160 = vector.shape_cast %get3A_159 : vector<1x16xf32> to vector<16xf32>
      %get3A_161 = arith.index_cast %scan3A_144 : i32 to index
      %get3A_162 = arith.constant 16 : index
      %get3A_163 = tpu.vector_load %arg11[%get3A_161, %get3A_162] {strides = array<i32>} : memref<80x128xf32, #tpu.memory_space<vmem>>, vector<1x16xf32>,
      %get3A_164 = vector.shape_cast %get3A_163 : vector<1x16xf32> to vector<16xf32>
      %add3A_165 = arith.addf %get3A_160, %get3A_164 : vector<16xf32>
      %swap3A_166 = arith.index_cast %scan3A_144 : i32 to index
      %swap3A_167 = arith.constant 16 : index
      %swap3A_168 = tpu.vector_load %arg13[%swap3A_166, %swap3A_167] {strides = array<i32>} : memref<80x128xf32, #tpu.memory_space<vmem>>, vector<1x16xf32>,
      %swap3A_169 = vector.shape_cast %swap3A_168 : vector<1x16xf32> to vector<16xf32>
      %swap3A_170 = vector.shape_cast %add3A_165 : vector<16xf32> to vector<1x16xf32>
      tpu.vector_store %arg13[%swap3A_166, %swap3A_167], %swap3A_170 {strides = array<i32>} : memref<80x128xf32, #tpu.memory_space<vmem>>, vector<1x16xf32>,
      %get3A_171 = arith.index_cast %scan3A_144 : i32 to index
      %get3A_172 = arith.constant 32 : index
      %get3A_173 = tpu.vector_load %arg9[%get3A_171, %get3A_172] {strides = array<i32>} : memref<80x128xf32, #tpu.memory_space<vmem>>, vector<1x16xf32>,
      %get3A_174 = vector.shape_cast %get3A_173 : vector<1x16xf32> to vector<16xf32>
      %get3A_175 = arith.index_cast %scan3A_144 : i32 to index
      %get3A_176 = arith.constant 32 : index
      %get3A_177 = tpu.vector_load %arg11[%get3A_175, %get3A_176] {strides = array<i32>} : memref<80x128xf32, #tpu.memory_space<vmem>>, vector<1x16xf32>,
      %get3A_178 = vector.shape_cast %get3A_177 : vector<1x16xf32> to vector<16xf32>
      %add3A_179 = arith.addf %get3A_174, %get3A_178 : vector<16xf32>
      %swap3A_180 = arith.index_cast %scan3A_144 : i32 to index
      %swap3A_181 = arith.constant 32 : index
      %swap3A_182 = tpu.vector_load %arg13[%swap3A_180, %swap3A_181] {strides = array<i32>} : memref<80x128xf32, #tpu.memory_space<vmem>>, vector<1x16xf32>,
      %swap3A_183 = vector.shape_cast %swap3A_182 : vector<1x16xf32> to vector<16xf32>
      %swap3A_184 = vector.shape_cast %add3A_179 : vector<16xf32> to vector<1x16xf32>
      tpu.vector_store %arg13[%swap3A_180, %swap3A_181], %swap3A_184 {strides = array<i32>} : memref<80x128xf32, #tpu.memory_space<vmem>>, vector<1x16xf32>,
      %get3A_185 = arith.index_cast %scan3A_144 : i32 to index
      %get3A_186 = arith.constant 48 : index
      %get3A_187 = tpu.vector_load %arg9[%get3A_185, %get3A_186] {strides = array<i32>} : memref<80x128xf32, #tpu.memory_space<vmem>>, vector<1x16xf32>,
      %get3A_188 = vector.shape_cast %get3A_187 : vector<1x16xf32> to vector<16xf32>
      %get3A_189 = arith.index_cast %scan3A_144 : i32 to index
      %get3A_190 = arith.constant 48 : index
      %get3A_191 = tpu.vector_load %arg11[%get3A_189, %get3A_190] {strides = array<i32>} : memref<80x128xf32, #tpu.memory_space<vmem>>, vector<1x16xf32>,
      %get3A_192 = vector.shape_cast %get3A_191 : vector<1x16xf32> to vector<16xf32>
      %add3A_193 = arith.addf %get3A_188, %get3A_192 : vector<16xf32>
      %swap3A_194 = arith.index_cast %scan3A_144 : i32 to index
      %swap3A_195 = arith.constant 48 : index
      %swap3A_196 = tpu.vector_load %arg13[%swap3A_194, %swap3A_195] {strides = array<i32>} : memref<80x128xf32, #tpu.memory_space<vmem>>, vector<1x16xf32>,
      %swap3A_197 = vector.shape_cast %swap3A_196 : vector<1x16xf32> to vector<16xf32>
      %swap3A_198 = vector.shape_cast %add3A_193 : vector<16xf32> to vector<1x16xf32>
      tpu.vector_store %arg13[%swap3A_194, %swap3A_195], %swap3A_198 {strides = array<i32>} : memref<80x128xf32, #tpu.memory_space<vmem>>, vector<1x16xf32>,
      %get3A_199 = arith.index_cast %scan3A_144 : i32 to index
      %get3A_200 = arith.constant 64 : index
      %get3A_201 = tpu.vector_load %arg9[%get3A_199, %get3A_200] {strides = array<i32>} : memref<80x128xf32, #tpu.memory_space<vmem>>, vector<1x16xf32>,
      %get3A_202 = vector.shape_cast %get3A_201 : vector<1x16xf32> to vector<16xf32>
      %get3A_203 = arith.index_cast %scan3A_144 : i32 to index
      %get3A_204 = arith.constant 64 : index
      %get3A_205 = tpu.vector_load %arg11[%get3A_203, %get3A_204] {strides = array<i32>} : memref<80x128xf32, #tpu.memory_space<vmem>>, vector<1x16xf32>,
      %get3A_206 = vector.shape_cast %get3A_205 : vector<1x16xf32> to vector<16xf32>
      %add3A_207 = arith.addf %get3A_202, %get3A_206 : vector<16xf32>
      %swap3A_208 = arith.index_cast %scan3A_144 : i32 to index
      %swap3A_209 = arith.constant 64 : index
      %swap3A_210 = tpu.vector_load %arg13[%swap3A_208, %swap3A_209] {strides = array<i32>} : memref<80x128xf32, #tpu.memory_space<vmem>>, vector<1x16xf32>,
      %swap3A_211 = vector.shape_cast %swap3A_210 : vector<1x16xf32> to vector<16xf32>
      %swap3A_212 = vector.shape_cast %add3A_207 : vector<16xf32> to vector<1x16xf32>
      tpu.vector_store %arg13[%swap3A_208, %swap3A_209], %swap3A_212 {strides = array<i32>} : memref<80x128xf32, #tpu.memory_space<vmem>>, vector<1x16xf32>,
      %get3A_213 = arith.index_cast %scan3A_144 : i32 to index
      %get3A_214 = arith.constant 80 : index
      %get3A_215 = tpu.vector_load %arg9[%get3A_213, %get3A_214] {strides = array<i32>} : memref<80x128xf32, #tpu.memory_space<vmem>>, vector<1x16xf32>,
      %get3A_216 = vector.shape_cast %get3A_215 : vector<1x16xf32> to vector<16xf32>
      %get3A_217 = arith.index_cast %scan3A_144 : i32 to index
      %get3A_218 = arith.constant 80 : index
      %get3A_219 = tpu.vector_load %arg11[%get3A_217, %get3A_218] {strides = array<i32>} : memref<80x128xf32, #tpu.memory_space<vmem>>, vector<1x16xf32>,
      %get3A_220 = vector.shape_cast %get3A_219 : vector<1x16xf32> to vector<16xf32>
      %add3A_221 = arith.addf %get3A_216, %get3A_220 : vector<16xf32>
      %swap3A_222 = arith.index_cast %scan3A_144 : i32 to index
      %swap3A_223 = arith.constant 80 : index
      %swap3A_224 = tpu.vector_load %arg13[%swap3A_222, %swap3A_223] {strides = array<i32>} : memref<80x128xf32, #tpu.memory_space<vmem>>, vector<1x16xf32>,
      %swap3A_225 = vector.shape_cast %swap3A_224 : vector<1x16xf32> to vector<16xf32>
      %swap3A_226 = vector.shape_cast %add3A_221 : vector<16xf32> to vector<1x16xf32>
      tpu.vector_store %arg13[%swap3A_222, %swap3A_223], %swap3A_226 {strides = array<i32>} : memref<80x128xf32, #tpu.memory_space<vmem>>, vector<1x16xf32>,
      %get3A_227 = arith.index_cast %scan3A_144 : i32 to index
      %get3A_228 = arith.constant 96 : index
      %get3A_229 = tpu.vector_load %arg9[%get3A_227, %get3A_228] {strides = array<i32>} : memref<80x128xf32, #tpu.memory_space<vmem>>, vector<1x16xf32>,
      %get3A_230 = vector.shape_cast %get3A_229 : vector<1x16xf32> to vector<16xf32>
      %get3A_231 = arith.index_cast %scan3A_144 : i32 to index
      %get3A_232 = arith.constant 96 : index
      %get3A_233 = tpu.vector_load %arg11[%get3A_231, %get3A_232] {strides = array<i32>} : memref<80x128xf32, #tpu.memory_space<vmem>>, vector<1x16xf32>,
      %get3A_234 = vector.shape_cast %get3A_233 : vector<1x16xf32> to vector<16xf32>
      %add3A_235 = arith.addf %get3A_230, %get3A_234 : vector<16xf32>
      %swap3A_236 = arith.index_cast %scan3A_144 : i32 to index
      %swap3A_237 = arith.constant 96 : index
      %swap3A_238 = tpu.vector_load %arg13[%swap3A_236, %swap3A_237] {strides = array<i32>} : memref<80x128xf32, #tpu.memory_space<vmem>>, vector<1x16xf32>,
      %swap3A_239 = vector.shape_cast %swap3A_238 : vector<1x16xf32> to vector<16xf32>
      %swap3A_240 = vector.shape_cast %add3A_235 : vector<16xf32> to vector<1x16xf32>
      tpu.vector_store %arg13[%swap3A_236, %swap3A_237], %swap3A_240 {strides = array<i32>} : memref<80x128xf32, #tpu.memory_space<vmem>>, vector<1x16xf32>,
      %get3A_241 = arith.index_cast %scan3A_144 : i32 to index
      %get3A_242 = arith.constant 112 : index
      %get3A_243 = tpu.vector_load %arg9[%get3A_241, %get3A_242] {strides = array<i32>} : memref<80x128xf32, #tpu.memory_space<vmem>>, vector<1x16xf32>,
      %get3A_244 = vector.shape_cast %get3A_243 : vector<1x16xf32> to vector<16xf32>
      %get3A_245 = arith.index_cast %scan3A_144 : i32 to index
      %get3A_246 = arith.constant 112 : index
      %get3A_247 = tpu.vector_load %arg11[%get3A_245, %get3A_246] {strides = array<i32>} : memref<80x128xf32, #tpu.memory_space<vmem>>, vector<1x16xf32>,
      %get3A_248 = vector.shape_cast %get3A_247 : vector<1x16xf32> to vector<16xf32>
      %add3A_249 = arith.addf %get3A_244, %get3A_248 : vector<16xf32>
      %swap3A_250 = arith.index_cast %scan3A_144 : i32 to index
      %swap3A_251 = arith.constant 112 : index
      %swap3A_252 = tpu.vector_load %arg13[%swap3A_250, %swap3A_251] {strides = array<i32>} : memref<80x128xf32, #tpu.memory_space<vmem>>, vector<1x16xf32>,
      %swap3A_253 = vector.shape_cast %swap3A_252 : vector<1x16xf32> to vector<16xf32>
      %swap3A_254 = vector.shape_cast %add3A_249 : vector<16xf32> to vector<1x16xf32>
      tpu.vector_store %arg13[%swap3A_250, %swap3A_251], %swap3A_254 {strides = array<i32>} : memref<80x128xf32, #tpu.memory_space<vmem>>, vector<1x16xf32>,
    }
    %scan3A_137 = arith.constant 80 : i32
    %add3A_138 = arith.constant 9920 : i32
    %add3A_139 = arith.addi %mul3A_2, %add3A_138 : i32
    "tpu.region"() ({
      %run_scoped3A = tpu.sem_alloc : memref<!tpu.dma_semaphore, #tpu.memory_space<semaphore_mem>>
      %dma_start3A_144 = arith.constant 0 : i32
      %dma_start3A_145 = tpu.memref_slice %arg6[%add3A_139, %dma_start3A_144] : memref<320000x128xf32, #tpu.memory_space<hbm>> -> memref<80x128xf32, #tpu.memory_space<hbm>>
      %dma_start3A_146 = arith.constant 0 : i32
      %dma_start3A_147 = tpu.memref_slice %arg6[%add3A_139, %dma_start3A_146] : memref<320000x128xf32, #tpu.memory_space<hbm>> -> memref<80x128xf32, #tpu.memory_space<hbm>>
      tpu.enqueue_dma source(%arg13 : memref<80x128xf32, #tpu.memory_space<vmem>>) target(%dma_start3A_147 : memref<80x128xf32, #tpu.memory_space<hbm>>) target_semaphore(%run_scoped3A : memref<!tpu.dma_semaphore, #tpu.memory_space<semaphore_mem>>)
      %dma_wait3A_148 = arith.constant 0 : i32
      %dma_wait3A_149 = tpu.memref_slice %arg6[%add3A_139, %dma_wait3A_148] : memref<320000x128xf32, #tpu.memory_space<hbm>> -> memref<80x128xf32, #tpu.memory_space<hbm>>
      %dma_wait3A_150 = arith.constant 0 : i32
      %dma_wait3A_151 = tpu.memref_slice %arg6[%add3A_139, %dma_wait3A_150] : memref<320000x128xf32, #tpu.memory_space<hbm>> -> memref<80x128xf32, #tpu.memory_space<hbm>>
      tpu.wait_dma2 semaphore(%run_scoped3A : memref<!tpu.dma_semaphore, #tpu.memory_space<semaphore_mem>>) src(%arg13 : memref<80x128xf32, #tpu.memory_space<vmem>>) dst(%dma_wait3A_151 : memref<80x128xf32, #tpu.memory_space<hbm>>)
      tpu.yield
    }) : () -> ()
    %dma_wait3A_140 = arith.constant 0 : i32
    %dma_wait3A_141 = tpu.memref_slice %arg6[%mul3A_2, %dma_wait3A_140] : memref<320000x128xf32, #tpu.memory_space<hbm>> -> memref<80x128xf32, #tpu.memory_space<hbm>>
    %dma_wait3A_142 = arith.constant 0 : i32
    %dma_wait3A_143 = tpu.memref_slice %arg6[%mul3A_2, %dma_wait3A_142] : memref<320000x128xf32, #tpu.memory_space<hbm>> -> memref<80x128xf32, #tpu.memory_space<hbm>>
    tpu.wait_dma2 semaphore(%arg20 : memref<!tpu.dma_semaphore, #tpu.memory_space<semaphore_mem>>) src(%arg14 : memref<80x128xf32, #tpu.memory_space<vmem>>) dst(%dma_wait3A_143 : memref<80x128xf32, #tpu.memory_space<hbm>>)
    return
  }
}

#map = affine_map<(d0, d1) -> (0, 0)>
#map1 = affine_map<(d0, d1) -> (0, 0, 0)>
module attributes {stable_mosaic.version = 14 : i64} {
  func.func @_scatter_sum_body(%arg0: i32, %arg1: i32, %arg2: memref<320000x128xf32, #tpu.memory_space<hbm>>, %arg3: memref<32x125x80xi32, #tpu.memory_space<hbm>>, %arg4: memref<20480x128xf32, #tpu.memory_space<hbm>>, %arg5: memref<125x80xi32, #tpu.memory_space<vmem>>, %arg6: memref<80x128xf32, #tpu.memory_space<vmem>>, %arg7: memref<80x128xf32, #tpu.memory_space<vmem>>, %arg8: memref<10240x128xf32, #tpu.memory_space<vmem_shared>>, %arg9: memref<!tpu.dma_semaphore, #tpu.memory_space<semaphore_mem>>, %arg10: memref<!tpu.dma_semaphore, #tpu.memory_space<semaphore_mem>>) attributes {dimension_semantics = [#tpu.dimension_semantics<core_parallel>, #tpu.dimension_semantics<subcore_parallel>], iteration_bounds = array<i64: 2, 16>, scalar_prefetch = 0 : i64, scratch_operands = 6 : i64, tpu.core_type = #tpu.core_type<sc_vector_subcore>, window_params = [{transform_indices = #map}, {transform_indices = #map1}, {transform_indices = #map}]} {
    %mul3A = arith.constant 2 : i32
    %mul3A_0 = arith.muli %arg1, %mul3A : i32
    %add3A = arith.addi %mul3A_0, %arg0 : i32
    %broadcast_in_dim3A = arith.constant 0.000000e+00 : f32
    %broadcast_in_dim3A_1 = vector.broadcast %broadcast_in_dim3A : f32 to vector<16xf32>
    %scan3A = arith.constant 0 : i32
    %scan3A_2 = arith.constant 0 : i32
    %scan3A_3 = arith.constant 80 : i32
    %scan3A_4 = arith.addi %scan3A_2, %scan3A_3 : i32
    %scan3A_5 = arith.constant 1 : i32
    scf.for %scan3A_42 = %scan3A_2 to %scan3A_4 step %scan3A_5  : i32 {
      %swap3A = arith.index_cast %scan3A_42 : i32 to index
      %swap3A_43 = arith.constant 0 : index
      %swap3A_44 = tpu.vector_load %arg6[%swap3A, %swap3A_43] {strides = array<i32>} : memref<80x128xf32, #tpu.memory_space<vmem>>, vector<1x16xf32>,
      %swap3A_45 = vector.shape_cast %swap3A_44 : vector<1x16xf32> to vector<16xf32>
      %swap3A_46 = vector.shape_cast %broadcast_in_dim3A_1 : vector<16xf32> to vector<1x16xf32>
      tpu.vector_store %arg6[%swap3A, %swap3A_43], %swap3A_46 {strides = array<i32>} : memref<80x128xf32, #tpu.memory_space<vmem>>, vector<1x16xf32>,
      %swap3A_47 = arith.index_cast %scan3A_42 : i32 to index
      %swap3A_48 = arith.constant 16 : index
      %swap3A_49 = tpu.vector_load %arg6[%swap3A_47, %swap3A_48] {strides = array<i32>} : memref<80x128xf32, #tpu.memory_space<vmem>>, vector<1x16xf32>,
      %swap3A_50 = vector.shape_cast %swap3A_49 : vector<1x16xf32> to vector<16xf32>
      %swap3A_51 = vector.shape_cast %broadcast_in_dim3A_1 : vector<16xf32> to vector<1x16xf32>
      tpu.vector_store %arg6[%swap3A_47, %swap3A_48], %swap3A_51 {strides = array<i32>} : memref<80x128xf32, #tpu.memory_space<vmem>>, vector<1x16xf32>,
      %swap3A_52 = arith.index_cast %scan3A_42 : i32 to index
      %swap3A_53 = arith.constant 32 : index
      %swap3A_54 = tpu.vector_load %arg6[%swap3A_52, %swap3A_53] {strides = array<i32>} : memref<80x128xf32, #tpu.memory_space<vmem>>, vector<1x16xf32>,
      %swap3A_55 = vector.shape_cast %swap3A_54 : vector<1x16xf32> to vector<16xf32>
      %swap3A_56 = vector.shape_cast %broadcast_in_dim3A_1 : vector<16xf32> to vector<1x16xf32>
      tpu.vector_store %arg6[%swap3A_52, %swap3A_53], %swap3A_56 {strides = array<i32>} : memref<80x128xf32, #tpu.memory_space<vmem>>, vector<1x16xf32>,
      %swap3A_57 = arith.index_cast %scan3A_42 : i32 to index
      %swap3A_58 = arith.constant 48 : index
      %swap3A_59 = tpu.vector_load %arg6[%swap3A_57, %swap3A_58] {strides = array<i32>} : memref<80x128xf32, #tpu.memory_space<vmem>>, vector<1x16xf32>,
      %swap3A_60 = vector.shape_cast %swap3A_59 : vector<1x16xf32> to vector<16xf32>
      %swap3A_61 = vector.shape_cast %broadcast_in_dim3A_1 : vector<16xf32> to vector<1x16xf32>
      tpu.vector_store %arg6[%swap3A_57, %swap3A_58], %swap3A_61 {strides = array<i32>} : memref<80x128xf32, #tpu.memory_space<vmem>>, vector<1x16xf32>,
      %swap3A_62 = arith.index_cast %scan3A_42 : i32 to index
      %swap3A_63 = arith.constant 64 : index
      %swap3A_64 = tpu.vector_load %arg6[%swap3A_62, %swap3A_63] {strides = array<i32>} : memref<80x128xf32, #tpu.memory_space<vmem>>, vector<1x16xf32>,
      %swap3A_65 = vector.shape_cast %swap3A_64 : vector<1x16xf32> to vector<16xf32>
      %swap3A_66 = vector.shape_cast %broadcast_in_dim3A_1 : vector<16xf32> to vector<1x16xf32>
      tpu.vector_store %arg6[%swap3A_62, %swap3A_63], %swap3A_66 {strides = array<i32>} : memref<80x128xf32, #tpu.memory_space<vmem>>, vector<1x16xf32>,
      %swap3A_67 = arith.index_cast %scan3A_42 : i32 to index
      %swap3A_68 = arith.constant 80 : index
      %swap3A_69 = tpu.vector_load %arg6[%swap3A_67, %swap3A_68] {strides = array<i32>} : memref<80x128xf32, #tpu.memory_space<vmem>>, vector<1x16xf32>,
      %swap3A_70 = vector.shape_cast %swap3A_69 : vector<1x16xf32> to vector<16xf32>
      %swap3A_71 = vector.shape_cast %broadcast_in_dim3A_1 : vector<16xf32> to vector<1x16xf32>
      tpu.vector_store %arg6[%swap3A_67, %swap3A_68], %swap3A_71 {strides = array<i32>} : memref<80x128xf32, #tpu.memory_space<vmem>>, vector<1x16xf32>,
      %swap3A_72 = arith.index_cast %scan3A_42 : i32 to index
      %swap3A_73 = arith.constant 96 : index
      %swap3A_74 = tpu.vector_load %arg6[%swap3A_72, %swap3A_73] {strides = array<i32>} : memref<80x128xf32, #tpu.memory_space<vmem>>, vector<1x16xf32>,
      %swap3A_75 = vector.shape_cast %swap3A_74 : vector<1x16xf32> to vector<16xf32>
      %swap3A_76 = vector.shape_cast %broadcast_in_dim3A_1 : vector<16xf32> to vector<1x16xf32>
      tpu.vector_store %arg6[%swap3A_72, %swap3A_73], %swap3A_76 {strides = array<i32>} : memref<80x128xf32, #tpu.memory_space<vmem>>, vector<1x16xf32>,
      %swap3A_77 = arith.index_cast %scan3A_42 : i32 to index
      %swap3A_78 = arith.constant 112 : index
      %swap3A_79 = tpu.vector_load %arg6[%swap3A_77, %swap3A_78] {strides = array<i32>} : memref<80x128xf32, #tpu.memory_space<vmem>>, vector<1x16xf32>,
      %swap3A_80 = vector.shape_cast %swap3A_79 : vector<1x16xf32> to vector<16xf32>
      %swap3A_81 = vector.shape_cast %broadcast_in_dim3A_1 : vector<16xf32> to vector<1x16xf32>
      tpu.vector_store %arg6[%swap3A_77, %swap3A_78], %swap3A_81 {strides = array<i32>} : memref<80x128xf32, #tpu.memory_space<vmem>>, vector<1x16xf32>,
    }
    %scan3A_6 = arith.constant 80 : i32
    %scan3A_7 = arith.constant 0 : i32
    %scan3A_8 = arith.constant 0 : i32
    %scan3A_9 = arith.constant 8 : i32
    %scan3A_10 = arith.addi %scan3A_8, %scan3A_9 : i32
    %scan3A_11 = arith.constant 1 : i32
    scf.for %scan3A_42 = %scan3A_8 to %scan3A_10 step %scan3A_11  : i32 {
      %mul3A_43 = arith.constant 640 : i32
      %mul3A_44 = arith.muli %arg1, %mul3A_43 : i32
      %mul3A_45 = arith.constant 80 : i32
      %mul3A_46 = arith.muli %scan3A_42, %mul3A_45 : i32
      %add3A_47 = arith.addi %mul3A_44, %mul3A_46 : i32
      "tpu.region"() ({
        %run_scoped3A_48 = tpu.sem_alloc : memref<!tpu.dma_semaphore, #tpu.memory_space<semaphore_mem>>
        %dma_start3A_49 = arith.constant 0 : i32
        %dma_start3A_50 = tpu.memref_slice %arg8[%add3A_47, %dma_start3A_49] : memref<10240x128xf32, #tpu.memory_space<vmem_shared>> -> memref<80x128xf32, #tpu.memory_space<vmem_shared>>
        %dma_start3A_51 = arith.constant 0 : i32
        %dma_start3A_52 = tpu.memref_slice %arg8[%add3A_47, %dma_start3A_51] : memref<10240x128xf32, #tpu.memory_space<vmem_shared>> -> memref<80x128xf32, #tpu.memory_space<vmem_shared>>
        tpu.enqueue_dma source(%arg6 : memref<80x128xf32, #tpu.memory_space<vmem>>) target(%dma_start3A_52 : memref<80x128xf32, #tpu.memory_space<vmem_shared>>) target_semaphore(%run_scoped3A_48 : memref<!tpu.dma_semaphore, #tpu.memory_space<semaphore_mem>>)
        %dma_wait3A_53 = arith.constant 0 : i32
        %dma_wait3A_54 = tpu.memref_slice %arg8[%add3A_47, %dma_wait3A_53] : memref<10240x128xf32, #tpu.memory_space<vmem_shared>> -> memref<80x128xf32, #tpu.memory_space<vmem_shared>>
        %dma_wait3A_55 = arith.constant 0 : i32
        %dma_wait3A_56 = tpu.memref_slice %arg8[%add3A_47, %dma_wait3A_55] : memref<10240x128xf32, #tpu.memory_space<vmem_shared>> -> memref<80x128xf32, #tpu.memory_space<vmem_shared>>
        tpu.wait_dma2 semaphore(%run_scoped3A_48 : memref<!tpu.dma_semaphore, #tpu.memory_space<semaphore_mem>>) src(%arg6 : memref<80x128xf32, #tpu.memory_space<vmem>>) dst(%dma_wait3A_56 : memref<80x128xf32, #tpu.memory_space<vmem_shared>>)
        tpu.yield
      }) : () -> ()
    }
    %scan3A_12 = arith.constant 8 : i32
    "tpu.region"() ({
      %run_scoped3A_42 = tpu.sem_alloc : memref<!tpu.dma_semaphore, #tpu.memory_space<semaphore_mem>>
      %dma_start3A_43 = arith.constant 0 : i32
      %dma_start3A_44 = arith.constant 0 : i32
      %dma_start3A_45 = tpu.memref_slice %arg3[%add3A, %dma_start3A_43, %dma_start3A_44] : memref<32x125x80xi32, #tpu.memory_space<hbm>> -> memref<1x125x80xi32, #tpu.memory_space<hbm>>
      %dma_start3A_46 = tpu.memref_squeeze %dma_start3A_45 : memref<1x125x80xi32, #tpu.memory_space<hbm>> -> memref<125x80xi32, #tpu.memory_space<hbm>>
      %dma_start3A_47 = arith.constant 0 : i32
      %dma_start3A_48 = arith.constant 0 : i32
      %dma_start3A_49 = tpu.memref_slice %arg3[%add3A, %dma_start3A_47, %dma_start3A_48] : memref<32x125x80xi32, #tpu.memory_space<hbm>> -> memref<1x125x80xi32, #tpu.memory_space<hbm>>
      %dma_start3A_50 = tpu.memref_squeeze %dma_start3A_49 : memref<1x125x80xi32, #tpu.memory_space<hbm>> -> memref<125x80xi32, #tpu.memory_space<hbm>>
      tpu.enqueue_dma source(%dma_start3A_50 : memref<125x80xi32, #tpu.memory_space<hbm>>) target(%arg5 : memref<125x80xi32, #tpu.memory_space<vmem>>) target_semaphore(%run_scoped3A_42 : memref<!tpu.dma_semaphore, #tpu.memory_space<semaphore_mem>>)
      %dma_wait3A_51 = arith.constant 0 : i32
      %dma_wait3A_52 = arith.constant 0 : i32
      %dma_wait3A_53 = tpu.memref_slice %arg3[%add3A, %dma_wait3A_51, %dma_wait3A_52] : memref<32x125x80xi32, #tpu.memory_space<hbm>> -> memref<1x125x80xi32, #tpu.memory_space<hbm>>
      %dma_wait3A_54 = tpu.memref_squeeze %dma_wait3A_53 : memref<1x125x80xi32, #tpu.memory_space<hbm>> -> memref<125x80xi32, #tpu.memory_space<hbm>>
      %dma_wait3A_55 = arith.constant 0 : i32
      %dma_wait3A_56 = arith.constant 0 : i32
      %dma_wait3A_57 = tpu.memref_slice %arg3[%add3A, %dma_wait3A_55, %dma_wait3A_56] : memref<32x125x80xi32, #tpu.memory_space<hbm>> -> memref<1x125x80xi32, #tpu.memory_space<hbm>>
      %dma_wait3A_58 = tpu.memref_squeeze %dma_wait3A_57 : memref<1x125x80xi32, #tpu.memory_space<hbm>> -> memref<125x80xi32, #tpu.memory_space<hbm>>
      tpu.wait_dma2 semaphore(%run_scoped3A_42 : memref<!tpu.dma_semaphore, #tpu.memory_space<semaphore_mem>>) src(%dma_wait3A_58 : memref<125x80xi32, #tpu.memory_space<hbm>>) dst(%arg5 : memref<125x80xi32, #tpu.memory_space<vmem>>)
      tpu.yield
    }) : () -> ()
    %barrier3A = arith.constant 0 : index
    tpu.barrier barrier_id(%barrier3A)
    %mul3A_13 = arith.constant 10000 : i32
    %mul3A_14 = arith.muli %add3A, %mul3A_13 : i32
    %add3A_15 = arith.constant 0 : i32
    %add3A_16 = arith.addi %mul3A_14, %add3A_15 : i32
    %dma_start3A = arith.constant 0 : i32
    %dma_start3A_17 = tpu.memref_slice %arg2[%add3A_16, %dma_start3A] : memref<320000x128xf32, #tpu.memory_space<hbm>> -> memref<80x128xf32, #tpu.memory_space<hbm>>
    %dma_start3A_18 = arith.constant 0 : i32
    %dma_start3A_19 = tpu.memref_slice %arg2[%add3A_16, %dma_start3A_18] : memref<320000x128xf32, #tpu.memory_space<hbm>> -> memref<80x128xf32, #tpu.memory_space<hbm>>
    tpu.enqueue_dma source(%dma_start3A_19 : memref<80x128xf32, #tpu.memory_space<hbm>>) target(%arg6 : memref<80x128xf32, #tpu.memory_space<vmem>>) target_semaphore(%arg9 : memref<!tpu.dma_semaphore, #tpu.memory_space<semaphore_mem>>)
    %add3A_20 = arith.constant 80 : i32
    %add3A_21 = arith.addi %mul3A_14, %add3A_20 : i32
    %dma_start3A_22 = arith.constant 0 : i32
    %dma_start3A_23 = tpu.memref_slice %arg2[%add3A_21, %dma_start3A_22] : memref<320000x128xf32, #tpu.memory_space<hbm>> -> memref<80x128xf32, #tpu.memory_space<hbm>>
    %dma_start3A_24 = arith.constant 0 : i32
    %dma_start3A_25 = tpu.memref_slice %arg2[%add3A_21, %dma_start3A_24] : memref<320000x128xf32, #tpu.memory_space<hbm>> -> memref<80x128xf32, #tpu.memory_space<hbm>>
    tpu.enqueue_dma source(%dma_start3A_25 : memref<80x128xf32, #tpu.memory_space<hbm>>) target(%arg7 : memref<80x128xf32, #tpu.memory_space<vmem>>) target_semaphore(%arg10 : memref<!tpu.dma_semaphore, #tpu.memory_space<semaphore_mem>>)
    %scan3A_26 = arith.constant 0 : i32
    %scan3A_27 = arith.constant 0 : i32
    %scan3A_28 = arith.constant 62 : i32
    %scan3A_29 = arith.addi %scan3A_27, %scan3A_28 : i32
    %scan3A_30 = arith.constant 1 : i32
    scf.for %scan3A_42 = %scan3A_27 to %scan3A_29 step %scan3A_30  : i32 {
      %mul3A_43 = arith.constant 2 : i32
      %mul3A_44 = arith.muli %mul3A_43, %scan3A_42 : i32
      %dma_wait3A_45 = arith.constant 0 : i32
      %dma_wait3A_46 = tpu.memref_slice %arg2[%mul3A_14, %dma_wait3A_45] : memref<320000x128xf32, #tpu.memory_space<hbm>> -> memref<80x128xf32, #tpu.memory_space<hbm>>
      %dma_wait3A_47 = arith.constant 0 : i32
      %dma_wait3A_48 = tpu.memref_slice %arg2[%mul3A_14, %dma_wait3A_47] : memref<320000x128xf32, #tpu.memory_space<hbm>> -> memref<80x128xf32, #tpu.memory_space<hbm>>
      tpu.wait_dma2 semaphore(%arg9 : memref<!tpu.dma_semaphore, #tpu.memory_space<semaphore_mem>>) src(%dma_wait3A_48 : memref<80x128xf32, #tpu.memory_space<hbm>>) dst(%arg6 : memref<80x128xf32, #tpu.memory_space<vmem>>)
      "tpu.region"() ({
        %run_scoped3A_68 = tpu.sem_alloc : memref<!tpu.dma_semaphore, #tpu.memory_space<semaphore_mem>>
        %dma_start3A_69 = arith.constant 0 : i32
        %dma_start3A_70 = tpu.memref_slice %arg5[%mul3A_44, %dma_start3A_69] : memref<125x80xi32, #tpu.memory_space<vmem>> -> memref<1x80xi32, #tpu.memory_space<vmem>>
        %dma_start3A_71 = tpu.memref_squeeze %dma_start3A_70 : memref<1x80xi32, #tpu.memory_space<vmem>> -> memref<80xi32, #tpu.memory_space<vmem>>
        %dma_start3A_72 = arith.constant 0 : i32
        %dma_start3A_73 = arith.constant 0 : i32
        %dma_start3A_74 = tpu.memref_slice %arg8[%dma_start3A_72, %dma_start3A_73] : memref<10240x128xf32, #tpu.memory_space<vmem_shared>> -> memref<10240x128xf32, #tpu.memory_space<vmem_shared>>
        tpu.enqueue_indirect_dma source(%arg6 : memref<80x128xf32, #tpu.memory_space<vmem>>) target(%dma_start3A_74 : memref<10240x128xf32, #tpu.memory_space<vmem_shared>>) offsets(%dma_start3A_71 : memref<80xi32, #tpu.memory_space<vmem>>) semaphore(%run_scoped3A_68 : memref<!tpu.dma_semaphore, #tpu.memory_space<semaphore_mem>>) {add = true}
        %dma_wait3A_75 = arith.constant 0 : i32
        %dma_wait3A_76 = tpu.memref_slice %arg5[%mul3A_44, %dma_wait3A_75] : memref<125x80xi32, #tpu.memory_space<vmem>> -> memref<1x80xi32, #tpu.memory_space<vmem>>
        %dma_wait3A_77 = tpu.memref_squeeze %dma_wait3A_76 : memref<1x80xi32, #tpu.memory_space<vmem>> -> memref<80xi32, #tpu.memory_space<vmem>>
        %dma_wait3A_78 = arith.constant 0 : i32
        %dma_wait3A_79 = arith.constant 0 : i32
        %dma_wait3A_80 = tpu.memref_slice %arg8[%dma_wait3A_78, %dma_wait3A_79] : memref<10240x128xf32, #tpu.memory_space<vmem_shared>> -> memref<10240x128xf32, #tpu.memory_space<vmem_shared>>
        tpu.wait_indirect_dma semaphore(%run_scoped3A_68 : memref<!tpu.dma_semaphore, #tpu.memory_space<semaphore_mem>>) src(%arg6 : memref<80x128xf32, #tpu.memory_space<vmem>>) dst(%dma_wait3A_80 : memref<10240x128xf32, #tpu.memory_space<vmem_shared>>)
        tpu.yield
      }) : () -> ()
      %add3A_49 = arith.constant 2 : i32
      %add3A_50 = arith.addi %mul3A_44, %add3A_49 : i32
      %lt3A = arith.constant 125 : i32
      %lt3A_51 = arith.cmpi slt, %add3A_50, %lt3A : i32
      %convert_element_type3A = arith.extui %lt3A_51 : i1 to i32
      %cond3A = arith.constant 0 : i32
      %cond3A_52 = arith.cmpi ne, %convert_element_type3A, %cond3A : i32
      scf.if %cond3A_52 {
        %add3A_68 = arith.constant 2 : i32
        %add3A_69 = arith.addi %mul3A_44, %add3A_68 : i32
        %mul3A_70 = arith.constant 80 : i32
        %mul3A_71 = arith.muli %add3A_69, %mul3A_70 : i32
        %add3A_72 = arith.addi %mul3A_14, %mul3A_71 : i32
        %dma_start3A_73 = arith.constant 0 : i32
        %dma_start3A_74 = tpu.memref_slice %arg2[%add3A_72, %dma_start3A_73] : memref<320000x128xf32, #tpu.memory_space<hbm>> -> memref<80x128xf32, #tpu.memory_space<hbm>>
        %dma_start3A_75 = arith.constant 0 : i32
        %dma_start3A_76 = tpu.memref_slice %arg2[%add3A_72, %dma_start3A_75] : memref<320000x128xf32, #tpu.memory_space<hbm>> -> memref<80x128xf32, #tpu.memory_space<hbm>>
        tpu.enqueue_dma source(%dma_start3A_76 : memref<80x128xf32, #tpu.memory_space<hbm>>) target(%arg6 : memref<80x128xf32, #tpu.memory_space<vmem>>) target_semaphore(%arg9 : memref<!tpu.dma_semaphore, #tpu.memory_space<semaphore_mem>>)
      } else {
      }
      %mul3A_53 = arith.constant 2 : i32
      %mul3A_54 = arith.muli %mul3A_53, %scan3A_42 : i32
      %add3A_55 = arith.constant 1 : i32
      %add3A_56 = arith.addi %mul3A_54, %add3A_55 : i32
      %dma_wait3A_57 = arith.constant 0 : i32
      %dma_wait3A_58 = tpu.memref_slice %arg2[%mul3A_14, %dma_wait3A_57] : memref<320000x128xf32, #tpu.memory_space<hbm>> -> memref<80x128xf32, #tpu.memory_space<hbm>>
      %dma_wait3A_59 = arith.constant 0 : i32
      %dma_wait3A_60 = tpu.memref_slice %arg2[%mul3A_14, %dma_wait3A_59] : memref<320000x128xf32, #tpu.memory_space<hbm>> -> memref<80x128xf32, #tpu.memory_space<hbm>>
      tpu.wait_dma2 semaphore(%arg10 : memref<!tpu.dma_semaphore, #tpu.memory_space<semaphore_mem>>) src(%dma_wait3A_60 : memref<80x128xf32, #tpu.memory_space<hbm>>) dst(%arg7 : memref<80x128xf32, #tpu.memory_space<vmem>>)
      "tpu.region"() ({
        %run_scoped3A_68 = tpu.sem_alloc : memref<!tpu.dma_semaphore, #tpu.memory_space<semaphore_mem>>
        %dma_start3A_69 = arith.constant 0 : i32
        %dma_start3A_70 = tpu.memref_slice %arg5[%add3A_56, %dma_start3A_69] : memref<125x80xi32, #tpu.memory_space<vmem>> -> memref<1x80xi32, #tpu.memory_space<vmem>>
        %dma_start3A_71 = tpu.memref_squeeze %dma_start3A_70 : memref<1x80xi32, #tpu.memory_space<vmem>> -> memref<80xi32, #tpu.memory_space<vmem>>
        %dma_start3A_72 = arith.constant 0 : i32
        %dma_start3A_73 = arith.constant 0 : i32
        %dma_start3A_74 = tpu.memref_slice %arg8[%dma_start3A_72, %dma_start3A_73] : memref<10240x128xf32, #tpu.memory_space<vmem_shared>> -> memref<10240x128xf32, #tpu.memory_space<vmem_shared>>
        tpu.enqueue_indirect_dma source(%arg7 : memref<80x128xf32, #tpu.memory_space<vmem>>) target(%dma_start3A_74 : memref<10240x128xf32, #tpu.memory_space<vmem_shared>>) offsets(%dma_start3A_71 : memref<80xi32, #tpu.memory_space<vmem>>) semaphore(%run_scoped3A_68 : memref<!tpu.dma_semaphore, #tpu.memory_space<semaphore_mem>>) {add = true}
        %dma_wait3A_75 = arith.constant 0 : i32
        %dma_wait3A_76 = tpu.memref_slice %arg5[%add3A_56, %dma_wait3A_75] : memref<125x80xi32, #tpu.memory_space<vmem>> -> memref<1x80xi32, #tpu.memory_space<vmem>>
        %dma_wait3A_77 = tpu.memref_squeeze %dma_wait3A_76 : memref<1x80xi32, #tpu.memory_space<vmem>> -> memref<80xi32, #tpu.memory_space<vmem>>
        %dma_wait3A_78 = arith.constant 0 : i32
        %dma_wait3A_79 = arith.constant 0 : i32
        %dma_wait3A_80 = tpu.memref_slice %arg8[%dma_wait3A_78, %dma_wait3A_79] : memref<10240x128xf32, #tpu.memory_space<vmem_shared>> -> memref<10240x128xf32, #tpu.memory_space<vmem_shared>>
        tpu.wait_indirect_dma semaphore(%run_scoped3A_68 : memref<!tpu.dma_semaphore, #tpu.memory_space<semaphore_mem>>) src(%arg7 : memref<80x128xf32, #tpu.memory_space<vmem>>) dst(%dma_wait3A_80 : memref<10240x128xf32, #tpu.memory_space<vmem_shared>>)
        tpu.yield
      }) : () -> ()
      %add3A_61 = arith.constant 2 : i32
      %add3A_62 = arith.addi %add3A_56, %add3A_61 : i32
      %lt3A_63 = arith.constant 125 : i32
      %lt3A_64 = arith.cmpi slt, %add3A_62, %lt3A_63 : i32
      %convert_element_type3A_65 = arith.extui %lt3A_64 : i1 to i32
      %cond3A_66 = arith.constant 0 : i32
      %cond3A_67 = arith.cmpi ne, %convert_element_type3A_65, %cond3A_66 : i32
      scf.if %cond3A_67 {
        %add3A_68 = arith.constant 2 : i32
        %add3A_69 = arith.addi %add3A_56, %add3A_68 : i32
        %mul3A_70 = arith.constant 80 : i32
        %mul3A_71 = arith.muli %add3A_69, %mul3A_70 : i32
        %add3A_72 = arith.addi %mul3A_14, %mul3A_71 : i32
        %dma_start3A_73 = arith.constant 0 : i32
        %dma_start3A_74 = tpu.memref_slice %arg2[%add3A_72, %dma_start3A_73] : memref<320000x128xf32, #tpu.memory_space<hbm>> -> memref<80x128xf32, #tpu.memory_space<hbm>>
        %dma_start3A_75 = arith.constant 0 : i32
        %dma_start3A_76 = tpu.memref_slice %arg2[%add3A_72, %dma_start3A_75] : memref<320000x128xf32, #tpu.memory_space<hbm>> -> memref<80x128xf32, #tpu.memory_space<hbm>>
        tpu.enqueue_dma source(%dma_start3A_76 : memref<80x128xf32, #tpu.memory_space<hbm>>) target(%arg7 : memref<80x128xf32, #tpu.memory_space<vmem>>) target_semaphore(%arg10 : memref<!tpu.dma_semaphore, #tpu.memory_space<semaphore_mem>>)
      } else {
      }
    }
    %scan3A_31 = arith.constant 62 : i32
    %dma_wait3A = arith.constant 0 : i32
    %dma_wait3A_32 = tpu.memref_slice %arg2[%mul3A_14, %dma_wait3A] : memref<320000x128xf32, #tpu.memory_space<hbm>> -> memref<80x128xf32, #tpu.memory_space<hbm>>
    %dma_wait3A_33 = arith.constant 0 : i32
    %dma_wait3A_34 = tpu.memref_slice %arg2[%mul3A_14, %dma_wait3A_33] : memref<320000x128xf32, #tpu.memory_space<hbm>> -> memref<80x128xf32, #tpu.memory_space<hbm>>
    tpu.wait_dma2 semaphore(%arg9 : memref<!tpu.dma_semaphore, #tpu.memory_space<semaphore_mem>>) src(%dma_wait3A_34 : memref<80x128xf32, #tpu.memory_space<hbm>>) dst(%arg6 : memref<80x128xf32, #tpu.memory_space<vmem>>)
    %run_scoped3A = arith.constant 124 : i32
    "tpu.region"() ({
      %run_scoped3A_42 = tpu.sem_alloc : memref<!tpu.dma_semaphore, #tpu.memory_space<semaphore_mem>>
      %dma_start3A_43 = arith.constant 0 : i32
      %dma_start3A_44 = tpu.memref_slice %arg5[%run_scoped3A, %dma_start3A_43] : memref<125x80xi32, #tpu.memory_space<vmem>> -> memref<1x80xi32, #tpu.memory_space<vmem>>
      %dma_start3A_45 = tpu.memref_squeeze %dma_start3A_44 : memref<1x80xi32, #tpu.memory_space<vmem>> -> memref<80xi32, #tpu.memory_space<vmem>>
      %dma_start3A_46 = arith.constant 0 : i32
      %dma_start3A_47 = arith.constant 0 : i32
      %dma_start3A_48 = tpu.memref_slice %arg8[%dma_start3A_46, %dma_start3A_47] : memref<10240x128xf32, #tpu.memory_space<vmem_shared>> -> memref<10240x128xf32, #tpu.memory_space<vmem_shared>>
      tpu.enqueue_indirect_dma source(%arg6 : memref<80x128xf32, #tpu.memory_space<vmem>>) target(%dma_start3A_48 : memref<10240x128xf32, #tpu.memory_space<vmem_shared>>) offsets(%dma_start3A_45 : memref<80xi32, #tpu.memory_space<vmem>>) semaphore(%run_scoped3A_42 : memref<!tpu.dma_semaphore, #tpu.memory_space<semaphore_mem>>) {add = true}
      %dma_wait3A_49 = arith.constant 0 : i32
      %dma_wait3A_50 = tpu.memref_slice %arg5[%run_scoped3A, %dma_wait3A_49] : memref<125x80xi32, #tpu.memory_space<vmem>> -> memref<1x80xi32, #tpu.memory_space<vmem>>
      %dma_wait3A_51 = tpu.memref_squeeze %dma_wait3A_50 : memref<1x80xi32, #tpu.memory_space<vmem>> -> memref<80xi32, #tpu.memory_space<vmem>>
      %dma_wait3A_52 = arith.constant 0 : i32
      %dma_wait3A_53 = arith.constant 0 : i32
      %dma_wait3A_54 = tpu.memref_slice %arg8[%dma_wait3A_52, %dma_wait3A_53] : memref<10240x128xf32, #tpu.memory_space<vmem_shared>> -> memref<10240x128xf32, #tpu.memory_space<vmem_shared>>
      tpu.wait_indirect_dma semaphore(%run_scoped3A_42 : memref<!tpu.dma_semaphore, #tpu.memory_space<semaphore_mem>>) src(%arg6 : memref<80x128xf32, #tpu.memory_space<vmem>>) dst(%dma_wait3A_54 : memref<10240x128xf32, #tpu.memory_space<vmem_shared>>)
      tpu.yield
    }) : () -> ()
    %barrier3A_35 = arith.constant 0 : index
    tpu.barrier barrier_id(%barrier3A_35)
    %scan3A_36 = arith.constant 0 : i32
    %scan3A_37 = arith.constant 0 : i32
    %scan3A_38 = arith.constant 8 : i32
    %scan3A_39 = arith.addi %scan3A_37, %scan3A_38 : i32
    %scan3A_40 = arith.constant 1 : i32
    scf.for %scan3A_42 = %scan3A_37 to %scan3A_39 step %scan3A_40  : i32 {
      %mul3A_43 = arith.constant 640 : i32
      %mul3A_44 = arith.muli %arg1, %mul3A_43 : i32
      %mul3A_45 = arith.constant 80 : i32
      %mul3A_46 = arith.muli %scan3A_42, %mul3A_45 : i32
      %add3A_47 = arith.addi %mul3A_44, %mul3A_46 : i32
      %mul3A_48 = arith.constant 10240 : i32
      %mul3A_49 = arith.muli %arg0, %mul3A_48 : i32
      %add3A_50 = arith.addi %mul3A_49, %add3A_47 : i32
      "tpu.region"() ({
        %run_scoped3A_51 = tpu.sem_alloc : memref<!tpu.dma_semaphore, #tpu.memory_space<semaphore_mem>>
        %dma_start3A_52 = arith.constant 0 : i32
        %dma_start3A_53 = tpu.memref_slice %arg4[%add3A_50, %dma_start3A_52] : memref<20480x128xf32, #tpu.memory_space<hbm>> -> memref<80x128xf32, #tpu.memory_space<hbm>>
        %dma_start3A_54 = arith.constant 0 : i32
        %dma_start3A_55 = tpu.memref_slice %arg8[%add3A_47, %dma_start3A_54] : memref<10240x128xf32, #tpu.memory_space<vmem_shared>> -> memref<80x128xf32, #tpu.memory_space<vmem_shared>>
        tpu.enqueue_dma source(%dma_start3A_55 : memref<80x128xf32, #tpu.memory_space<vmem_shared>>) target(%dma_start3A_53 : memref<80x128xf32, #tpu.memory_space<hbm>>) target_semaphore(%run_scoped3A_51 : memref<!tpu.dma_semaphore, #tpu.memory_space<semaphore_mem>>)
        %dma_wait3A_56 = arith.constant 0 : i32
        %dma_wait3A_57 = tpu.memref_slice %arg4[%add3A_50, %dma_wait3A_56] : memref<20480x128xf32, #tpu.memory_space<hbm>> -> memref<80x128xf32, #tpu.memory_space<hbm>>
        %dma_wait3A_58 = arith.constant 0 : i32
        %dma_wait3A_59 = tpu.memref_slice %arg8[%add3A_47, %dma_wait3A_58] : memref<10240x128xf32, #tpu.memory_space<vmem_shared>> -> memref<80x128xf32, #tpu.memory_space<vmem_shared>>
        tpu.wait_dma2 semaphore(%run_scoped3A_51 : memref<!tpu.dma_semaphore, #tpu.memory_space<semaphore_mem>>) src(%dma_wait3A_59 : memref<80x128xf32, #tpu.memory_space<vmem_shared>>) dst(%dma_wait3A_57 : memref<80x128xf32, #tpu.memory_space<hbm>>)
        tpu.yield
      }) : () -> ()
    }
    %scan3A_41 = arith.constant 8 : i32
    return
  }
}

module attributes {stable_mosaic.version = 14 : i64} {
  func.func @_proj_body(%arg0: i32, %arg1: memref<2000x128xf32, #tpu.memory_space<vmem>>, %arg2: memref<128x128xf32, #tpu.memory_space<vmem>>, %arg3: memref<128x128xf32, #tpu.memory_space<vmem>>, %arg4: memref<2000x128xf32, #tpu.memory_space<vmem>>, %arg5: memref<2000x128xf32, #tpu.memory_space<vmem>>) attributes {dimension_semantics = [#tpu.dimension_semantics<arbitrary>], iteration_bounds = array<i64: 5>, scalar_prefetch = 0 : i64, scratch_operands = 0 : i64, tpu.core_type = #tpu.core_type<tc>, window_params = [{transform_indices = @transform_0, window_bounds = array<i64: 2000, 128>}, {pipeline_mode = #tpu.pipeline_mode<synchronous>, transform_indices = @transform_1, window_bounds = array<i64: 128, 128>}, {pipeline_mode = #tpu.pipeline_mode<synchronous>, transform_indices = @transform_2, window_bounds = array<i64: 128, 128>}, {transform_indices = @transform_3, window_bounds = array<i64: 2000, 128>}, {transform_indices = @transform_4, window_bounds = array<i64: 2000, 128>}]} {
    %get3A = arith.constant 0 : index
    %get3A_0 = arith.constant 0 : index
    %get3A_1 = vector.load %arg1[%get3A, %get3A_0] : memref<2000x128xf32, #tpu.memory_space<vmem>>, vector<2000x128xf32>
    %get3A_2 = arith.constant 0 : index
    %get3A_3 = arith.constant 0 : index
    %get3A_4 = vector.load %arg2[%get3A_2, %get3A_3] : memref<128x128xf32, #tpu.memory_space<vmem>>, vector<128x128xf32>
    %dot_general3A = arith.constant dense<0.000000e+00> : vector<2000x128xf32>
    %dot_general3A_5 = tpu.matmul %get3A_1, %get3A_4, %dot_general3A {dimension_numbers = #tpu.dot_dimension_numbers<[1], [0], [0], [1], [0, 0, 1, 1], [], []>, transpose_lhs_hint = false} : vector<2000x128xf32>, vector<128x128xf32>, vector<2000x128xf32> -> vector<2000x128xf32>
    %swap3A = arith.constant 0 : index
    %swap3A_6 = arith.constant 0 : index
    %swap3A_7 = vector.load %arg4[%swap3A, %swap3A_6] : memref<2000x128xf32, #tpu.memory_space<vmem>>, vector<2000x128xf32>
    tpu.vector_store %arg4[%swap3A, %swap3A_6], %dot_general3A_5 {strides = array<i32>} : memref<2000x128xf32, #tpu.memory_space<vmem>>, vector<2000x128xf32>,
    %get3A_8 = arith.constant 0 : index
    %get3A_9 = arith.constant 0 : index
    %get3A_10 = vector.load %arg3[%get3A_8, %get3A_9] : memref<128x128xf32, #tpu.memory_space<vmem>>, vector<128x128xf32>
    %dot_general3A_11 = arith.constant dense<0.000000e+00> : vector<2000x128xf32>
    %dot_general3A_12 = tpu.matmul %get3A_1, %get3A_10, %dot_general3A_11 {dimension_numbers = #tpu.dot_dimension_numbers<[1], [0], [0], [1], [0, 0, 1, 1], [], []>, transpose_lhs_hint = false} : vector<2000x128xf32>, vector<128x128xf32>, vector<2000x128xf32> -> vector<2000x128xf32>
    %swap3A_13 = arith.constant 0 : index
    %swap3A_14 = arith.constant 0 : index
    %swap3A_15 = vector.load %arg5[%swap3A_13, %swap3A_14] : memref<2000x128xf32, #tpu.memory_space<vmem>>, vector<2000x128xf32>
    tpu.vector_store %arg5[%swap3A_13, %swap3A_14], %dot_general3A_12 {strides = array<i32>} : memref<2000x128xf32, #tpu.memory_space<vmem>>, vector<2000x128xf32>,
    return
  }
  func.func @transform_0(%arg0: i32) -> (i32, i32) {
    %c0_i32 = arith.constant 0 : i32
    %c0_i32_0 = arith.constant 0 : i32
    return %arg0, %c0_i32 : i32, i32
  }
  func.func @transform_1(%arg0: i32) -> (i32, i32) {
    %c0_i32 = arith.constant 0 : i32
    %c0_i32_0 = arith.constant 0 : i32
    %c0_i32_1 = arith.constant 0 : i32
    return %c0_i32, %c0_i32_0 : i32, i32
  }
  func.func @transform_2(%arg0: i32) -> (i32, i32) {
    %c0_i32 = arith.constant 0 : i32
    %c0_i32_0 = arith.constant 0 : i32
    %c0_i32_1 = arith.constant 0 : i32
    return %c0_i32, %c0_i32_0 : i32, i32
  }
  func.func @transform_3(%arg0: i32) -> (i32, i32) {
    %c0_i32 = arith.constant 0 : i32
    %c0_i32_0 = arith.constant 0 : i32
    return %arg0, %c0_i32 : i32, i32
  }
  func.func @transform_4(%arg0: i32) -> (i32, i32) {
    %c0_i32 = arith.constant 0 : i32
    %c0_i32_0 = arith.constant 0 : i32
    return %arg0, %c0_i32 : i32, i32
  }
}

module attributes {stable_mosaic.version = 14 : i64} {
  func.func @_edge_mlp_body(%arg0: i32, %arg1: memref<2000x128xf32, #tpu.memory_space<vmem>>, %arg2: memref<2000x16xf32, #tpu.memory_space<vmem>>, %arg3: memref<16x128xf32, #tpu.memory_space<vmem>>, %arg4: memref<1x128xf32, #tpu.memory_space<vmem>>, %arg5: memref<128x128xf32, #tpu.memory_space<vmem>>, %arg6: memref<1x128xf32, #tpu.memory_space<vmem>>, %arg7: memref<2000x128xf32, #tpu.memory_space<vmem>>) attributes {dimension_semantics = [#tpu.dimension_semantics<arbitrary>], iteration_bounds = array<i64: 160>, scalar_prefetch = 0 : i64, scratch_operands = 0 : i64, tpu.core_type = #tpu.core_type<tc>, window_params = [{transform_indices = @transform_0, window_bounds = array<i64: 2000, 128>}, {transform_indices = @transform_1, window_bounds = array<i64: 2000, 16>}, {pipeline_mode = #tpu.pipeline_mode<synchronous>, transform_indices = @transform_2, window_bounds = array<i64: 16, 128>}, {pipeline_mode = #tpu.pipeline_mode<synchronous>, transform_indices = @transform_3, window_bounds = array<i64: 1, 128>}, {pipeline_mode = #tpu.pipeline_mode<synchronous>, transform_indices = @transform_4, window_bounds = array<i64: 128, 128>}, {pipeline_mode = #tpu.pipeline_mode<synchronous>, transform_indices = @transform_5, window_bounds = array<i64: 1, 128>}, {transform_indices = @transform_6, window_bounds = array<i64: 2000, 128>}]} {
    %get3A = arith.constant 0 : index
    %get3A_0 = arith.constant 0 : index
    %get3A_1 = vector.load %arg1[%get3A, %get3A_0] : memref<2000x128xf32, #tpu.memory_space<vmem>>, vector<2000x128xf32>
    %get3A_2 = arith.constant 0 : index
    %get3A_3 = arith.constant 0 : index
    %get3A_4 = vector.load %arg2[%get3A_2, %get3A_3] : memref<2000x16xf32, #tpu.memory_space<vmem>>, vector<2000x16xf32>
    %get3A_5 = arith.constant 0 : index
    %get3A_6 = arith.constant 0 : index
    %get3A_7 = vector.load %arg3[%get3A_5, %get3A_6] : memref<16x128xf32, #tpu.memory_space<vmem>>, vector<16x128xf32>
    %dot_general3A = arith.constant dense<0.000000e+00> : vector<2000x128xf32>
    %dot_general3A_8 = tpu.matmul %get3A_4, %get3A_7, %dot_general3A {dimension_numbers = #tpu.dot_dimension_numbers<[1], [0], [0], [1], [0, 0, 1, 1], [], []>, transpose_lhs_hint = false} : vector<2000x16xf32>, vector<16x128xf32>, vector<2000x128xf32> -> vector<2000x128xf32>
    %add3A = arith.addf %get3A_1, %dot_general3A_8 : vector<2000x128xf32>
    %get3A_9 = arith.constant 0 : index
    %get3A_10 = arith.constant 0 : index
    %get3A_11 = vector.load %arg4[%get3A_9, %get3A_10] : memref<1x128xf32, #tpu.memory_space<vmem>>, vector<1x128xf32>
    %add3A_12 = vector.broadcast %get3A_11 : vector<1x128xf32> to vector<2000x128xf32>
    %add3A_13 = arith.addf %add3A, %add3A_12 : vector<2000x128xf32>
    %max3A = arith.constant 0.000000e+00 : f32
    %max3A_14 = vector.broadcast %max3A : f32 to vector<2000x128xf32>
    %max3A_15 = arith.maximumf %add3A_13, %max3A_14 : vector<2000x128xf32>
    %get3A_16 = arith.constant 0 : index
    %get3A_17 = arith.constant 0 : index
    %get3A_18 = vector.load %arg5[%get3A_16, %get3A_17] : memref<128x128xf32, #tpu.memory_space<vmem>>, vector<128x128xf32>
    %dot_general3A_19 = arith.constant dense<0.000000e+00> : vector<2000x128xf32>
    %dot_general3A_20 = tpu.matmul %max3A_15, %get3A_18, %dot_general3A_19 {dimension_numbers = #tpu.dot_dimension_numbers<[1], [0], [0], [1], [0, 0, 1, 1], [], []>, transpose_lhs_hint = false} : vector<2000x128xf32>, vector<128x128xf32>, vector<2000x128xf32> -> vector<2000x128xf32>
    %get3A_21 = arith.constant 0 : index
    %get3A_22 = arith.constant 0 : index
    %get3A_23 = vector.load %arg6[%get3A_21, %get3A_22] : memref<1x128xf32, #tpu.memory_space<vmem>>, vector<1x128xf32>
    %add3A_24 = vector.broadcast %get3A_23 : vector<1x128xf32> to vector<2000x128xf32>
    %add3A_25 = arith.addf %dot_general3A_20, %add3A_24 : vector<2000x128xf32>
    %swap3A = arith.constant 0 : index
    %swap3A_26 = arith.constant 0 : index
    %swap3A_27 = vector.load %arg7[%swap3A, %swap3A_26] : memref<2000x128xf32, #tpu.memory_space<vmem>>, vector<2000x128xf32>
    tpu.vector_store %arg7[%swap3A, %swap3A_26], %add3A_25 {strides = array<i32>} : memref<2000x128xf32, #tpu.memory_space<vmem>>, vector<2000x128xf32>,
    return
  }
  func.func @transform_0(%arg0: i32) -> (i32, i32) {
    %c0_i32 = arith.constant 0 : i32
    %c0_i32_0 = arith.constant 0 : i32
    return %arg0, %c0_i32 : i32, i32
  }
  func.func @transform_1(%arg0: i32) -> (i32, i32) {
    %c0_i32 = arith.constant 0 : i32
    %c0_i32_0 = arith.constant 0 : i32
    return %arg0, %c0_i32 : i32, i32
  }
  func.func @transform_2(%arg0: i32) -> (i32, i32) {
    %c0_i32 = arith.constant 0 : i32
    %c0_i32_0 = arith.constant 0 : i32
    %c0_i32_1 = arith.constant 0 : i32
    return %c0_i32, %c0_i32_0 : i32, i32
  }
  func.func @transform_3(%arg0: i32) -> (i32, i32) {
    %c0_i32 = arith.constant 0 : i32
    %c0_i32_0 = arith.constant 0 : i32
    %c0_i32_1 = arith.constant 0 : i32
    return %c0_i32, %c0_i32_0 : i32, i32
  }
  func.func @transform_4(%arg0: i32) -> (i32, i32) {
    %c0_i32 = arith.constant 0 : i32
    %c0_i32_0 = arith.constant 0 : i32
    %c0_i32_1 = arith.constant 0 : i32
    return %c0_i32, %c0_i32_0 : i32, i32
  }
  func.func @transform_5(%arg0: i32) -> (i32, i32) {
    %c0_i32 = arith.constant 0 : i32
    %c0_i32_0 = arith.constant 0 : i32
    %c0_i32_1 = arith.constant 0 : i32
    return %c0_i32, %c0_i32_0 : i32, i32
  }
  func.func @transform_6(%arg0: i32) -> (i32, i32) {
    %c0_i32 = arith.constant 0 : i32
    %c0_i32_0 = arith.constant 0 : i32
    return %arg0, %c0_i32 : i32, i32
  }
}

module attributes {stable_mosaic.version = 14 : i64} {
  func.func @_node_global_body(%arg0: i32, %arg1: memref<2000x128xf32, #tpu.memory_space<vmem>>, %arg2: memref<2x2000x128xf32, #tpu.memory_space<vmem>>, %arg3: memref<1x1x2000xi32, #tpu.memory_space<vmem>>, %arg4: memref<128x128xf32, #tpu.memory_space<vmem>>, %arg5: memref<128x128xf32, #tpu.memory_space<vmem>>, %arg6: memref<1x128xf32, #tpu.memory_space<vmem>>, %arg7: memref<128x128xf32, #tpu.memory_space<vmem>>, %arg8: memref<1x128xf32, #tpu.memory_space<vmem>>, %arg9: memref<128x128xf32, #tpu.memory_space<vmem>>, %arg10: memref<1x128xf32, #tpu.memory_space<vmem>>, %arg11: memref<128x128xf32, #tpu.memory_space<vmem>>, %arg12: memref<1x128xf32, #tpu.memory_space<vmem>>, %arg13: memref<2000x128xf32, #tpu.memory_space<vmem>>, %arg14: memref<8x128xf32, #tpu.memory_space<vmem>>, %arg15: memref<8x128xf32, #tpu.memory_space<vmem>>) attributes {dimension_semantics = [#tpu.dimension_semantics<arbitrary>], iteration_bounds = array<i64: 5>, scalar_prefetch = 0 : i64, scratch_operands = 1 : i64, tpu.core_type = #tpu.core_type<tc>, window_params = [{transform_indices = @transform_0, window_bounds = array<i64: 2000, 128>}, {transform_indices = @transform_1, window_bounds = array<i64: 2, 2000, 128>}, {transform_indices = @transform_2, window_bounds = array<i64: 1, 1, 2000>}, {pipeline_mode = #tpu.pipeline_mode<synchronous>, transform_indices = @transform_3, window_bounds = array<i64: 128, 128>}, {pipeline_mode = #tpu.pipeline_mode<synchronous>, transform_indices = @transform_4, window_bounds = array<i64: 128, 128>}, {pipeline_mode = #tpu.pipeline_mode<synchronous>, transform_indices = @transform_5, window_bounds = array<i64: 1, 128>}, {pipeline_mode = #tpu.pipeline_mode<synchronous>, transform_indices = @transform_6, window_bounds = array<i64: 128, 128>}, {pipeline_mode = #tpu.pipeline_mode<synchronous>, transform_indices = @transform_7, window_bounds = array<i64: 1, 128>}, {pipeline_mode = #tpu.pipeline_mode<synchronous>, transform_indices = @transform_8, window_bounds = array<i64: 128, 128>}, {pipeline_mode = #tpu.pipeline_mode<synchronous>, transform_indices = @transform_9, window_bounds = array<i64: 1, 128>}, {pipeline_mode = #tpu.pipeline_mode<synchronous>, transform_indices = @transform_10, window_bounds = array<i64: 128, 128>}, {pipeline_mode = #tpu.pipeline_mode<synchronous>, transform_indices = @transform_11, window_bounds = array<i64: 1, 128>}, {transform_indices = @transform_12, window_bounds = array<i64: 2000, 128>}, {pipeline_mode = #tpu.pipeline_mode<synchronous>, transform_indices = @transform_13, window_bounds = array<i64: 8, 128>}]} {
    %get3A = arith.constant 0 : index
    %get3A_0 = arith.constant 0 : index
    %get3A_1 = arith.constant 0 : index
    %get3A_2 = vector.load %arg2[%get3A, %get3A_0, %get3A_1] : memref<2x2000x128xf32, #tpu.memory_space<vmem>>, vector<1x2000x128xf32>
    %get3A_3 = vector.shape_cast %get3A_2 : vector<1x2000x128xf32> to vector<2000x128xf32>
    %get3A_4 = arith.constant 1 : index
    %get3A_5 = arith.constant 0 : index
    %get3A_6 = arith.constant 0 : index
    %get3A_7 = vector.load %arg2[%get3A_4, %get3A_5, %get3A_6] : memref<2x2000x128xf32, #tpu.memory_space<vmem>>, vector<1x2000x128xf32>
    %get3A_8 = vector.shape_cast %get3A_7 : vector<1x2000x128xf32> to vector<2000x128xf32>
    %add3A = arith.addf %get3A_3, %get3A_8 : vector<2000x128xf32>
    %get3A_9 = arith.constant 0 : index
    %get3A_10 = arith.constant 0 : index
    %get3A_11 = vector.load %arg1[%get3A_9, %get3A_10] : memref<2000x128xf32, #tpu.memory_space<vmem>>, vector<2000x128xf32>
    %get3A_12 = arith.constant 0 : index
    %get3A_13 = arith.constant 0 : index
    %get3A_14 = vector.load %arg4[%get3A_12, %get3A_13] : memref<128x128xf32, #tpu.memory_space<vmem>>, vector<128x128xf32>
    %dot_general3A = arith.constant dense<0.000000e+00> : vector<2000x128xf32>
    %dot_general3A_15 = tpu.matmul %get3A_11, %get3A_14, %dot_general3A {dimension_numbers = #tpu.dot_dimension_numbers<[1], [0], [0], [1], [0, 0, 1, 1], [], []>, transpose_lhs_hint = false} : vector<2000x128xf32>, vector<128x128xf32>, vector<2000x128xf32> -> vector<2000x128xf32>
    %get3A_16 = arith.constant 0 : index
    %get3A_17 = arith.constant 0 : index
    %get3A_18 = vector.load %arg5[%get3A_16, %get3A_17] : memref<128x128xf32, #tpu.memory_space<vmem>>, vector<128x128xf32>
    %dot_general3A_19 = arith.constant dense<0.000000e+00> : vector<2000x128xf32>
    %dot_general3A_20 = tpu.matmul %add3A, %get3A_18, %dot_general3A_19 {dimension_numbers = #tpu.dot_dimension_numbers<[1], [0], [0], [1], [0, 0, 1, 1], [], []>, transpose_lhs_hint = false} : vector<2000x128xf32>, vector<128x128xf32>, vector<2000x128xf32> -> vector<2000x128xf32>
    %add3A_21 = arith.addf %dot_general3A_15, %dot_general3A_20 : vector<2000x128xf32>
    %get3A_22 = arith.constant 0 : index
    %get3A_23 = arith.constant 0 : index
    %get3A_24 = vector.load %arg6[%get3A_22, %get3A_23] : memref<1x128xf32, #tpu.memory_space<vmem>>, vector<1x128xf32>
    %add3A_25 = vector.broadcast %get3A_24 : vector<1x128xf32> to vector<2000x128xf32>
    %add3A_26 = arith.addf %add3A_21, %add3A_25 : vector<2000x128xf32>
    %max3A = arith.constant 0.000000e+00 : f32
    %max3A_27 = vector.broadcast %max3A : f32 to vector<2000x128xf32>
    %max3A_28 = arith.maximumf %add3A_26, %max3A_27 : vector<2000x128xf32>
    %get3A_29 = arith.constant 0 : index
    %get3A_30 = arith.constant 0 : index
    %get3A_31 = vector.load %arg7[%get3A_29, %get3A_30] : memref<128x128xf32, #tpu.memory_space<vmem>>, vector<128x128xf32>
    %dot_general3A_32 = arith.constant dense<0.000000e+00> : vector<2000x128xf32>
    %dot_general3A_33 = tpu.matmul %max3A_28, %get3A_31, %dot_general3A_32 {dimension_numbers = #tpu.dot_dimension_numbers<[1], [0], [0], [1], [0, 0, 1, 1], [], []>, transpose_lhs_hint = false} : vector<2000x128xf32>, vector<128x128xf32>, vector<2000x128xf32> -> vector<2000x128xf32>
    %get3A_34 = arith.constant 0 : index
    %get3A_35 = arith.constant 0 : index
    %get3A_36 = vector.load %arg8[%get3A_34, %get3A_35] : memref<1x128xf32, #tpu.memory_space<vmem>>, vector<1x128xf32>
    %add3A_37 = vector.broadcast %get3A_36 : vector<1x128xf32> to vector<2000x128xf32>
    %add3A_38 = arith.addf %dot_general3A_33, %add3A_37 : vector<2000x128xf32>
    %swap3A = arith.constant 0 : index
    %swap3A_39 = arith.constant 0 : index
    %swap3A_40 = vector.load %arg13[%swap3A, %swap3A_39] : memref<2000x128xf32, #tpu.memory_space<vmem>>, vector<2000x128xf32>
    tpu.vector_store %arg13[%swap3A, %swap3A_39], %add3A_38 {strides = array<i32>} : memref<2000x128xf32, #tpu.memory_space<vmem>>, vector<2000x128xf32>,
    %get3A_41 = arith.constant 0 : index
    %get3A_42 = arith.constant 0 : index
    %get3A_43 = arith.constant 0 : index
    %get3A_44 = vector.load %arg3[%get3A_41, %get3A_42, %get3A_43] : memref<1x1x2000xi32, #tpu.memory_space<vmem>>, vector<1x1x2000xi32>
    %get3A_45 = vector.shape_cast %get3A_44 : vector<1x1x2000xi32> to vector<1x2000xi32>
    %iota3A = tpu.iota {dimensions = array<i32: 0>} : vector<8x2000xi32>
    %eq3A = vector.broadcast %get3A_45 : vector<1x2000xi32> to vector<8x2000xi32>
    %eq3A_46 = arith.cmpi eq, %iota3A, %eq3A : vector<8x2000xi32>
    %convert_element_type3A = arith.extui %eq3A_46 : vector<8x2000xi1> to vector<8x2000xi32>
    %convert_element_type3A_47 = arith.sitofp %convert_element_type3A : vector<8x2000xi32> to vector<8x2000xf32>
    %dot_general3A_48 = arith.constant dense<0.000000e+00> : vector<8x128xf32>
    %dot_general3A_49 = tpu.matmul %convert_element_type3A_47, %add3A_38, %dot_general3A_48 {dimension_numbers = #tpu.dot_dimension_numbers<[1], [0], [0], [1], [0, 0, 1, 1], [], []>, transpose_lhs_hint = false} : vector<8x2000xf32>, vector<2000x128xf32>, vector<8x128xf32> -> vector<8x128xf32>
    %eq3A_50 = arith.constant 0 : i32
    %eq3A_51 = arith.cmpi eq, %arg0, %eq3A_50 : i32
    %convert_element_type3A_52 = arith.extui %eq3A_51 : i1 to i32
    %cond3A = arith.constant 0 : i32
    %cond3A_53 = arith.cmpi ne, %convert_element_type3A_52, %cond3A : i32
    scf.if %cond3A_53 {
      %swap3A_63 = arith.constant 0 : index
      %swap3A_64 = arith.constant 0 : index
      %swap3A_65 = vector.load %arg15[%swap3A_63, %swap3A_64] : memref<8x128xf32, #tpu.memory_space<vmem>>, vector<8x128xf32>
      tpu.vector_store %arg15[%swap3A_63, %swap3A_64], %dot_general3A_49 {strides = array<i32>} : memref<8x128xf32, #tpu.memory_space<vmem>>, vector<8x128xf32>,
    } else {
    }
    %gt3A = arith.constant 0 : i32
    %gt3A_54 = arith.cmpi sgt, %arg0, %gt3A : i32
    %convert_element_type3A_55 = arith.extui %gt3A_54 : i1 to i32
    %cond3A_56 = arith.constant 0 : i32
    %cond3A_57 = arith.cmpi ne, %convert_element_type3A_55, %cond3A_56 : i32
    scf.if %cond3A_57 {
      %get3A_63 = arith.constant 0 : index
      %get3A_64 = arith.constant 0 : index
      %get3A_65 = vector.load %arg15[%get3A_63, %get3A_64] : memref<8x128xf32, #tpu.memory_space<vmem>>, vector<8x128xf32>
      %add3A_66 = arith.addf %get3A_65, %dot_general3A_49 : vector<8x128xf32>
      %swap3A_67 = arith.constant 0 : index
      %swap3A_68 = arith.constant 0 : index
      %swap3A_69 = vector.load %arg15[%swap3A_67, %swap3A_68] : memref<8x128xf32, #tpu.memory_space<vmem>>, vector<8x128xf32>
      tpu.vector_store %arg15[%swap3A_67, %swap3A_68], %add3A_66 {strides = array<i32>} : memref<8x128xf32, #tpu.memory_space<vmem>>, vector<8x128xf32>,
    } else {
    }
    %eq3A_58 = arith.constant 4 : i32
    %eq3A_59 = arith.cmpi eq, %arg0, %eq3A_58 : i32
    %convert_element_type3A_60 = arith.extui %eq3A_59 : i1 to i32
    %cond3A_61 = arith.constant 0 : i32
    %cond3A_62 = arith.cmpi ne, %convert_element_type3A_60, %cond3A_61 : i32
    scf.if %cond3A_62 {
      %get3A_63 = arith.constant 0 : index
      %get3A_64 = arith.constant 0 : index
      %get3A_65 = vector.load %arg15[%get3A_63, %get3A_64] : memref<8x128xf32, #tpu.memory_space<vmem>>, vector<8x128xf32>
      %get3A_66 = arith.constant 0 : index
      %get3A_67 = arith.constant 0 : index
      %get3A_68 = vector.load %arg9[%get3A_66, %get3A_67] : memref<128x128xf32, #tpu.memory_space<vmem>>, vector<128x128xf32>
      %dot_general3A_69 = arith.constant dense<0.000000e+00> : vector<8x128xf32>
      %dot_general3A_70 = tpu.matmul %get3A_65, %get3A_68, %dot_general3A_69 {dimension_numbers = #tpu.dot_dimension_numbers<[1], [0], [0], [1], [0, 0, 1, 1], [], []>, transpose_lhs_hint = false} : vector<8x128xf32>, vector<128x128xf32>, vector<8x128xf32> -> vector<8x128xf32>
      %get3A_71 = arith.constant 0 : index
      %get3A_72 = arith.constant 0 : index
      %get3A_73 = vector.load %arg10[%get3A_71, %get3A_72] : memref<1x128xf32, #tpu.memory_space<vmem>>, vector<1x128xf32>
      %add3A_74 = vector.broadcast %get3A_73 : vector<1x128xf32> to vector<8x128xf32>
      %add3A_75 = arith.addf %dot_general3A_70, %add3A_74 : vector<8x128xf32>
      %max3A_76 = arith.constant 0.000000e+00 : f32
      %max3A_77 = vector.broadcast %max3A_76 : f32 to vector<8x128xf32>
      %max3A_78 = arith.maximumf %add3A_75, %max3A_77 : vector<8x128xf32>
      %get3A_79 = arith.constant 0 : index
      %get3A_80 = arith.constant 0 : index
      %get3A_81 = vector.load %arg11[%get3A_79, %get3A_80] : memref<128x128xf32, #tpu.memory_space<vmem>>, vector<128x128xf32>
      %dot_general3A_82 = arith.constant dense<0.000000e+00> : vector<8x128xf32>
      %dot_general3A_83 = tpu.matmul %max3A_78, %get3A_81, %dot_general3A_82 {dimension_numbers = #tpu.dot_dimension_numbers<[1], [0], [0], [1], [0, 0, 1, 1], [], []>, transpose_lhs_hint = false} : vector<8x128xf32>, vector<128x128xf32>, vector<8x128xf32> -> vector<8x128xf32>
      %get3A_84 = arith.constant 0 : index
      %get3A_85 = arith.constant 0 : index
      %get3A_86 = vector.load %arg12[%get3A_84, %get3A_85] : memref<1x128xf32, #tpu.memory_space<vmem>>, vector<1x128xf32>
      %add3A_87 = vector.broadcast %get3A_86 : vector<1x128xf32> to vector<8x128xf32>
      %add3A_88 = arith.addf %dot_general3A_83, %add3A_87 : vector<8x128xf32>
      %swap3A_89 = arith.constant 0 : index
      %swap3A_90 = arith.constant 0 : index
      %swap3A_91 = vector.load %arg14[%swap3A_89, %swap3A_90] : memref<8x128xf32, #tpu.memory_space<vmem>>, vector<8x128xf32>
      tpu.vector_store %arg14[%swap3A_89, %swap3A_90], %add3A_88 {strides = array<i32>} : memref<8x128xf32, #tpu.memory_space<vmem>>, vector<8x128xf32>,
    } else {
    }
    return
  }
  func.func @transform_0(%arg0: i32) -> (i32, i32) {
    %c0_i32 = arith.constant 0 : i32
    %c0_i32_0 = arith.constant 0 : i32
    return %arg0, %c0_i32 : i32, i32
  }
  func.func @transform_1(%arg0: i32) -> (i32, i32, i32) {
    %c0_i32 = arith.constant 0 : i32
    %c0_i32_0 = arith.constant 0 : i32
    %c0_i32_1 = arith.constant 0 : i32
    return %c0_i32, %arg0, %c0_i32_0 : i32, i32, i32
  }
  func.func @transform_2(%arg0: i32) -> (i32, i32, i32) {
    %c0_i32 = arith.constant 0 : i32
    %c0_i32_0 = arith.constant 0 : i32
    %c0_i32_1 = arith.constant 0 : i32
    return %arg0, %c0_i32, %c0_i32_0 : i32, i32, i32
  }
  func.func @transform_3(%arg0: i32) -> (i32, i32) {
    %c0_i32 = arith.constant 0 : i32
    %c0_i32_0 = arith.constant 0 : i32
    %c0_i32_1 = arith.constant 0 : i32
    return %c0_i32, %c0_i32_0 : i32, i32
  }
  func.func @transform_4(%arg0: i32) -> (i32, i32) {
    %c0_i32 = arith.constant 0 : i32
    %c0_i32_0 = arith.constant 0 : i32
    %c0_i32_1 = arith.constant 0 : i32
    return %c0_i32, %c0_i32_0 : i32, i32
  }
  func.func @transform_5(%arg0: i32) -> (i32, i32) {
    %c0_i32 = arith.constant 0 : i32
    %c0_i32_0 = arith.constant 0 : i32
    %c0_i32_1 = arith.constant 0 : i32
    return %c0_i32, %c0_i32_0 : i32, i32
  }
  func.func @transform_6(%arg0: i32) -> (i32, i32) {
    %c0_i32 = arith.constant 0 : i32
    %c0_i32_0 = arith.constant 0 : i32
    %c0_i32_1 = arith.constant 0 : i32
    return %c0_i32, %c0_i32_0 : i32, i32
  }
  func.func @transform_7(%arg0: i32) -> (i32, i32) {
    %c0_i32 = arith.constant 0 : i32
    %c0_i32_0 = arith.constant 0 : i32
    %c0_i32_1 = arith.constant 0 : i32
    return %c0_i32, %c0_i32_0 : i32, i32
  }
  func.func @transform_8(%arg0: i32) -> (i32, i32) {
    %c0_i32 = arith.constant 0 : i32
    %c0_i32_0 = arith.constant 0 : i32
    %c0_i32_1 = arith.constant 0 : i32
    return %c0_i32, %c0_i32_0 : i32, i32
  }
  func.func @transform_9(%arg0: i32) -> (i32, i32) {
    %c0_i32 = arith.constant 0 : i32
    %c0_i32_0 = arith.constant 0 : i32
    %c0_i32_1 = arith.constant 0 : i32
    return %c0_i32, %c0_i32_0 : i32, i32
  }
  func.func @transform_10(%arg0: i32) -> (i32, i32) {
    %c0_i32 = arith.constant 0 : i32
    %c0_i32_0 = arith.constant 0 : i32
    %c0_i32_1 = arith.constant 0 : i32
    return %c0_i32, %c0_i32_0 : i32, i32
  }
  func.func @transform_11(%arg0: i32) -> (i32, i32) {
    %c0_i32 = arith.constant 0 : i32
    %c0_i32_0 = arith.constant 0 : i32
    %c0_i32_1 = arith.constant 0 : i32
    return %c0_i32, %c0_i32_0 : i32, i32
  }
  func.func @transform_12(%arg0: i32) -> (i32, i32) {
    %c0_i32 = arith.constant 0 : i32
    %c0_i32_0 = arith.constant 0 : i32
    return %arg0, %c0_i32 : i32, i32
  }
  func.func @transform_13(%arg0: i32) -> (i32, i32) {
    %c0_i32 = arith.constant 0 : i32
    %c0_i32_0 = arith.constant 0 : i32
    %c0_i32_1 = arith.constant 0 : i32
    return %c0_i32, %c0_i32_0 : i32, i32
  }
}

</mosaic_0001>

<sc_bundles>
// kernel: kernel.10.cloned.1.call-start
scs
__scs_entry_jumppad:
0x0: {  	(pc) =	sbr.rel $0x88, $3  }
0x1: {  	(tag) =	ssettag $0x0;
	lr =	simm.s32 $0x1  }
0x2: {  	[smem:$0x3F91] =	sst lr;
	_ =	strace $0xD0000000  }
0x3: {  	_ = 	snop  }
0x4: {  	_ = 	snop  }
0x5: {  	_ = 	snop  }
0x6: {  	_ = 	snop  }
0x7: {  	_ = 	snop  }
__scs_overlays_trampoline_lowered:
0x8: {  	[smem:$0x3FA0] =	sst s0  }
0x9: {  	[smem:$0x3FA1] =	sst s1  }
0xa: {  	[smem:$0x3FA2] =	sst s2  }
0xb: {  	[smem:$0x3FA3] =	sst s3  }
0xc: {  	[smem:$0x3FA4] =	sst s4  }
0xd: {  	[smem:$0x3FA5] =	sst s5  }
0xe: {  	[smem:$0x3FA6] =	sst s6  }
0xf: {  	[smem:$0x3FA7] =	sst s7  }
0x10: {  	[smem:$0x3FA8] =	sst s8  }
0x11: {  	[smem:$0x3FA9] =	sst s9;
	s0 =	simm.s32 @!p0 $0x0  }
0x12: {  	s1 =	sld [smem:$0x3F8F];
	s0 =	simm.s32 @p0 $0x1  }
0x13: {  	[smem:$0x3FAA] =	sst s0;
	s0 =	simm.s32 @!p1 $0x0  }
0x14: {  	s2 =	sld [smem:$0x3F8E];
	s0 =	simm.s32 @p1 $0x1  }
0x15: {  	[smem:$0x3FAB] =	sst s0;
	s0 =	simm.s32 @!p2 $0x0  }
0x16: {  	s3 =	sld [smem:$0x3FDB];
	s0 =	simm.s32 @p2 $0x1  }
0x17: {  	s4 =	simm.s32 $0x1BF5;
	[smem:$0x3FAD] =	sst s0  }
0x18: {  	s0 =	sld [smem:$0x3F90];
	_ =	swait.ge [sflag:s4], $0x0  }
0x19: {  	s7 =	sld [smem:$0x3F91]  }
0x1a: {  	s8 =	sadd.s32 $0xFFFFE003, lr  }
0x1b: {  	s9 =	sadd.s32 $0xFFFFFEF7, lr;
	s5 =	simm.s32 $0xFFFFFFFF;
	p2 =	slt.u32 s8, $0xFFFFF086  }
0x1c: {  	p1 =	slt.u32 s9, $0xF7A;
	s5 =	simm.s32 @!p2 $0x0  }
0x1d: {  	s5 =	simm.s32 @p1 $0x1;
	p0 =	seq.s32 s7, s2  }
0x1e: {  	s7 =	smul.u32 @!p0 $0xF7A, s2;
	p2 =	seq.s32 @!p0 s5, $0x0  }
0x1f: {  	s9 =	smul.u32 $0xF7A, s1;
	s8 =	simm.s32 @!p0 $0x1BF5;
	p2 =	por !p2, p0  }
0x20: {  	[sflag:s8] =	ssyncset.s32 @!p0 $0xFFFFF086;
	s6 =	sadd.s32 @!p0 s3, s7;
	s7 =	simm.s32 @!p0 $0x108  }
0x21: {  	s3 =	sadd.s32 s3, s9;
	s6 =	sadd.s32 @!p0 $0x88, s6;
	s7 =	simm.s32 @p2 $0x1082  }
0x22: {  	[simem:s7], [sflag:s8] =	dma.local @!p0 [hbm:s6], $0xF7A  }
0x23: {  	s9 =	sor.u32 $0xD0000000, s2;
	s6 =	simm.s32 $0x108;
	_ =	swait.ge @!p0 [sflag:s8], $0x0  }
0x24: {  	s3 =	sadd.s32 $0x88, s3;
	s6 =	simm.s32 @!p1 $0x1082;
	[sflag:s4] =	ssyncset.s32 $0xFFFFF086  }
0x25: {  	[simem:s6], [sflag:s4] =	dma.local [hbm:s3], $0xF7A  }
0x26: {  	[smem:$0x3F91] =	sst s1;
	(tag) =	ssettag s2;
	_ =	strace s9  }
0x27: {  	s1 =	sld [smem:$0x3FA1]  }
0x28: {  	s2 =	sld [smem:$0x3FA2]  }
0x29: {  	s4 =	sld [smem:$0x3FA4]  }
0x2a: {  	p0 =	seq.s32 s5, $0x0;
	s5 =	sld [smem:$0x3FA5]  }
0x2b: {  	s6 =	sld [smem:$0x3FA6]  }
0x2c: {  	s7 =	sld [smem:$0x3FA7]  }
0x2d: {  	s3 =	simm.s32 $0x108;
	s8 =	sld [smem:$0x3FA8]  }
0x2e: {  	s3 =	simm.s32 @!p0 $0x1082;
	s9 =	sld [smem:$0x3FA9]  }
0x2f: {  	lr =	sadd.s32 s0, s3;
	s0 =	sld [smem:$0x3FA0]  }
0x30: {  	s3 =	sld [smem:$0x3FA3]  }
0x31: {  	[smem:$0x3FAC] =	sst s10  }
0x32: {  	s10 =	sld [smem:$0x3FAA];
	_ =	sdelay $0x3  }
0x33: {  	p0 =	seq.s32 s10, $0x1;
	s10 =	sld [smem:$0x3FAC];
	_ =	sdelay $0x3  }
0x34: {  	[smem:$0x3FAC] =	sst s10  }
0x35: {  	s10 =	sld [smem:$0x3FAB];
	_ =	sdelay $0x3  }
0x36: {  	p1 =	seq.s32 s10, $0x1;
	s10 =	sld [smem:$0x3FAC];
	_ =	sdelay $0x3  }
0x37: {  	[smem:$0x3FAC] =	sst s10  }
0x38: {  	s10 =	sld [smem:$0x3FAD]  }
0x39: {  	_ = 	snop;
	(pc) =	sbr.ind lr, $3  }
0x3a: {  	_ = 	snop  }
0x3b: {  	_ = 	snop  }
0x3c: {  	p2 =	seq.s32 s10, $0x1;
	s10 =	sld [smem:$0x3FAC]  }
0x3d: {  	_ =	shalt  }
0x3e: {  	_ =	shalt  }
0x3f: {  	_ =	shalt  }
0x40: {  	_ =	shalt  }
0x41: {  	_ =	shalt  }
0x42: {  	_ =	shalt  }
0x43: {  	_ =	shalt  }
0x44: {  	_ =	shalt  }
0x45: {  	_ =	shalt  }
0x46: {  	_ =	shalt  }
0x47: {  	_ =	shalt  }
0x48: {  	_ =	shalt  }
0x49: {  	_ =	shalt  }
0x4a: {  	_ =	shalt  }
0x4b: {  	_ =	shalt  }
0x4c: {  	_ =	shalt  }
0x4d: {  	_ =	shalt  }
0x4e: {  	_ =	shalt  }
0x4f: {  	_ =	shalt  }
0x50: {  	_ =	shalt  }
0x51: {  	_ =	shalt  }
0x52: {  	_ =	shalt  }
0x53: {  	_ =	shalt  }
0x54: {  	_ =	shalt  }
0x55: {  	_ =	shalt  }
0x56: {  	_ =	shalt  }
0x57: {  	_ =	shalt  }
0x58: {  	_ =	shalt  }
0x59: {  	_ =	shalt  }
0x5a: {  	_ =	shalt  }
0x5b: {  	_ =	shalt  }
0x5c: {  	_ =	shalt  }
0x5d: {  	_ =	shalt  }
0x5e: {  	_ =	shalt  }
0x5f: {  	_ =	shalt  }
0x60: {  	_ =	shalt  }
0x61: {  	_ =	shalt  }
0x62: {  	_ =	shalt  }
0x63: {  	_ =	shalt  }
0x64: {  	_ =	shalt  }
0x65: {  	_ =	shalt  }
0x66: {  	_ =	shalt  }
0x67: {  	_ =	shalt  }
0x68: {  	_ =	shalt  }
0x69: {  	_ =	shalt  }
0x6a: {  	_ =	shalt  }
0x6b: {  	_ =	shalt  }
0x6c: {  	_ =	shalt  }
0x6d: {  	_ =	shalt  }
0x6e: {  	_ =	shalt  }
0x6f: {  	_ =	shalt  }
0x70: {  	_ =	shalt  }
0x71: {  	_ =	shalt  }
0x72: {  	_ =	shalt  }
0x73: {  	_ =	shalt  }
0x74: {  	_ =	shalt  }
0x75: {  	_ =	shalt  }
0x76: {  	_ =	shalt  }
0x77: {  	_ =	shalt  }
0x78: {  	_ =	shalt  }
0x79: {  	_ =	shalt  }
0x7a: {  	_ =	shalt  }
0x7b: {  	_ =	shalt  }
0x7c: {  	_ =	shalt  }
0x7d: {  	_ =	shalt  }
0x7e: {  	_ =	shalt  }
0x7f: {  	_ =	shalt  }
0x80: {  	_ =	shalt  }
0x81: {  	_ =	shalt  }
0x82: {  	_ =	shalt  }
0x83: {  	_ =	shalt  }
0x84: {  	_ =	shalt  }
0x85: {  	_ =	shalt  }
0x86: {  	_ =	shalt  }
0x87: {  	_ =	shalt  }
.Lfunc_end0:
.L_simem_size_0:
called_computation.1_lowered:
.L_overlay_start_0:
0x88: {  	s2 =	sld [smem:$0x3FD9]  }
0x89: {  	s3 =	sld [smem:$0x3FFE];
	_ =	sdelay $0x1  }
0x8a: {  	s1 =	srdreg.scid  }
0x8b: {  	s0 =	sand.u32 $0x1, s1  }
0x8c: {  	s14 =	sshll.u32 s0, $0xA;
	s2 =	sadd.s32 s3, s2  }
0x8d: {  	s2 =	sadd.s32 s2, s14  }
0x8e: {  	[smem:$0x3FB8] =	sst s2  }
0x8f: {  	_ = 	snop  }
0x90: {  	s2 =	sld [smem:$0x3FD0];
	_ =	sdelay $0x2  }
0x91: {  	s15 =	simm.s32 $0xA;
	s4 =	simm.s32 $0x10  }
0x92: {  	[smem:s4], [sflag:s15] =	dma.local [hbm:s2], $0x1  }
0x93: {  	_ =	swait.eq [sflag:s15], $0x1  }
0x94: {  	[sflag:s15] =	ssyncset.done $0x0  }
0x95: {  	[sflag:s15] =	ssyncadd.s32 $0xFFFFFFFF  }
0x96: {  	s16 =	sld [smem:$0x11];
	(tm) =	ssettm $0x1  }
0x97: {  	s17 =	sld [smem:$0x3FFB];
	_ =	sdelay $0x3  }
0x98: {  	_ =	strace s17  }
0x99: {  	s3 =	sld [smem:$0x3FFC];
	_ =	sdelay $0x3  }
0x9a: {  	_ =	strace s3  }
0x9b: {  	s3 =	sld [smem:$0x3FFD];
	_ =	sdelay $0x3  }
0x9c: {  	_ =	strace s3  }
0x9d: {  	_ =	strace $0x8FFFFFFF  }
0x9e: {  	s18 =	sld [smem:$0x3FDB];
	_ =	sdelay $0x1  }
0x9f: {  	s19 =	simm.s32 $_scs_section_size  }
0xa0: {  	s5 =	simm.s32 $_size__tile_overlayer_lowered;
	s6 =	simm.s32 $_tile_overlayer_lowered  }
0xa1: {  	s22 =	simm.s32 $0x1BFF;
	s21 =	sshll.u32 s6, $0x1;
	s3 =	sadd.s32 s19, s18  }
0xa2: {  	s7 =	simm.s32 $0x0;
	s20 =	sshll.u32 s5, $0x1;
	s5 =	sadd.s32 s21, s3  }
0xa3: {  	[timem:s7], [sflag:s22] =	dma.local [hbm:s5], s20  }
0xa4: {  	_ =	swait.ge [sflag:s22], s20  }
0xa5: {  	s4 =	ssub.s32 $0x0, s20;
	[sflag:s22] =	ssyncset.done $0x0  }
0xa6: {  	[sflag:s22] =	ssyncadd.s32 s4;
	_ =	sdelay $0x1  }
0xa7: {  	s23 =	simm.s32 $0x1B8B  }
0xa8: {  	_ =	swait.ge [sflag:s23], $0x1  }
0xa9: {  	[sflag:s23] =	ssyncset.done $0x0  }
0xaa: {  	s25 =	simm.s32 $0x1B8E;
	s24 =	sld [smem:$0x3FFE];
	[sflag:s23] =	ssyncadd.s32 $0xFFFFFFFF  }
0xab: {  	s26 =	simm.s32 $execute0_lowered;
	[smem:$0x3FD2] =	sst s25  }
0xac: {  	s5 =	sshll.u32 s26, $0x1;
	_ =	strace $0x80000049;
	[dreg:$0x1] =	wrdreg $0xFFFFFFFF  }
0xad: {  	s28 =	simm.s32 $_size_execute0_lowered;
	s3 =	sadd.s32 s3, s5;
	[dreg:$0x0] =	wrdreg $0x0  }
0xae: {  	s5 =	sshll.u32 s28, $0x1;
	[dreg:$0x2] =	wrdreg s3  }
0xaf: {  	[dreg:$0x3] =	wrdreg s5  }
0xb0: {  	[dreg:$0x4] =	wrdreg $0xC0  }
0xb1: {  	_ =	task [dreg:s7], $0x5FFFF  }
0xb2: {  	[dreg:$0x1] =	wrdreg $0xFFFFFFFF  }
0xb3: {  	[dreg:$0x0] =	wrdreg $0x60  }
0xb4: {  	[dreg:$0x2] =	wrdreg s16  }
0xb5: {  	[dreg:$0x3] =	wrdreg s24  }
0xb6: {  	[dreg:$0x4] =	wrdreg $0x90000  }
0xb7: {  	[dreg:$0x5] =	wrdreg $0x9  }
0xb8: {  	_ =	task.clear_ibuf [dreg:s7], $0x6FFFF;
	_ =	strace $0x90000049  }
0xb9: {  	s29 =	simm.s32 $0x9;
	_ =	strace $0x8000004B  }
0xba: {  	_ =	swait.ge [sflag:s29], $0x1  }
0xbb: {  	[sflag:s29] =	ssyncadd.s32 $0xFFFFFFFF  }
0xbc: {  	_ =	strace $0x9000004B  }
0xbd: {  	_ =	sfence  }
0xbe: {  	s30 =	sld [smem:$0x0];
	_ =	sdelay $0x2  }
0xbf: {  	s31 =	sshll.u32 s1, $0xD;
	s1 =	sshrl.u32 s1, $0x2  }
0xc0: {  	s3 =	sand.u32 $0x4000, s31;
	s1 =	sadd.s32 s1, s30  }
0xc1: {  	s0 =	sor.u32 s3, s0;
	s1 =	sshll.u32 s1, $0x11  }
0xc2: {  	s0 =	sor.u32 s1, s0  }
0xc3: {  	s0 =	sadd.s32 $0x8F2B, s0  }
0xc4: {  	[sflag:s0] =	ssyncadd.remote.s32 $0x1  }
0xc5: {  	_ =	sfence.sel $0xFFFF  }
0xc6: {  	[dreg:$0x0] =	wrdreg $0xFFFFFFFF;
	(pc) =	sbr.abs _section_cstart, $3  }
0xc7: {  	[dreg:$0x1] =	wrdreg $0xFFFFFFFF  }
0xc8: {  	_ =	task.clear_ibuf [dreg:s7], $0x2FFFF;
	_ =	strace $0x9FFFFFFF  }
0xc9: {  	(tm) =	ssettm $0x7FFFFFFF  }
tec
execute0_lowered:
.L_overlay_start_1:
0x0: {  	(tag) =	ssettag $0x1  }
0x1: {  	s1 =	rddreg [dreg:$0x0]  }
0x2: {  	s4 =	rddreg [dreg:$0x1]  }
0x3: {  	s2 =	rddreg [dreg:$0x2]  }
0x4: {  	s0 =	srdreg.scid;
	s15 =	stileid.u32;
	s3 =	simm.s32 $0x0  }
0x5: {  	s28 =	simm.s32 $0x3;
	s29 =	simm.s32 $0x6800;
	s30 =	simm.s32 $0x1  }
0x6: {  	s31 =	simm.s32 $0x50;
	s0 =	sand.u32 $0x1, s0;
	s6 =	smul.u32 $0x280, s15  }
0x7: {  	s5 =	sshll.u32 s15, $0x1;
	[smem:$0x7FF] =	sst s3;
	s9 =	smul.u32 $0x2800, s0  }
0x8: {  	s5 =	sor.u32 s0, s5;
	s25 =	ssub.s32 $0x2, s0;
	s0 =	smul.u32 $0x27100, s0  }
0x9: {  	s7 =	sshll.u32 s5, $0xB;
	s8 =	sshrl.u32 s25, $0x1;
	s12 =	smul.u32 $0x27100, s5  }
0xa: {  	s5 =	smul.u32 $0x138800, s5;
	s17 =	sor.u32 $0x50, s6;
	s18 =	sadd.s32 $0xA0, s6  }
0xb: {  	s19 =	sadd.s32 $0xF0, s6;
	s20 =	sadd.s32 $0x140, s6;
	s21 =	sadd.s32 $0x190, s6  }
0xc: {  	s22 =	sadd.s32 $0x1E0, s6;
	s13 =	sadd.s32 s7, s4;
	s4 =	sadd.s32 $0x12E00, s4  }
0xd: {  	s10 =	sadd.s32 s9, s6;
	s16 =	ssub.s32 s25, s8;
	s8 =	sadd.s32 s9, s17  }
0xe: {  	s6 =	sadd.s32 $0x230, s6;
	s11 =	sadd.s32 s9, s19;
	s14 =	sadd.s32 s9, s20  }
0xf: {  	s17 =	sshll.u32 s17, $0x7;
	s19 =	sshll.u32 s19, $0x7;
	s26 =	sshll.u32 s10, $0x4  }
0x10: {  	s10 =	sadd.s32 s9, s18;
	s23 =	sshll.u32 s11, $0x4;
	s24 =	sshll.u32 s14, $0x4  }
0x11: {  	s11 =	sadd.s32 s9, s22;
	s14 =	sadd.s32 s9, s6;
	s12 =	sadd.s32 s1, s12  }
0x12: {  	s5 =	sshrl.u32 s5, $0x3;
	s13 =	sadd.s32 $0x2E00, s13;
	s16 =	smax.u32 s16, $0x1  }
0x13: {  	s17 =	sadd.s32 s17, s2;
	s18 =	sshll.u32 s18, $0x7;
	s19 =	sadd.s32 s19, s2  }
0x14: {  	s7 =	sadd.s32 s4, s26;
	s25 =	sadd.s32 s4, s24;
	s26 =	sadd.s32 s9, s21  }
0x15: {  	s5 =	sadd.s32 s1, s5;
	s18 =	sadd.s32 s18, s2;
	[dreg:$0x4] =	wrdreg s7  }
0x16: {  	s7 =	sshll.u32 s8, $0x4;
	s8 =	sshll.u32 s14, $0x4;
	s14 =	smul.u32 $0x4E200, s15  }
0x17: {  	s24 =	sshll.u32 s21, $0x7;
	[dreg:$0x8] =	wrdreg s25;
	s15 =	smul.u32 $0x50000, s15  }
0x18: {  	s21 =	sadd.s32 s24, s2;
	s25 =	sshll.u32 s22, $0x7;
	s7 =	sadd.s32 s4, s7  }
0x19: {  	s24 =	sadd.s32 $0x26C00, s12;
	s22 =	sadd.s32 s25, s2;
	[dreg:$0x5] =	wrdreg s7  }
0x1a: {  	s7 =	sshll.u32 s10, $0x4;
	s10 =	sshll.u32 s26, $0x4;
	s1 =	sadd.s32 s14, s1  }
0x1b: {  	s14 =	sadd.s32 $0x500, s5;
	s15 =	sshrl.u32 s15, $0x2;
	s26 =	sshll.u32 s6, $0x7  }
0x1c: {  	s7 =	sadd.s32 s4, s7;
	s9 =	sadd.s32 s4, s10;
	s15 =	sadd.s32 s15, s2  }
0x1d: {  	s0 =	sadd.s32 s0, s1;
	s1 =	simm.s32 $0x0;
	[dreg:$0x6] =	wrdreg s7  }
0x1e: {  	s7 =	sadd.s32 s4, s23;
	s23 =	sshll.u32 s20, $0x7;
	s6 =	sadd.s32 $0xF00, s0  }
0x1f: {  	s0 =	simm.s32 $0x2;
	[dreg:$0x7] =	wrdreg s7;
	s7 =	sshll.u32 s11, $0x4  }
0x20: {  	s11 =	sadd.s32 s4, s8;
	s20 =	sadd.s32 s23, s2;
	s23 =	sadd.s32 s26, s2  }
0x21: {  	v0 =	vimm.f32 $0.0e+00;
	s26 =	simm.s32 $0x4000;
	s10 =	sadd.s32 s4, s7;
	_ =	strace $0x8000004A  }
.LBB2_1:
0x22: {  	s4 =	simm.s32 $0x0;
	s5 =	simm.s32 $0x200  }
.LBB2_2:
0x23: {  	p0 =	sne.s32 s5, $0x9E00;
	[tilespmem:s4+$0x4070] =	vst v0  }
0x24: {  	[tilespmem:s4+$0x4000] =	vst v0  }
0x25: {  	[tilespmem:s4+$0x4010] =	vst v0  }
.Ltmp0:
0x26: {  	[tilespmem:s4+$0x4020] =	vst v0;
	(pc) =	sbr.rel @p0 .LBB2_2-.Ltmp0, $4  }
0x27: {  	[tilespmem:s4+$0x4030] =	vst v0  }
0x28: {  	[tilespmem:s4+$0x4040] =	vst v0  }
0x29: {  	[tilespmem:s4+$0x4050] =	vst v0  }
0x2a: {  	[tilespmem:s4+$0x4060] =	vst v0;
	s4 =	sshra.s32 s5, $0x2;
	s5 =	sadd.s32 $0x200, s5  }
0x2b: {  	[tilespmem:s4+$0x4070] =	vst v0  }
0x2c: {  	[tilespmem:s4+$0x4000] =	vst v0  }
0x2d: {  	[tilespmem:s4+$0x4010] =	vst v0  }
0x2e: {  	[tilespmem:s4+$0x4020] =	vst v0  }
0x2f: {  	[tilespmem:s4+$0x4030] =	vst v0  }
0x30: {  	[tilespmem:s4+$0x4040] =	vst v0  }
0x31: {  	[tilespmem:s4+$0x4050] =	vst v0  }
0x32: {  	[tilespmem:s4+$0x4060] =	vst v0  }
0x33: {  	[spmem:s15] =	stream.linear.scatter [tilespmem:s26], [sflag:$0x3], $0x2800, $0x38;
	[tilespmem:$0x1D000] =	vst v63  }
0x34: {  	_ =	swait.ge [sflag:s28], $0x2800  }
0x35: {  	[sflag:s28] =	ssyncset.done $0x0  }
0x36: {  	[sflag:s28] =	ssyncadd.s32 $0xFFFFD800  }
0x37: {  	[spmem:s17] =	stream.linear.scatter [tilespmem:s26], [sflag:$0x3], $0x2800, $0x38;
	[tilespmem:$0x1D000] =	vst v63  }
0x38: {  	_ =	swait.ge [sflag:s28], $0x2800  }
0x39: {  	[sflag:s28] =	ssyncset.done $0x0  }
0x3a: {  	[sflag:s28] =	ssyncadd.s32 $0xFFFFD800  }
0x3b: {  	[spmem:s18] =	stream.linear.scatter [tilespmem:s26], [sflag:$0x3], $0x2800, $0x38;
	[tilespmem:$0x1D000] =	vst v63  }
0x3c: {  	_ =	swait.ge [sflag:s28], $0x2800  }
0x3d: {  	[sflag:s28] =	ssyncset.done $0x0  }
0x3e: {  	[sflag:s28] =	ssyncadd.s32 $0xFFFFD800  }
0x3f: {  	[spmem:s19] =	stream.linear.scatter [tilespmem:s26], [sflag:$0x3], $0x2800, $0x38;
	[tilespmem:$0x1D000] =	vst v63  }
0x40: {  	_ =	swait.ge [sflag:s28], $0x2800  }
0x41: {  	[sflag:s28] =	ssyncset.done $0x0  }
0x42: {  	[sflag:s28] =	ssyncadd.s32 $0xFFFFD800  }
0x43: {  	[spmem:s20] =	stream.linear.scatter [tilespmem:s26], [sflag:$0x3], $0x2800, $0x38;
	[tilespmem:$0x1D000] =	vst v63  }
0x44: {  	_ =	swait.ge [sflag:s28], $0x2800  }
0x45: {  	[sflag:s28] =	ssyncset.done $0x0  }
0x46: {  	[sflag:s28] =	ssyncadd.s32 $0xFFFFD800  }
0x47: {  	[spmem:s21] =	stream.linear.scatter [tilespmem:s26], [sflag:$0x3], $0x2800, $0x38;
	[tilespmem:$0x1D000] =	vst v63  }
0x48: {  	_ =	swait.ge [sflag:s28], $0x2800  }
0x49: {  	[sflag:s28] =	ssyncset.done $0x0  }
0x4a: {  	[sflag:s28] =	ssyncadd.s32 $0xFFFFD800  }
0x4b: {  	[spmem:s22] =	stream.linear.scatter [tilespmem:s26], [sflag:$0x3], $0x2800, $0x38;
	[tilespmem:$0x1D000] =	vst v63  }
0x4c: {  	_ =	swait.ge [sflag:s28], $0x2800  }
0x4d: {  	[sflag:s28] =	ssyncset.done $0x0  }
0x4e: {  	[sflag:s28] =	ssyncadd.s32 $0xFFFFD800  }
0x4f: {  	[spmem:s23] =	stream.linear.scatter [tilespmem:s26], [sflag:$0x3], $0x2800, $0x38;
	[tilespmem:$0x1D000] =	vst v63  }
0x50: {  	_ =	swait.ge [sflag:s28], $0x2800  }
0x51: {  	[sflag:s28] =	ssyncset.done $0x0  }
0x52: {  	s5 =	simm.s32 $0x0;
	[sflag:s28] =	ssyncadd.s32 $0xFFFFD800  }
0x53: {  	[tilespmem:s5], [sflag:$0x3] =	stream.linear.gather [hbm4b:s13+s5], $0x3E80, $0x38;
	[tilespmem:$0x1D000] =	vst v63  }
0x54: {  	_ =	swait.ge [sflag:s28], $0x3E80  }
0x55: {  	[sflag:s28] =	ssyncset.done $0x0  }
0x56: {  	[sflag:s28] =	ssyncadd.s32 $0xFFFFC180  }
0x57: {  	[bflag:$0x0] =	sbarrier.arrive $0xFFFF  }
0x58: {  	[tilespmem:s26], [sflag:$0x1] =	stream.linear.gather [hbm4b:s12+s5], $0x2800, $0x38;
	[tilespmem:$0x1D000] =	vst v63  }
0x59: {  	_ = 	snop  }
0x5a: {  	[tilespmem:s29], [sflag:$0x2] =	stream.linear.gather [hbm4b:s14+s5], $0x2800, $0x38;
	[tilespmem:$0x1D000] =	vst v63  }
0x5b: {  	_ =	swait.ge [sflag:s30], $0x2800  }
0x5c: {  	[sflag:s30] =	ssyncset.done $0x0  }
0x5d: {  	s7 =	simm.s32 $0x0;
	[sflag:s30] =	ssyncadd.s32 $0xFFFFD800  }
0x5e: {  	[spmem:s2] =	stream.indirect.scatter.add.f32 [tilespmem:s26], [sflag:$0x3], $0x80, s7, s31, $0xb8;
	[tilespmem:$0x1D000] =	vst v63  }
0x5f: {  	_ =	swait.ge [sflag:s28], $0x2800  }
0x60: {  	[sflag:s28] =	ssyncset.done $0x0  }
0x61: {  	s8 =	sadd.s32 $0xFFFFFB00, s6;
	[sflag:s28] =	ssyncadd.s32 $0xFFFFD800  }
0x62: {  	[tilespmem:s26], [sflag:$0x1] =	stream.linear.gather [hbm4b:s8+s3], $0x2800, $0x38;
	[tilespmem:$0x1D000] =	vst v63  }
0x63: {  	_ =	swait.ge [sflag:s0], $0x2800  }
0x64: {  	[sflag:s0] =	ssyncset.done $0x0  }
0x65: {  	s25 =	simm.s32 $0x80;
	[sflag:s0] =	ssyncadd.s32 $0xFFFFD800  }
0x66: {  	[spmem:s2] =	stream.indirect.scatter.add.f32 [tilespmem:s29], [sflag:$0x3], $0x80, s25, s31, $0xb8;
	[tilespmem:$0x1D000] =	vst v63  }
0x67: {  	_ =	swait.ge [sflag:s28], $0x2800  }
0x68: {  	s4 =	simm.s32 $0x400;
	[sflag:s28] =	ssyncset.done $0x0  }
0x69: {  	s5 =	sadd.s32 $0xA00, s6;
	s25 =	smov.u32 s6;
	[sflag:s28] =	ssyncadd.s32 $0xFFFFD800  }
.LBB2_4:
0x6a: {  	[tilespmem:s29], [sflag:$0x2] =	stream.linear.gather [hbm4b:s25+s3], $0x2800, $0x38;
	[tilespmem:$0x1D000] =	vst v63  }
0x6b: {  	s7 =	smov.u32 s4;
	s25 =	smov.u32 s5  }
0x6c: {  	p0 =	sne.s32 s4, $0xF000;
	s4 =	sadd.s32 $0x400, s4;
	_ =	swait.ge [sflag:s30], $0x2800  }
0x6d: {  	[sflag:s30] =	ssyncset.done $0x0  }
0x6e: {  	s7 =	sshra.s32 s7, $0x2;
	[sflag:s30] =	ssyncadd.s32 $0xFFFFD800  }
0x6f: {  	[spmem:s2] =	stream.indirect.scatter.add.f32 [tilespmem:s26], [sflag:$0x3], $0x80, s7, s31, $0xb8;
	[tilespmem:$0x1D000] =	vst v63  }
0x70: {  	_ =	swait.ge [sflag:s28], $0x2800  }
0x71: {  	[sflag:s28] =	ssyncset.done $0x0  }
0x72: {  	s8 =	sadd.s32 $0xFFFFFB00, s5;
	[sflag:s28] =	ssyncadd.s32 $0xFFFFD800  }
0x73: {  	[tilespmem:s26], [sflag:$0x1] =	stream.linear.gather [hbm4b:s8+s3], $0x2800, $0x38;
	[tilespmem:$0x1D000] =	vst v63  }
0x74: {  	_ =	swait.ge [sflag:s0], $0x2800  }
0x75: {  	[sflag:s0] =	ssyncset.done $0x0  }
.Ltmp1:
0x76: {  	s7 =	sadd.s32 $0x80, s7;
	[sflag:s0] =	ssyncadd.s32 $0xFFFFD800;
	(pc) =	sbr.rel @p0 .LBB2_4-.Ltmp1, $4  }
0x77: {  	[spmem:s2] =	stream.indirect.scatter.add.f32 [tilespmem:s29], [sflag:$0x3], $0x80, s7, s31, $0xb8;
	[tilespmem:$0x1D000] =	vst v63  }
0x78: {  	_ =	swait.ge [sflag:s28], $0x2800  }
0x79: {  	[sflag:s28] =	ssyncset.done $0x0  }
0x7a: {  	s5 =	sadd.s32 $0xA00, s5;
	[sflag:s28] =	ssyncadd.s32 $0xFFFFD800  }
0x7b: {  	[tilespmem:s29], [sflag:$0x2] =	stream.linear.gather [hbm4b:s25+s3], $0x2800, $0x38;
	[tilespmem:$0x1D000] =	vst v63  }
0x7c: {  	_ =	swait.ge [sflag:s30], $0x2800  }
0x7d: {  	[sflag:s30] =	ssyncset.done $0x0  }
0x7e: {  	s4 =	simm.s32 $0x3D00;
	[sflag:s30] =	ssyncadd.s32 $0xFFFFD800  }
0x7f: {  	[spmem:s2] =	stream.indirect.scatter.add.f32 [tilespmem:s26], [sflag:$0x3], $0x80, s4, s31, $0xb8;
	[tilespmem:$0x1D000] =	vst v63  }
0x80: {  	_ =	swait.ge [sflag:s28], $0x2800  }
0x81: {  	[sflag:s28] =	ssyncset.done $0x0  }
0x82: {  	[sflag:s28] =	ssyncadd.s32 $0xFFFFD800  }
0x83: {  	[tilespmem:s26], [sflag:$0x1] =	stream.linear.gather [hbm4b:s24+s3], $0x2800, $0x38;
	[tilespmem:$0x1D000] =	vst v63  }
0x84: {  	_ =	swait.ge [sflag:s0], $0x2800  }
0x85: {  	[sflag:s0] =	ssyncset.done $0x0  }
0x86: {  	s25 =	simm.s32 $0x3D80;
	[sflag:s0] =	ssyncadd.s32 $0xFFFFD800  }
0x87: {  	[spmem:s2] =	stream.indirect.scatter.add.f32 [tilespmem:s29], [sflag:$0x3], $0x80, s25, s31, $0xb8;
	[tilespmem:$0x1D000] =	vst v63  }
0x88: {  	_ =	swait.ge [sflag:s28], $0x2800  }
0x89: {  	[sflag:s28] =	ssyncset.done $0x0  }
0x8a: {  	[sflag:s28] =	ssyncadd.s32 $0xFFFFD800  }
0x8b: {  	_ =	swait.ge [sflag:s30], $0x2800  }
0x8c: {  	[sflag:s30] =	ssyncset.done $0x0  }
0x8d: {  	s5 =	simm.s32 $0x3E00;
	[sflag:s30] =	ssyncadd.s32 $0xFFFFD800  }
0x8e: {  	[spmem:s2] =	stream.indirect.scatter.add.f32 [tilespmem:s26], [sflag:$0x3], $0x80, s5, s31, $0xb8;
	[tilespmem:$0x1D000] =	vst v63  }
0x8f: {  	_ =	swait.ge [sflag:s28], $0x2800  }
0x90: {  	[sflag:s28] =	ssyncset.done $0x0  }
0x91: {  	s7 =	stileid.u32;
	[sflag:s28] =	ssyncadd.s32 $0xFFFFD800  }
0x92: {  	s4 =	sshll.u32 s7, $0x6;
	[bflag:$0x0] =	sbarrier.arrive $0xFFFF  }
0x93: {  	s4 =	sor.u32 $0x1C03, s4;
	s5 =	sshrl.u32 s15, $0x3;
	s7 =	rddreg [dreg:$0x4]  }
0x94: {  	[hbm:s7], [sflag:s4] =	dma.local [spmem:s5], $0x500  }
0x95: {  	_ =	swait.ge [sflag:s28], $0x500  }
0x96: {  	[sflag:s28] =	ssyncset.done $0x0  }
0x97: {  	s8 =	sshrl.u32 s17, $0x3;
	s25 =	rddreg [dreg:$0x5];
	[sflag:s28] =	ssyncadd.s32 $0xFFFFFB00  }
0x98: {  	[hbm:s25], [sflag:s4] =	dma.local [spmem:s8], $0x500  }
0x99: {  	_ =	swait.ge [sflag:s28], $0x500  }
0x9a: {  	[sflag:s28] =	ssyncset.done $0x0  }
0x9b: {  	s8 =	sshrl.u32 s18, $0x3;
	s25 =	rddreg [dreg:$0x6];
	[sflag:s28] =	ssyncadd.s32 $0xFFFFFB00  }
0x9c: {  	[hbm:s25], [sflag:s4] =	dma.local [spmem:s8], $0x500  }
0x9d: {  	_ =	swait.ge [sflag:s28], $0x500  }
0x9e: {  	[sflag:s28] =	ssyncset.done $0x0  }
0x9f: {  	s8 =	sshrl.u32 s19, $0x3;
	s25 =	rddreg [dreg:$0x7];
	[sflag:s28] =	ssyncadd.s32 $0xFFFFFB00  }
0xa0: {  	[hbm:s25], [sflag:s4] =	dma.local [spmem:s8], $0x500  }
0xa1: {  	_ =	swait.ge [sflag:s28], $0x500  }
0xa2: {  	[sflag:s28] =	ssyncset.done $0x0  }
0xa3: {  	s8 =	sshrl.u32 s20, $0x3;
	s25 =	rddreg [dreg:$0x8];
	[sflag:s28] =	ssyncadd.s32 $0xFFFFFB00  }
0xa4: {  	[hbm:s25], [sflag:s4] =	dma.local [spmem:s8], $0x500  }
0xa5: {  	_ =	swait.ge [sflag:s28], $0x500  }
0xa6: {  	[sflag:s28] =	ssyncset.done $0x0  }
0xa7: {  	s7 =	sshrl.u32 s21, $0x3;
	[sflag:s28] =	ssyncadd.s32 $0xFFFFFB00  }
0xa8: {  	[hbm:s9], [sflag:s4] =	dma.local [spmem:s7], $0x500  }
0xa9: {  	_ =	swait.ge [sflag:s28], $0x500  }
0xaa: {  	[sflag:s28] =	ssyncset.done $0x0  }
0xab: {  	s8 =	sshrl.u32 s22, $0x3;
	[sflag:s28] =	ssyncadd.s32 $0xFFFFFB00  }
0xac: {  	[hbm:s10], [sflag:s4] =	dma.local [spmem:s8], $0x500  }
0xad: {  	s1 =	sadd.s32 $0x1, s1;
	_ =	swait.ge [sflag:s28], $0x500  }
0xae: {  	p0 =	sne.s32 s1, s16;
	[sflag:s28] =	ssyncset.done $0x0  }
.Ltmp2:
0xaf: {  	s25 =	sshrl.u32 s23, $0x3;
	[sflag:s28] =	ssyncadd.s32 $0xFFFFFB00;
	(pc) =	sbr.rel @p0 .LBB2_1-.Ltmp2, $4  }
0xb0: {  	[hbm:s11], [sflag:s4] =	dma.local [spmem:s25], $0x500  }
0xb1: {  	_ =	swait.ge [sflag:s28], $0x500  }
0xb2: {  	[sflag:s28] =	ssyncset.done $0x0  }
0xb3: {  	[sflag:s28] =	ssyncadd.s32 $0xFFFFFB00  }
0xb4: {  	_ =	sfence.sel $0x180000  }
0xb5: {  	[bflag:$0x0] =	sbarrier.arrive $0xFFFF  }
0xb6: {  	_ =	strace $0x9000004A  }
0xb7: {  	s0 =	stileid.u32;
	[bflag:$0x2] =	sbarrier.arrive $0xFFFF  }
0xb8: {  	p0 =	sne.s32 s0, $0x0;
	s0 =	rddreg [dreg:$0x3]  }
0xb9: {  	s0 =	sadd.s32 @!p0 $0x100000, s0  }
0xba: {  	[sflag:s0] =	ssyncadd.tile.s32 @!p0 $0x1;
	_ =	shalt  }
.Lfunc_end2:
_tile_overlayer_lowered:
.L_overlay_start_2:
0xbb: {  	(tag) =	ssettag $0x2  }
0xbc: {  	s0 =	rddreg [dreg:$0x0];
	s2 =	stileid.u32  }
0xbd: {  	s1 =	rddreg [dreg:$0x1];
	p0 =	sne.s32 s2, $0x0  }
0xbe: {  	s3 =	rddreg [dreg:$0x2];
	[bflag:$0x3] =	sbarrier.arrive $0xFFFF;
	s2 =	simm.s32 @!p0 $0x1C03  }
0xbf: {  	[timem:s3], [sflag:s2] =	dma.local @!p0 [hbm:s0], s1  }
0xc0: {  	s0 =	simm.s32 @!p0 $0x3  }
0xc1: {  	_ =	swait.ge @!p0 [sflag:s0], s1  }
0xc2: {  	s1 =	ssub.s32 @!p0 $0x0, s1;
	[sflag:s0] =	ssyncset.done @!p0 $0x0  }
0xc3: {  	[sflag:s0] =	ssyncadd.s32 @!p0 s1  }
0xc4: {  	[bflag:$0x3] =	sbarrier.arrive $0xFFFF  }
0xc5: {  	_ =	shalt  }

// kernel: kernel.7.cloned.1.call-start
scs
__scs_entry_jumppad:
0x0: {  	(pc) =	sbr.rel $0x88, $3  }
0x1: {  	(tag) =	ssettag $0x0;
	lr =	simm.s32 $0x1  }
0x2: {  	[smem:$0x3F91] =	sst lr;
	_ =	strace $0xD0000000  }
0x3: {  	_ = 	snop  }
0x4: {  	_ = 	snop  }
0x5: {  	_ = 	snop  }
0x6: {  	_ = 	snop  }
0x7: {  	_ = 	snop  }
__scs_overlays_trampoline_lowered:
0x8: {  	[smem:$0x3FA0] =	sst s0  }
0x9: {  	[smem:$0x3FA1] =	sst s1  }
0xa: {  	[smem:$0x3FA2] =	sst s2  }
0xb: {  	[smem:$0x3FA3] =	sst s3  }
0xc: {  	[smem:$0x3FA4] =	sst s4  }
0xd: {  	[smem:$0x3FA5] =	sst s5  }
0xe: {  	[smem:$0x3FA6] =	sst s6  }
0xf: {  	[smem:$0x3FA7] =	sst s7  }
0x10: {  	[smem:$0x3FA8] =	sst s8  }
0x11: {  	[smem:$0x3FA9] =	sst s9;
	s0 =	simm.s32 @!p0 $0x0  }
0x12: {  	s1 =	sld [smem:$0x3F8F];
	s0 =	simm.s32 @p0 $0x1  }
0x13: {  	[smem:$0x3FAA] =	sst s0;
	s0 =	simm.s32 @!p1 $0x0  }
0x14: {  	s2 =	sld [smem:$0x3F8E];
	s0 =	simm.s32 @p1 $0x1  }
0x15: {  	[smem:$0x3FAB] =	sst s0;
	s0 =	simm.s32 @!p2 $0x0  }
0x16: {  	s3 =	sld [smem:$0x3FDB];
	s0 =	simm.s32 @p2 $0x1  }
0x17: {  	s4 =	simm.s32 $0x1BF5;
	[smem:$0x3FAD] =	sst s0  }
0x18: {  	s0 =	sld [smem:$0x3F90];
	_ =	swait.ge [sflag:s4], $0x0  }
0x19: {  	s7 =	sld [smem:$0x3F91]  }
0x1a: {  	s8 =	sadd.s32 $0xFFFFE003, lr  }
0x1b: {  	s9 =	sadd.s32 $0xFFFFFEF7, lr;
	s5 =	simm.s32 $0xFFFFFFFF;
	p2 =	slt.u32 s8, $0xFFFFF086  }
0x1c: {  	p1 =	slt.u32 s9, $0xF7A;
	s5 =	simm.s32 @!p2 $0x0  }
0x1d: {  	s5 =	simm.s32 @p1 $0x1;
	p0 =	seq.s32 s7, s2  }
0x1e: {  	s7 =	smul.u32 @!p0 $0xF7A, s2;
	p2 =	seq.s32 @!p0 s5, $0x0  }
0x1f: {  	s9 =	smul.u32 $0xF7A, s1;
	s8 =	simm.s32 @!p0 $0x1BF5;
	p2 =	por !p2, p0  }
0x20: {  	[sflag:s8] =	ssyncset.s32 @!p0 $0xFFFFF086;
	s6 =	sadd.s32 @!p0 s3, s7;
	s7 =	simm.s32 @!p0 $0x108  }
0x21: {  	s3 =	sadd.s32 s3, s9;
	s6 =	sadd.s32 @!p0 $0x88, s6;
	s7 =	simm.s32 @p2 $0x1082  }
0x22: {  	[simem:s7], [sflag:s8] =	dma.local @!p0 [hbm:s6], $0xF7A  }
0x23: {  	s9 =	sor.u32 $0xD0000000, s2;
	s6 =	simm.s32 $0x108;
	_ =	swait.ge @!p0 [sflag:s8], $0x0  }
0x24: {  	s3 =	sadd.s32 $0x88, s3;
	s6 =	simm.s32 @!p1 $0x1082;
	[sflag:s4] =	ssyncset.s32 $0xFFFFF086  }
0x25: {  	[simem:s6], [sflag:s4] =	dma.local [hbm:s3], $0xF7A  }
0x26: {  	[smem:$0x3F91] =	sst s1;
	(tag) =	ssettag s2;
	_ =	strace s9  }
0x27: {  	s1 =	sld [smem:$0x3FA1]  }
0x28: {  	s2 =	sld [smem:$0x3FA2]  }
0x29: {  	s4 =	sld [smem:$0x3FA4]  }
0x2a: {  	p0 =	seq.s32 s5, $0x0;
	s5 =	sld [smem:$0x3FA5]  }
0x2b: {  	s6 =	sld [smem:$0x3FA6]  }
0x2c: {  	s7 =	sld [smem:$0x3FA7]  }
0x2d: {  	s3 =	simm.s32 $0x108;
	s8 =	sld [smem:$0x3FA8]  }
0x2e: {  	s3 =	simm.s32 @!p0 $0x1082;
	s9 =	sld [smem:$0x3FA9]  }
0x2f: {  	lr =	sadd.s32 s0, s3;
	s0 =	sld [smem:$0x3FA0]  }
0x30: {  	s3 =	sld [smem:$0x3FA3]  }
0x31: {  	[smem:$0x3FAC] =	sst s10  }
0x32: {  	s10 =	sld [smem:$0x3FAA];
	_ =	sdelay $0x3  }
0x33: {  	p0 =	seq.s32 s10, $0x1;
	s10 =	sld [smem:$0x3FAC];
	_ =	sdelay $0x3  }
0x34: {  	[smem:$0x3FAC] =	sst s10  }
0x35: {  	s10 =	sld [smem:$0x3FAB];
	_ =	sdelay $0x3  }
0x36: {  	p1 =	seq.s32 s10, $0x1;
	s10 =	sld [smem:$0x3FAC];
	_ =	sdelay $0x3  }
0x37: {  	[smem:$0x3FAC] =	sst s10  }
0x38: {  	s10 =	sld [smem:$0x3FAD]  }
0x39: {  	_ = 	snop;
	(pc) =	sbr.ind lr, $3  }
0x3a: {  	_ = 	snop  }
0x3b: {  	_ = 	snop  }
0x3c: {  	p2 =	seq.s32 s10, $0x1;
	s10 =	sld [smem:$0x3FAC]  }
0x3d: {  	_ =	shalt  }
0x3e: {  	_ =	shalt  }
0x3f: {  	_ =	shalt  }
0x40: {  	_ =	shalt  }
0x41: {  	_ =	shalt  }
0x42: {  	_ =	shalt  }
0x43: {  	_ =	shalt  }
0x44: {  	_ =	shalt  }
0x45: {  	_ =	shalt  }
0x46: {  	_ =	shalt  }
0x47: {  	_ =	shalt  }
0x48: {  	_ =	shalt  }
0x49: {  	_ =	shalt  }
0x4a: {  	_ =	shalt  }
0x4b: {  	_ =	shalt  }
0x4c: {  	_ =	shalt  }
0x4d: {  	_ =	shalt  }
0x4e: {  	_ =	shalt  }
0x4f: {  	_ =	shalt  }
0x50: {  	_ =	shalt  }
0x51: {  	_ =	shalt  }
0x52: {  	_ =	shalt  }
0x53: {  	_ =	shalt  }
0x54: {  	_ =	shalt  }
0x55: {  	_ =	shalt  }
0x56: {  	_ =	shalt  }
0x57: {  	_ =	shalt  }
0x58: {  	_ =	shalt  }
0x59: {  	_ =	shalt  }
0x5a: {  	_ =	shalt  }
0x5b: {  	_ =	shalt  }
0x5c: {  	_ =	shalt  }
0x5d: {  	_ =	shalt  }
0x5e: {  	_ =	shalt  }
0x5f: {  	_ =	shalt  }
0x60: {  	_ =	shalt  }
0x61: {  	_ =	shalt  }
0x62: {  	_ =	shalt  }
0x63: {  	_ =	shalt  }
0x64: {  	_ =	shalt  }
0x65: {  	_ =	shalt  }
0x66: {  	_ =	shalt  }
0x67: {  	_ =	shalt  }
0x68: {  	_ =	shalt  }
0x69: {  	_ =	shalt  }
0x6a: {  	_ =	shalt  }
0x6b: {  	_ =	shalt  }
0x6c: {  	_ =	shalt  }
0x6d: {  	_ =	shalt  }
0x6e: {  	_ =	shalt  }
0x6f: {  	_ =	shalt  }
0x70: {  	_ =	shalt  }
0x71: {  	_ =	shalt  }
0x72: {  	_ =	shalt  }
0x73: {  	_ =	shalt  }
0x74: {  	_ =	shalt  }
0x75: {  	_ =	shalt  }
0x76: {  	_ =	shalt  }
0x77: {  	_ =	shalt  }
0x78: {  	_ =	shalt  }
0x79: {  	_ =	shalt  }
0x7a: {  	_ =	shalt  }
0x7b: {  	_ =	shalt  }
0x7c: {  	_ =	shalt  }
0x7d: {  	_ =	shalt  }
0x7e: {  	_ =	shalt  }
0x7f: {  	_ =	shalt  }
0x80: {  	_ =	shalt  }
0x81: {  	_ =	shalt  }
0x82: {  	_ =	shalt  }
0x83: {  	_ =	shalt  }
0x84: {  	_ =	shalt  }
0x85: {  	_ =	shalt  }
0x86: {  	_ =	shalt  }
0x87: {  	_ =	shalt  }
.Lfunc_end0:
.L_simem_size_0:
called_computation_lowered:
.L_overlay_start_0:
0x88: {  	s2 =	sld [smem:$0x3FD9]  }
0x89: {  	s3 =	sld [smem:$0x3FFE];
	_ =	sdelay $0x1  }
0x8a: {  	s1 =	srdreg.scid  }
0x8b: {  	s0 =	sand.u32 $0x1, s1  }
0x8c: {  	s14 =	sshll.u32 s0, $0xA;
	s2 =	sadd.s32 s3, s2  }
0x8d: {  	s2 =	sadd.s32 s2, s14  }
0x8e: {  	[smem:$0x3FB8] =	sst s2  }
0x8f: {  	_ = 	snop  }
0x90: {  	s2 =	sld [smem:$0x3FD0];
	_ =	sdelay $0x2  }
0x91: {  	s15 =	simm.s32 $0xA;
	s4 =	simm.s32 $0x10  }
0x92: {  	[smem:s4], [sflag:s15] =	dma.local [hbm:s2], $0x1  }
0x93: {  	_ =	swait.eq [sflag:s15], $0x1  }
0x94: {  	[sflag:s15] =	ssyncset.done $0x0  }
0x95: {  	s16 =	sld [smem:$0x10];
	[sflag:s15] =	ssyncadd.s32 $0xFFFFFFFF  }
0x96: {  	s17 =	sld [smem:$0x11];
	(tm) =	ssettm $0x1  }
0x97: {  	s18 =	sld [smem:$0x3FFB];
	_ =	sdelay $0x3  }
0x98: {  	_ =	strace s18  }
0x99: {  	s4 =	sld [smem:$0x3FFC];
	_ =	sdelay $0x3  }
0x9a: {  	_ =	strace s4  }
0x9b: {  	s4 =	sld [smem:$0x3FFD];
	_ =	sdelay $0x3  }
0x9c: {  	_ =	strace s4  }
0x9d: {  	_ =	strace $0x8FFFFFFF  }
0x9e: {  	s19 =	sld [smem:$0x3FDB];
	_ =	sdelay $0x1  }
0x9f: {  	s5 =	simm.s32 $_scs_section_size  }
0xa0: {  	s6 =	simm.s32 $_size__tile_overlayer_lowered;
	s7 =	simm.s32 $_tile_overlayer_lowered  }
0xa1: {  	s22 =	simm.s32 $0x1BFF;
	s21 =	sshll.u32 s7, $0x1;
	s4 =	sadd.s32 s5, s19  }
0xa2: {  	s8 =	simm.s32 $0x0;
	s20 =	sshll.u32 s6, $0x1;
	s6 =	sadd.s32 s21, s4  }
0xa3: {  	[timem:s8], [sflag:s22] =	dma.local [hbm:s6], s20  }
0xa4: {  	_ =	swait.ge [sflag:s22], s20  }
0xa5: {  	s5 =	ssub.s32 $0x0, s20;
	[sflag:s22] =	ssyncset.done $0x0  }
0xa6: {  	[sflag:s22] =	ssyncadd.s32 s5;
	_ =	sdelay $0x1  }
0xa7: {  	s23 =	simm.s32 $0x1B8B  }
0xa8: {  	_ =	swait.ge [sflag:s23], $0x1  }
0xa9: {  	[sflag:s23] =	ssyncset.done $0x0  }
0xaa: {  	s25 =	simm.s32 $0x1B8E;
	s24 =	sld [smem:$0x3FFE];
	[sflag:s23] =	ssyncadd.s32 $0xFFFFFFFF  }
0xab: {  	s26 =	simm.s32 $execute0_lowered;
	[smem:$0x3FD2] =	sst s25  }
0xac: {  	s6 =	sshll.u32 s26, $0x1;
	_ =	strace $0x80000046;
	[dreg:$0x1] =	wrdreg $0xFFFFFFFF  }
0xad: {  	s28 =	simm.s32 $_size_execute0_lowered;
	s4 =	sadd.s32 s4, s6;
	[dreg:$0x0] =	wrdreg $0x0  }
0xae: {  	s6 =	sshll.u32 s28, $0x1;
	[dreg:$0x2] =	wrdreg s4  }
0xaf: {  	[dreg:$0x3] =	wrdreg s6  }
0xb0: {  	[dreg:$0x4] =	wrdreg $0xC0  }
0xb1: {  	_ =	task [dreg:s8], $0x5FFFF  }
0xb2: {  	[dreg:$0x1] =	wrdreg $0xFFFFFFFF  }
0xb3: {  	[dreg:$0x0] =	wrdreg $0x60  }
0xb4: {  	[dreg:$0x2] =	wrdreg s16  }
0xb5: {  	[dreg:$0x3] =	wrdreg s17  }
0xb6: {  	[dreg:$0x4] =	wrdreg s24  }
0xb7: {  	[dreg:$0x5] =	wrdreg $0x9  }
0xb8: {  	_ =	task.clear_ibuf [dreg:s8], $0x6FFFF;
	_ =	strace $0x90000046  }
0xb9: {  	s29 =	simm.s32 $0x9;
	_ =	strace $0x80000048  }
0xba: {  	_ =	swait.ge [sflag:s29], $0x1  }
0xbb: {  	[sflag:s29] =	ssyncadd.s32 $0xFFFFFFFF  }
0xbc: {  	_ =	strace $0x90000048  }
0xbd: {  	_ =	sfence  }
0xbe: {  	s30 =	sld [smem:$0x0];
	_ =	sdelay $0x2  }
0xbf: {  	s31 =	sshll.u32 s1, $0xD;
	s1 =	sshrl.u32 s1, $0x2  }
0xc0: {  	s3 =	sand.u32 $0x4000, s31;
	s1 =	sadd.s32 s1, s30  }
0xc1: {  	s0 =	sor.u32 s3, s0;
	s1 =	sshll.u32 s1, $0x11  }
0xc2: {  	s0 =	sor.u32 s1, s0  }
0xc3: {  	s0 =	sadd.s32 $0x8F2B, s0  }
0xc4: {  	[sflag:s0] =	ssyncadd.remote.s32 $0x1  }
0xc5: {  	_ =	sfence.sel $0xFFFF  }
0xc6: {  	[dreg:$0x0] =	wrdreg $0xFFFFFFFF;
	(pc) =	sbr.abs _section_cstart, $3  }
0xc7: {  	[dreg:$0x1] =	wrdreg $0xFFFFFFFF  }
0xc8: {  	_ =	task.clear_ibuf [dreg:s8], $0x2FFFF;
	_ =	strace $0x9FFFFFFF  }
0xc9: {  	(tm) =	ssettm $0x7FFFFFFF  }
tec
execute0_lowered:
.L_overlay_start_1:
0x0: {  	(tag) =	ssettag $0x1  }
0x1: {  	s1 =	rddreg [dreg:$0x0]  }
0x2: {  	s3 =	rddreg [dreg:$0x1]  }
0x3: {  	s0 =	rddreg [dreg:$0x2];
	s2 =	srdreg.scid  }
0x4: {  	s5 =	stileid.u32;
	s4 =	simm.s32 $0x0;
	s14 =	simm.s32 $0x7  }
0x5: {  	s16 =	simm.s32 $0x50;
	s17 =	simm.s32 $0x8000;
	s18 =	simm.s32 $0xD000  }
0x6: {  	s20 =	simm.s32 $0xA800;
	s22 =	simm.s32 $0xF800;
	s23 =	simm.s32 $0x1  }
0x7: {  	s28 =	simm.s32 $0x12000;
	s29 =	simm.s32 $0x2;
	s30 =	simm.s32 $0x4  }
0x8: {  	s19 =	simm.s32 $0x5;
	s2 =	sand.u32 $0x1, s2;
	s5 =	sshll.u32 s5, $0x1  }
0x9: {  	s21 =	simm.s32 $0x6;
	[smem:$0x7FF] =	sst s4;
	s7 =	sor.u32 s2, s5  }
0xa: {  	_ =	strace $0x80000047;
	s2 =	ssub.s32 $0x2, s2;
	s9 =	smul.u32 $0x138800, s7  }
0xb: {  	s5 =	sshll.u32 s7, $0xB;
	s24 =	sshrl.u32 s2, $0x1;
	s6 =	smul.u32 $0x2710, s7  }
0xc: {  	s25 =	smul.u32 $0x27100, s7;
	s8 =	sadd.s32 s5, s0;
	s5 =	sadd.s32 $0x22E00, s0  }
0xd: {  	s0 =	ssub.s32 s2, s24;
	s24 =	simm.s32 $0x3;
	s2 =	simm.s32 $0x14800  }
0xe: {  	s26 =	sshrl.u32 s9, $0x3;
	s31 =	sadd.s32 $0x12E00, s8;
	s8 =	sadd.s32 $0x2E00, s8  }
0xf: {  	s9 =	sadd.s32 s5, s25;
	s11 =	sadd.s32 $0x50, s6;
	s13 =	smax.u32 s0, $0x1  }
0x10: {  	s25 =	simm.s32 $0x0;
	[dreg:$0x4] =	wrdreg s31;
	s7 =	sadd.s32 s5, s26  }
0x11: {  	[dreg:$0x5] =	wrdreg s8;
	s10 =	sadd.s32 $0x500, s7;
	s12 =	sadd.s32 $0x26C00, s7  }
.LBB2_1:
0x12: {  	s0 =	rddreg [dreg:$0x4]  }
0x13: {  	[tilespmem:s4], [sflag:$0x7] =	stream.linear.gather [hbm4b:s0+s4], $0x3E80, $0x38;
	[tilespmem:$0x17000] =	vst v63  }
0x14: {  	_ =	swait.ge [sflag:s14], $0x3E80  }
0x15: {  	[sflag:s14] =	ssyncset.done $0x0  }
0x16: {  	s7 =	simm.s32 $0x4000;
	s15 =	rddreg [dreg:$0x5];
	[sflag:s14] =	ssyncadd.s32 $0xFFFFC180  }
0x17: {  	[tilespmem:s7], [sflag:$0x7] =	stream.linear.gather [hbm4b:s15+s4], $0x3E80, $0x38;
	[tilespmem:$0x17000] =	vst v63  }
0x18: {  	_ =	swait.ge [sflag:s14], $0x3E80  }
0x19: {  	[sflag:s14] =	ssyncset.done $0x0  }
0x1a: {  	[sflag:s14] =	ssyncadd.s32 $0xFFFFC180  }
0x1b: {  	[tilespmem:s17], [sflag:$0x1] =	stream.indirect.gather [hbm4b:s1+s16], $0x80, s4, s16, $0xb8;
	[tilespmem:$0x17000] =	vst v63  }
0x1c: {  	_ = 	snop  }
0x1d: {  	[tilespmem:s18], [sflag:$0x3] =	stream.indirect.gather [hbm4b:s3+s16], $0x80, s7, s16, $0xb8;
	[tilespmem:$0x17000] =	vst v63  }
0x1e: {  	s26 =	simm.s32 $0x80  }
0x1f: {  	[tilespmem:s20], [sflag:$0x2] =	stream.indirect.gather [hbm4b:s1+s16], $0x80, s26, s16, $0xb8;
	[tilespmem:$0x17000] =	vst v63  }
0x20: {  	s31 =	simm.s32 $0x4080  }
0x21: {  	[tilespmem:s22], [sflag:$0x4] =	stream.indirect.gather [hbm4b:s3+s16], $0x80, s31, s16, $0xb8;
	[tilespmem:$0x17000] =	vst v63  }
0x22: {  	_ =	swait.ge [sflag:s23], $0x2800  }
0x23: {  	[sflag:s23] =	ssyncset.done $0x0  }
0x24: {  	[sflag:s23] =	ssyncadd.s32 $0xFFFFD800  }
0x25: {  	_ =	swait.ge [sflag:s24], $0x2800  }
0x26: {  	[sflag:s24] =	ssyncset.done $0x0  }
0x27: {  	s0 =	simm.s32 $0x0;
	[sflag:s24] =	ssyncadd.s32 $0xFFFFD800  }
0x28: {  	v0 =	vld [tilespmem:s0+$0x8070]  }
0x29: {  	v1 =	vld [tilespmem:s0+$0xD070]  }
0x2a: {  	v2 =	vld [tilespmem:s0+$0x8000]  }
0x2b: {  	v3 =	vld [tilespmem:s0+$0xD000]  }
0x2c: {  	v4 =	vld [tilespmem:s0+$0x8010]  }
0x2d: {  	v5 =	vld [tilespmem:s0+$0xD010]  }
0x2e: {  	v6 =	vld [tilespmem:s0+$0x8020]  }
0x2f: {  	v7 =	vld [tilespmem:s0+$0x8030]  }
0x30: {  	v0 =	vadd.f32 v1, v0;
	v1 =	vld [tilespmem:s0+$0xD020]  }
0x31: {  	v8 =	vld [tilespmem:s0+$0xD030]  }
0x32: {  	v9 =	vld [tilespmem:s0+$0xD040];
	v2 =	vadd.f32 v3, v2  }
0x33: {  	[tilespmem:s0+$0x12070] =	vst v0;
	v0 =	vadd.f32 v5, v4;
	v5 =	vld [tilespmem:s0+$0x8040]  }
0x34: {  	v3 =	vld [tilespmem:s0+$0xD050];
	[tilespmem:s0+$0x12000] =	vst v2  }
0x35: {  	v2 =	vld [tilespmem:s0+$0x8050];
	[tilespmem:s0+$0x12010] =	vst v0;
	v0 =	vadd.f32 v1, v6  }
0x36: {  	v4 =	vld [tilespmem:s0+$0xD060];
	v6 =	vadd.f32 v8, v7  }
0x37: {  	s7 =	simm.s32 $0x80;
	[tilespmem:s0+$0x12020] =	vst v0;
	v0 =	vld [tilespmem:s0+$0x8060]  }
0x38: {  	s15 =	simm.s32 $0x400;
	v5 =	vadd.f32 v9, v5;
	v1 =	vld [tilespmem:s7+$0x8070];
	[tilespmem:s0+$0x12030] =	vst v6  }
.LBB2_2:
0x39: {  	p0 =	sne.s32 s15, $0x9E00;
	v6 =	vld [tilespmem:s7+$0xD070]  }
0x3a: {  	v7 =	vld [tilespmem:s7+$0x8000];
	[tilespmem:s0+$0x12040] =	vst v5;
	v2 =	vadd.f32 v3, v2  }
0x3b: {  	v3 =	vld [tilespmem:s7+$0xD000]  }
0x3c: {  	v5 =	vld [tilespmem:s7+$0x8010];
	[tilespmem:s0+$0x12050] =	vst v2;
	v0 =	vadd.f32 v4, v0  }
0x3d: {  	v2 =	vld [tilespmem:s7+$0xD010]  }
0x3e: {  	v4 =	vld [tilespmem:s7+$0x8020];
	v1 =	vadd.f32 v6, v1;
	[tilespmem:s0+$0x12060] =	vst v0;
	s0 =	smov.u32 s7  }
0x3f: {  	v0 =	vld [tilespmem:s0+$0xD020]  }
0x40: {  	v3 =	vadd.f32 v3, v7;
	v6 =	vld [tilespmem:s0+$0x8030];
	[tilespmem:s0+$0x12070] =	vst v1  }
0x41: {  	v1 =	vld [tilespmem:s0+$0xD030]  }
0x42: {  	[tilespmem:s0+$0x12000] =	vst v3;
	v2 =	vadd.f32 v2, v5;
	v5 =	vld [tilespmem:s0+$0x8040]  }
0x43: {  	v7 =	vld [tilespmem:s0+$0xD040]  }
.Ltmp0:
0x44: {  	[tilespmem:s0+$0x12010] =	vst v2;
	v0 =	vadd.f32 v0, v4;
	v2 =	vld [tilespmem:s0+$0x8050];
	(pc) =	sbr.rel @p0 .LBB2_2-.Ltmp0, $4  }
0x45: {  	v3 =	vld [tilespmem:s0+$0xD050]  }
0x46: {  	[tilespmem:s0+$0x12020] =	vst v0;
	v6 =	vadd.f32 v1, v6;
	v0 =	vld [tilespmem:s0+$0x8060]  }
0x47: {  	s7 =	sshra.s32 s15, $0x2;
	v4 =	vld [tilespmem:s0+$0xD060]  }
0x48: {  	s15 =	sadd.s32 $0x200, s15;
	v1 =	vld [tilespmem:s7+$0x8070];
	[tilespmem:s0+$0x12030] =	vst v6;
	v5 =	vadd.f32 v7, v5  }
0x49: {  	v6 =	vld [tilespmem:s7+$0xD070]  }
0x4a: {  	v7 =	vld [tilespmem:s7+$0x8000];
	[tilespmem:s0+$0x12040] =	vst v5;
	v2 =	vadd.f32 v3, v2  }
0x4b: {  	v3 =	vld [tilespmem:s7+$0xD000]  }
0x4c: {  	v5 =	vld [tilespmem:s7+$0x8010];
	[tilespmem:s0+$0x12050] =	vst v2;
	v0 =	vadd.f32 v4, v0  }
0x4d: {  	v2 =	vld [tilespmem:s7+$0xD010]  }
0x4e: {  	v4 =	vld [tilespmem:s7+$0x8020];
	[tilespmem:s0+$0x12060] =	vst v0  }
0x4f: {  	v0 =	vadd.f32 v6, v1;
	v1 =	vld [tilespmem:s7+$0xD020]  }
0x50: {  	v6 =	vld [tilespmem:s7+$0x8030]  }
0x51: {  	v3 =	vadd.f32 v3, v7;
	[tilespmem:s7+$0x12070] =	vst v0;
	v0 =	vld [tilespmem:s7+$0xD030]  }
0x52: {  	v7 =	vld [tilespmem:s7+$0xD060]  }
0x53: {  	[tilespmem:s7+$0x12000] =	vst v3;
	v2 =	vadd.f32 v2, v5;
	v3 =	vld [tilespmem:s7+$0x8040]  }
0x54: {  	v5 =	vld [tilespmem:s7+$0xD040]  }
0x55: {  	[tilespmem:s7+$0x12010] =	vst v2;
	v1 =	vadd.f32 v1, v4;
	v2 =	vld [tilespmem:s7+$0x8050]  }
0x56: {  	v4 =	vld [tilespmem:s7+$0xD050]  }
0x57: {  	[tilespmem:s7+$0x12020] =	vst v1;
	v1 =	vld [tilespmem:s7+$0x8060];
	_ =	sdelay $0x1  }
0x58: {  	v0 =	vadd.f32 v0, v6  }
0x59: {  	v3 =	vadd.f32 v5, v3  }
0x5a: {  	[tilespmem:s7+$0x12030] =	vst v0;
	v0 =	vadd.f32 v4, v2  }
0x5b: {  	[tilespmem:s7+$0x12040] =	vst v3;
	v1 =	vadd.f32 v7, v1  }
0x5c: {  	[tilespmem:s7+$0x12050] =	vst v0  }
0x5d: {  	s15 =	simm.s32 $0x100;
	[tilespmem:s7+$0x12060] =	vst v1  }
0x5e: {  	[tilespmem:s17], [sflag:$0x1] =	stream.indirect.gather [hbm4b:s1+s16], $0x80, s15, s16, $0xb8;
	[tilespmem:$0x17000] =	vst v63  }
0x5f: {  	s26 =	simm.s32 $0x4100  }
0x60: {  	[tilespmem:s18], [sflag:$0x3] =	stream.indirect.gather [hbm4b:s3+s16], $0x80, s26, s16, $0xb8;
	[tilespmem:$0x17000] =	vst v63  }
0x61: {  	s31 =	simm.s32 $0x0  }
0x62: {  	[hbm4b:s9+s31] =	stream.linear.scatter [tilespmem:s28], [sflag:$0x5], $0x2800, $0x38;
	[tilespmem:$0x17000] =	vst v63  }
0x63: {  	_ =	swait.ge [sflag:s29], $0x2800  }
0x64: {  	[sflag:s29] =	ssyncset.done $0x0  }
0x65: {  	[sflag:s29] =	ssyncadd.s32 $0xFFFFD800  }
0x66: {  	_ =	swait.ge [sflag:s30], $0x2800  }
0x67: {  	[sflag:s30] =	ssyncset.done $0x0  }
0x68: {  	s0 =	simm.s32 $0x0;
	[sflag:s30] =	ssyncadd.s32 $0xFFFFD800  }
0x69: {  	v0 =	vld [tilespmem:s0+$0xA870]  }
0x6a: {  	v1 =	vld [tilespmem:s0+$0xF870]  }
0x6b: {  	v2 =	vld [tilespmem:s0+$0xA800]  }
0x6c: {  	v3 =	vld [tilespmem:s0+$0xF800]  }
0x6d: {  	v4 =	vld [tilespmem:s0+$0xA810]  }
0x6e: {  	v5 =	vld [tilespmem:s0+$0xF810]  }
0x6f: {  	v6 =	vld [tilespmem:s0+$0xA820]  }
0x70: {  	v7 =	vld [tilespmem:s0+$0xA830]  }
0x71: {  	v0 =	vadd.f32 v1, v0;
	v1 =	vld [tilespmem:s0+$0xF820]  }
0x72: {  	v8 =	vld [tilespmem:s0+$0xF830]  }
0x73: {  	v9 =	vld [tilespmem:s0+$0xF840];
	v2 =	vadd.f32 v3, v2  }
0x74: {  	[tilespmem:s0+$0x14870] =	vst v0;
	v0 =	vadd.f32 v5, v4;
	v5 =	vld [tilespmem:s0+$0xA840]  }
0x75: {  	v3 =	vld [tilespmem:s0+$0xF850];
	[tilespmem:s0+$0x14800] =	vst v2  }
0x76: {  	v2 =	vld [tilespmem:s0+$0xA850];
	[tilespmem:s0+$0x14810] =	vst v0;
	v0 =	vadd.f32 v1, v6  }
0x77: {  	v4 =	vld [tilespmem:s0+$0xF860];
	v6 =	vadd.f32 v8, v7  }
0x78: {  	s7 =	simm.s32 $0x80;
	[tilespmem:s0+$0x14820] =	vst v0;
	v0 =	vld [tilespmem:s0+$0xA860]  }
0x79: {  	s15 =	simm.s32 $0x400;
	v5 =	vadd.f32 v9, v5;
	v1 =	vld [tilespmem:s7+$0xA870];
	[tilespmem:s0+$0x14830] =	vst v6  }
.LBB2_4:
0x7a: {  	p0 =	sne.s32 s15, $0x9E00;
	v6 =	vld [tilespmem:s7+$0xF870]  }
0x7b: {  	v7 =	vld [tilespmem:s7+$0xA800];
	[tilespmem:s0+$0x14840] =	vst v5;
	v2 =	vadd.f32 v3, v2  }
0x7c: {  	v3 =	vld [tilespmem:s7+$0xF800]  }
0x7d: {  	v5 =	vld [tilespmem:s7+$0xA810];
	[tilespmem:s0+$0x14850] =	vst v2;
	v0 =	vadd.f32 v4, v0  }
0x7e: {  	v2 =	vld [tilespmem:s7+$0xF810]  }
0x7f: {  	v4 =	vld [tilespmem:s7+$0xA820];
	v1 =	vadd.f32 v6, v1;
	[tilespmem:s0+$0x14860] =	vst v0;
	s0 =	smov.u32 s7  }
0x80: {  	v0 =	vld [tilespmem:s0+$0xF820]  }
0x81: {  	v3 =	vadd.f32 v3, v7;
	v6 =	vld [tilespmem:s0+$0xA830];
	[tilespmem:s0+$0x14870] =	vst v1  }
0x82: {  	v1 =	vld [tilespmem:s0+$0xF830]  }
0x83: {  	[tilespmem:s0+$0x14800] =	vst v3;
	v2 =	vadd.f32 v2, v5;
	v5 =	vld [tilespmem:s0+$0xA840]  }
0x84: {  	v7 =	vld [tilespmem:s0+$0xF840]  }
.Ltmp1:
0x85: {  	[tilespmem:s0+$0x14810] =	vst v2;
	v0 =	vadd.f32 v0, v4;
	v2 =	vld [tilespmem:s0+$0xA850];
	(pc) =	sbr.rel @p0 .LBB2_4-.Ltmp1, $4  }
0x86: {  	v3 =	vld [tilespmem:s0+$0xF850]  }
0x87: {  	[tilespmem:s0+$0x14820] =	vst v0;
	v6 =	vadd.f32 v1, v6;
	v0 =	vld [tilespmem:s0+$0xA860]  }
0x88: {  	s7 =	sshra.s32 s15, $0x2;
	v4 =	vld [tilespmem:s0+$0xF860]  }
0x89: {  	s15 =	sadd.s32 $0x200, s15;
	v1 =	vld [tilespmem:s7+$0xA870];
	[tilespmem:s0+$0x14830] =	vst v6;
	v5 =	vadd.f32 v7, v5  }
0x8a: {  	v6 =	vld [tilespmem:s7+$0xF870]  }
0x8b: {  	v7 =	vld [tilespmem:s7+$0xA800];
	[tilespmem:s0+$0x14840] =	vst v5;
	v2 =	vadd.f32 v3, v2  }
0x8c: {  	v51 =	vld [tilespmem:s7+$0xF800]  }
0x8d: {  	v5 =	vld [tilespmem:s7+$0xA810];
	[tilespmem:s0+$0x14850] =	vst v2;
	v0 =	vadd.f32 v4, v0  }
0x8e: {  	v2 =	vld [tilespmem:s7+$0xF810]  }
0x8f: {  	v52 =	vld [tilespmem:s7+$0xA820];
	[tilespmem:s0+$0x14860] =	vst v0  }
0x90: {  	v54 =	vld [tilespmem:s7+$0xF820]  }
0x91: {  	v55 =	vld [tilespmem:s7+$0xA830]  }
0x92: {  	v56 =	vld [tilespmem:s7+$0xF830]  }
0x93: {  	v57 =	vld [tilespmem:s7+$0xA840]  }
0x94: {  	v58 =	vld [tilespmem:s7+$0xF840]  }
0x95: {  	v59 =	vld [tilespmem:s7+$0xA850]  }
0x96: {  	v53 =	vadd.f32 v6, v1;
	v60 =	vld [tilespmem:s7+$0xF850]  }
0x97: {  	v61 =	vld [tilespmem:s7+$0xA860];
	v3 =	vadd.f32 v51, v7  }
0x98: {  	v62 =	vld [tilespmem:s7+$0xF860];
	[tilespmem:s7+$0x14870] =	vst v53;
	v2 =	vadd.f32 v2, v5  }
0x99: {  	[tilespmem:s7+$0x14800] =	vst v3;
	v1 =	vadd.f32 v54, v52  }
0x9a: {  	[tilespmem:s7+$0x14810] =	vst v2;
	v0 =	vadd.f32 v56, v55  }
0x9b: {  	v3 =	vadd.f32 v58, v57;
	[tilespmem:s7+$0x14820] =	vst v1  }
0x9c: {  	v63 =	vadd.f32 v60, v59;
	[tilespmem:s7+$0x14830] =	vst v0  }
0x9d: {  	[tilespmem:s7+$0x14840] =	vst v3;
	v1 =	vadd.f32 v62, v61  }
0x9e: {  	[tilespmem:s7+$0x14850] =	vst v63  }
0x9f: {  	s26 =	simm.s32 $0x180;
	[tilespmem:s7+$0x14860] =	vst v1  }
0xa0: {  	[tilespmem:s20], [sflag:$0x2] =	stream.indirect.gather [hbm4b:s1+s16], $0x80, s26, s16, $0xb8;
	[tilespmem:$0x17000] =	vst v63  }
0xa1: {  	s31 =	simm.s32 $0x4180  }
0xa2: {  	[tilespmem:s22], [sflag:$0x4] =	stream.indirect.gather [hbm4b:s3+s16], $0x80, s31, s16, $0xb8;
	[tilespmem:$0x17000] =	vst v63  }
0xa3: {  	s26 =	simm.s32 $0x1  }
0xa4: {  	[hbm4b:s10+s4] =	stream.linear.scatter [tilespmem:s2], [sflag:$0x6], $0x2800, $0x38;
	[tilespmem:$0x17000] =	vst v63  }
.LBB2_6:
0xa5: {  	_ =	swait.ge [sflag:s23], $0x2800  }
0xa6: {  	[sflag:s23] =	ssyncset.done $0x0  }
0xa7: {  	[sflag:s23] =	ssyncadd.s32 $0xFFFFD800  }
0xa8: {  	_ =	swait.ge [sflag:s24], $0x2800  }
0xa9: {  	[sflag:s24] =	ssyncset.done $0x0  }
0xaa: {  	[sflag:s24] =	ssyncadd.s32 $0xFFFFD800  }
0xab: {  	_ =	swait.ge [sflag:s19], $0x2800  }
0xac: {  	[sflag:s19] =	ssyncset.done $0x0  }
0xad: {  	s0 =	simm.s32 $0x0;
	[sflag:s19] =	ssyncadd.s32 $0xFFFFD800  }
0xae: {  	v0 =	vld [tilespmem:s0+$0x8070]  }
0xaf: {  	v1 =	vld [tilespmem:s0+$0xD070]  }
0xb0: {  	v2 =	vld [tilespmem:s0+$0x8000]  }
0xb1: {  	v3 =	vld [tilespmem:s0+$0xD000]  }
0xb2: {  	v4 =	vld [tilespmem:s0+$0x8010]  }
0xb3: {  	v5 =	vld [tilespmem:s0+$0xD010]  }
0xb4: {  	v6 =	vld [tilespmem:s0+$0x8020]  }
0xb5: {  	v7 =	vld [tilespmem:s0+$0x8030]  }
0xb6: {  	v0 =	vadd.f32 v1, v0;
	v1 =	vld [tilespmem:s0+$0xD020]  }
0xb7: {  	v8 =	vld [tilespmem:s0+$0xD030]  }
0xb8: {  	v9 =	vld [tilespmem:s0+$0xD040];
	v2 =	vadd.f32 v3, v2  }
0xb9: {  	[tilespmem:s0+$0x12070] =	vst v0;
	v0 =	vadd.f32 v5, v4;
	v5 =	vld [tilespmem:s0+$0x8040]  }
0xba: {  	v3 =	vld [tilespmem:s0+$0xD050];
	[tilespmem:s0+$0x12000] =	vst v2  }
0xbb: {  	v2 =	vld [tilespmem:s0+$0x8050];
	[tilespmem:s0+$0x12010] =	vst v0;
	v0 =	vadd.f32 v1, v6  }
0xbc: {  	v4 =	vld [tilespmem:s0+$0xD060];
	v6 =	vadd.f32 v8, v7  }
0xbd: {  	s15 =	simm.s32 $0x80;
	[tilespmem:s0+$0x12020] =	vst v0;
	v0 =	vld [tilespmem:s0+$0x8060]  }
0xbe: {  	s7 =	simm.s32 $0x400;
	v5 =	vadd.f32 v9, v5;
	v1 =	vld [tilespmem:s15+$0x8070];
	[tilespmem:s0+$0x12030] =	vst v6  }
.LBB2_7:
0xbf: {  	p0 =	sne.s32 s7, $0x9E00;
	v6 =	vld [tilespmem:s15+$0xD070]  }
0xc0: {  	v7 =	vld [tilespmem:s15+$0x8000];
	[tilespmem:s0+$0x12040] =	vst v5;
	v2 =	vadd.f32 v3, v2  }
0xc1: {  	v3 =	vld [tilespmem:s15+$0xD000]  }
0xc2: {  	v5 =	vld [tilespmem:s15+$0x8010];
	[tilespmem:s0+$0x12050] =	vst v2;
	v0 =	vadd.f32 v4, v0  }
0xc3: {  	v2 =	vld [tilespmem:s15+$0xD010]  }
0xc4: {  	v4 =	vld [tilespmem:s15+$0x8020];
	v1 =	vadd.f32 v6, v1;
	[tilespmem:s0+$0x12060] =	vst v0;
	s0 =	smov.u32 s15  }
0xc5: {  	v0 =	vld [tilespmem:s0+$0xD020]  }
0xc6: {  	v3 =	vadd.f32 v3, v7;
	v6 =	vld [tilespmem:s0+$0x8030];
	[tilespmem:s0+$0x12070] =	vst v1  }
0xc7: {  	v1 =	vld [tilespmem:s0+$0xD030]  }
0xc8: {  	[tilespmem:s0+$0x12000] =	vst v3;
	v2 =	vadd.f32 v2, v5;
	v5 =	vld [tilespmem:s0+$0x8040]  }
0xc9: {  	v7 =	vld [tilespmem:s0+$0xD040]  }
.Ltmp2:
0xca: {  	[tilespmem:s0+$0x12010] =	vst v2;
	v0 =	vadd.f32 v0, v4;
	v2 =	vld [tilespmem:s0+$0x8050];
	(pc) =	sbr.rel @p0 .LBB2_7-.Ltmp2, $4  }
0xcb: {  	v3 =	vld [tilespmem:s0+$0xD050]  }
0xcc: {  	[tilespmem:s0+$0x12020] =	vst v0;
	v6 =	vadd.f32 v1, v6;
	v0 =	vld [tilespmem:s0+$0x8060]  }
0xcd: {  	s15 =	sshra.s32 s7, $0x2;
	v4 =	vld [tilespmem:s0+$0xD060]  }
0xce: {  	s7 =	sadd.s32 $0x200, s7;
	v1 =	vld [tilespmem:s15+$0x8070];
	[tilespmem:s0+$0x12030] =	vst v6;
	v5 =	vadd.f32 v7, v5  }
0xcf: {  	v6 =	vld [tilespmem:s15+$0xD070]  }
0xd0: {  	v7 =	vld [tilespmem:s15+$0x8000];
	[tilespmem:s0+$0x12040] =	vst v5;
	v2 =	vadd.f32 v3, v2  }
0xd1: {  	v3 =	vld [tilespmem:s15+$0xD000]  }
0xd2: {  	v5 =	vld [tilespmem:s15+$0x8010];
	[tilespmem:s0+$0x12050] =	vst v2;
	v0 =	vadd.f32 v4, v0  }
0xd3: {  	v2 =	vld [tilespmem:s15+$0xD010]  }
0xd4: {  	v4 =	vld [tilespmem:s15+$0x8020];
	[tilespmem:s0+$0x12060] =	vst v0  }
0xd5: {  	v0 =	vadd.f32 v6, v1;
	v1 =	vld [tilespmem:s15+$0xD020]  }
0xd6: {  	v6 =	vld [tilespmem:s15+$0x8030]  }
0xd7: {  	v3 =	vadd.f32 v3, v7;
	[tilespmem:s15+$0x12070] =	vst v0;
	v0 =	vld [tilespmem:s15+$0xD030]  }
0xd8: {  	v7 =	vld [tilespmem:s15+$0xD060]  }
0xd9: {  	[tilespmem:s15+$0x12000] =	vst v3;
	v2 =	vadd.f32 v2, v5;
	v3 =	vld [tilespmem:s15+$0x8040]  }
0xda: {  	v5 =	vld [tilespmem:s15+$0xD040]  }
0xdb: {  	[tilespmem:s15+$0x12010] =	vst v2;
	v1 =	vadd.f32 v1, v4;
	v2 =	vld [tilespmem:s15+$0x8050]  }
0xdc: {  	v4 =	vld [tilespmem:s15+$0xD050]  }
0xdd: {  	[tilespmem:s15+$0x12020] =	vst v1;
	v1 =	vld [tilespmem:s15+$0x8060];
	_ =	sdelay $0x1  }
0xde: {  	v0 =	vadd.f32 v0, v6  }
0xdf: {  	v3 =	vadd.f32 v5, v3  }
0xe0: {  	[tilespmem:s15+$0x12030] =	vst v0;
	v0 =	vadd.f32 v4, v2  }
0xe1: {  	[tilespmem:s15+$0x12040] =	vst v3;
	v1 =	vadd.f32 v7, v1  }
0xe2: {  	s31 =	sshll.u32 s26, $0x8;
	[tilespmem:s15+$0x12050] =	vst v0  }
0xe3: {  	s8 =	sadd.s32 $0x100, s31;
	s0 =	smul.u32 $0xA0, s26;
	[tilespmem:s15+$0x12060] =	vst v1  }
0xe4: {  	[tilespmem:s17], [sflag:$0x1] =	stream.indirect.gather [hbm4b:s1+s16], $0x80, s8, s16, $0xb8;
	[tilespmem:$0x17000] =	vst v63  }
0xe5: {  	s7 =	sadd.s32 $0x4100, s31;
	s15 =	sadd.s32 s6, s0  }
0xe6: {  	[tilespmem:s18], [sflag:$0x3] =	stream.indirect.gather [hbm4b:s3+s16], $0x80, s7, s16, $0xb8;
	[tilespmem:$0x17000] =	vst v63  }
0xe7: {  	s7 =	sshll.u32 s15, $0x4  }
0xe8: {  	s8 =	simm.s32 $0x0;
	s7 =	sadd.s32 s5, s7  }
0xe9: {  	[hbm4b:s7+s8] =	stream.linear.scatter [tilespmem:s28], [sflag:$0x5], $0x2800, $0x38;
	[tilespmem:$0x17000] =	vst v63  }
0xea: {  	_ =	swait.ge [sflag:s29], $0x2800  }
0xeb: {  	[sflag:s29] =	ssyncset.done $0x0  }
0xec: {  	[sflag:s29] =	ssyncadd.s32 $0xFFFFD800  }
0xed: {  	_ =	swait.ge [sflag:s30], $0x2800  }
0xee: {  	[sflag:s30] =	ssyncset.done $0x0  }
0xef: {  	[sflag:s30] =	ssyncadd.s32 $0xFFFFD800  }
0xf0: {  	_ =	swait.ge [sflag:s21], $0x2800  }
0xf1: {  	[sflag:s21] =	ssyncset.done $0x0  }
0xf2: {  	s15 =	simm.s32 $0x0;
	[sflag:s21] =	ssyncadd.s32 $0xFFFFD800  }
0xf3: {  	v0 =	vld [tilespmem:s15+$0xA870]  }
0xf4: {  	v1 =	vld [tilespmem:s15+$0xF870]  }
0xf5: {  	v2 =	vld [tilespmem:s15+$0xA800]  }
0xf6: {  	v3 =	vld [tilespmem:s15+$0xF800]  }
0xf7: {  	v4 =	vld [tilespmem:s15+$0xA810]  }
0xf8: {  	v5 =	vld [tilespmem:s15+$0xF810]  }
0xf9: {  	v6 =	vld [tilespmem:s15+$0xA820]  }
0xfa: {  	v7 =	vld [tilespmem:s15+$0xA830]  }
0xfb: {  	v0 =	vadd.f32 v1, v0;
	v1 =	vld [tilespmem:s15+$0xF820]  }
0xfc: {  	v8 =	vld [tilespmem:s15+$0xF830]  }
0xfd: {  	v9 =	vld [tilespmem:s15+$0xF840];
	v2 =	vadd.f32 v3, v2  }
0xfe: {  	[tilespmem:s15+$0x14870] =	vst v0;
	v0 =	vadd.f32 v5, v4;
	v5 =	vld [tilespmem:s15+$0xA840]  }
0xff: {  	v3 =	vld [tilespmem:s15+$0xF850];
	[tilespmem:s15+$0x14800] =	vst v2  }
0x100: {  	v2 =	vld [tilespmem:s15+$0xA850];
	[tilespmem:s15+$0x14810] =	vst v0;
	v0 =	vadd.f32 v1, v6  }
0x101: {  	v4 =	vld [tilespmem:s15+$0xF860];
	v6 =	vadd.f32 v8, v7  }
0x102: {  	s7 =	simm.s32 $0x80;
	[tilespmem:s15+$0x14820] =	vst v0;
	v0 =	vld [tilespmem:s15+$0xA860]  }
0x103: {  	s8 =	simm.s32 $0x400;
	v5 =	vadd.f32 v9, v5;
	v1 =	vld [tilespmem:s7+$0xA870];
	[tilespmem:s15+$0x14830] =	vst v6  }
.LBB2_9:
0x104: {  	p0 =	sne.s32 s8, $0x9E00;
	v6 =	vld [tilespmem:s7+$0xF870]  }
0x105: {  	v7 =	vld [tilespmem:s7+$0xA800];
	[tilespmem:s15+$0x14840] =	vst v5;
	v2 =	vadd.f32 v3, v2  }
0x106: {  	v3 =	vld [tilespmem:s7+$0xF800]  }
0x107: {  	v5 =	vld [tilespmem:s7+$0xA810];
	[tilespmem:s15+$0x14850] =	vst v2;
	v0 =	vadd.f32 v4, v0  }
0x108: {  	v2 =	vld [tilespmem:s7+$0xF810]  }
0x109: {  	v4 =	vld [tilespmem:s7+$0xA820];
	v1 =	vadd.f32 v6, v1;
	[tilespmem:s15+$0x14860] =	vst v0;
	s15 =	smov.u32 s7  }
0x10a: {  	v0 =	vld [tilespmem:s15+$0xF820]  }
0x10b: {  	v3 =	vadd.f32 v3, v7;
	v6 =	vld [tilespmem:s15+$0xA830];
	[tilespmem:s15+$0x14870] =	vst v1  }
0x10c: {  	v1 =	vld [tilespmem:s15+$0xF830]  }
0x10d: {  	[tilespmem:s15+$0x14800] =	vst v3;
	v2 =	vadd.f32 v2, v5;
	v5 =	vld [tilespmem:s15+$0xA840]  }
0x10e: {  	v7 =	vld [tilespmem:s15+$0xF840]  }
.Ltmp3:
0x10f: {  	[tilespmem:s15+$0x14810] =	vst v2;
	v0 =	vadd.f32 v0, v4;
	v2 =	vld [tilespmem:s15+$0xA850];
	(pc) =	sbr.rel @p0 .LBB2_9-.Ltmp3, $4  }
0x110: {  	v3 =	vld [tilespmem:s15+$0xF850]  }
0x111: {  	[tilespmem:s15+$0x14820] =	vst v0;
	v6 =	vadd.f32 v1, v6;
	v0 =	vld [tilespmem:s15+$0xA860]  }
0x112: {  	s7 =	sshra.s32 s8, $0x2;
	v4 =	vld [tilespmem:s15+$0xF860]  }
0x113: {  	s8 =	sadd.s32 $0x200, s8;
	v1 =	vld [tilespmem:s7+$0xA870];
	[tilespmem:s15+$0x14830] =	vst v6;
	v5 =	vadd.f32 v7, v5  }
0x114: {  	v6 =	vld [tilespmem:s7+$0xF870]  }
0x115: {  	v7 =	vld [tilespmem:s7+$0xA800];
	[tilespmem:s15+$0x14840] =	vst v5;
	v2 =	vadd.f32 v3, v2  }
0x116: {  	v51 =	vld [tilespmem:s7+$0xF800]  }
0x117: {  	v5 =	vld [tilespmem:s7+$0xA810];
	[tilespmem:s15+$0x14850] =	vst v2;
	v0 =	vadd.f32 v4, v0  }
0x118: {  	v2 =	vld [tilespmem:s7+$0xF810]  }
0x119: {  	v52 =	vld [tilespmem:s7+$0xA820];
	[tilespmem:s15+$0x14860] =	vst v0  }
0x11a: {  	v54 =	vld [tilespmem:s7+$0xF820]  }
0x11b: {  	v55 =	vld [tilespmem:s7+$0xA830]  }
0x11c: {  	v56 =	vld [tilespmem:s7+$0xF830]  }
0x11d: {  	v57 =	vld [tilespmem:s7+$0xA840]  }
0x11e: {  	v58 =	vld [tilespmem:s7+$0xF840]  }
0x11f: {  	v59 =	vld [tilespmem:s7+$0xA850]  }
0x120: {  	v53 =	vadd.f32 v6, v1;
	v60 =	vld [tilespmem:s7+$0xF850]  }
0x121: {  	v61 =	vld [tilespmem:s7+$0xA860];
	v3 =	vadd.f32 v51, v7  }
0x122: {  	v62 =	vld [tilespmem:s7+$0xF860];
	[tilespmem:s7+$0x14870] =	vst v53;
	v2 =	vadd.f32 v2, v5  }
0x123: {  	[tilespmem:s7+$0x14800] =	vst v3;
	v1 =	vadd.f32 v54, v52  }
0x124: {  	[tilespmem:s7+$0x14810] =	vst v2;
	v0 =	vadd.f32 v56, v55  }
0x125: {  	v3 =	vadd.f32 v58, v57;
	[tilespmem:s7+$0x14820] =	vst v1  }
0x126: {  	v63 =	vadd.f32 v60, v59;
	[tilespmem:s7+$0x14830] =	vst v0  }
0x127: {  	[tilespmem:s7+$0x14840] =	vst v3;
	v1 =	vadd.f32 v62, v61  }
0x128: {  	p0 =	seq.s32 s26, $0x3D;
	[tilespmem:s7+$0x14850] =	vst v63  }
0x129: {  	s8 =	simm.s32 @!p0 $0x50;
	s15 =	simm.s32 @!p0 $0xA800;
	[tilespmem:s7+$0x14860] =	vst v1;
	s7 =	sadd.s32 @!p0 $0x180, s31  }
0x12a: {  	[tilespmem:s15], [sflag:$0x2] =	stream.indirect.gather @!p0 [hbm4b:s1+s8], $0x80, s7, s8, $0xb8;
	[tilespmem:$0x17000] =	vst v63  }
0x12b: {  	s26 =	sadd.s32 $0x1, s26;
	s7 =	sadd.s32 @!p0 $0x4180, s31;
	s15 =	simm.s32 @!p0 $0xF800  }
0x12c: {  	[tilespmem:s15], [sflag:$0x4] =	stream.indirect.gather @!p0 [hbm4b:s3+s8], $0x80, s7, s8, $0xb8;
	[tilespmem:$0x17000] =	vst v63  }
0x12d: {  	p0 =	sne.s32 s26, $0x3E  }
.Ltmp4:
0x12e: {  	_ = 	snop;
	(pc) =	sbr.rel @p0 .LBB2_6-.Ltmp4, $4  }
0x12f: {  	s0 =	sadd.s32 s0, s11  }
0x130: {  	s0 =	sshll.u32 s0, $0x4  }
0x131: {  	s0 =	sadd.s32 s5, s0  }
0x132: {  	[hbm4b:s0+s4] =	stream.linear.scatter [tilespmem:s2], [sflag:$0x6], $0x2800, $0x38;
	[tilespmem:$0x17000] =	vst v63  }
0x133: {  	_ =	swait.ge [sflag:s23], $0x2800  }
0x134: {  	[sflag:s23] =	ssyncset.done $0x0  }
0x135: {  	[sflag:s23] =	ssyncadd.s32 $0xFFFFD800  }
0x136: {  	_ =	swait.ge [sflag:s24], $0x2800  }
0x137: {  	[sflag:s24] =	ssyncset.done $0x0  }
0x138: {  	[sflag:s24] =	ssyncadd.s32 $0xFFFFD800  }
0x139: {  	_ =	swait.ge [sflag:s19], $0x2800  }
0x13a: {  	[sflag:s19] =	ssyncset.done $0x0  }
0x13b: {  	s0 =	simm.s32 $0x0;
	[sflag:s19] =	ssyncadd.s32 $0xFFFFD800  }
0x13c: {  	v0 =	vld [tilespmem:s0+$0x8070]  }
0x13d: {  	v1 =	vld [tilespmem:s0+$0xD070]  }
0x13e: {  	v2 =	vld [tilespmem:s0+$0x8000]  }
0x13f: {  	v3 =	vld [tilespmem:s0+$0xD000]  }
0x140: {  	v4 =	vld [tilespmem:s0+$0x8010]  }
0x141: {  	v5 =	vld [tilespmem:s0+$0xD010]  }
0x142: {  	v6 =	vld [tilespmem:s0+$0x8020]  }
0x143: {  	v7 =	vld [tilespmem:s0+$0x8030]  }
0x144: {  	v0 =	vadd.f32 v1, v0;
	v1 =	vld [tilespmem:s0+$0xD020]  }
0x145: {  	v8 =	vld [tilespmem:s0+$0xD030]  }
0x146: {  	v9 =	vld [tilespmem:s0+$0xD040];
	v2 =	vadd.f32 v3, v2  }
0x147: {  	[tilespmem:s0+$0x12070] =	vst v0;
	v0 =	vadd.f32 v5, v4;
	v5 =	vld [tilespmem:s0+$0x8040]  }
0x148: {  	v3 =	vld [tilespmem:s0+$0xD050];
	[tilespmem:s0+$0x12000] =	vst v2  }
0x149: {  	v2 =	vld [tilespmem:s0+$0x8050];
	[tilespmem:s0+$0x12010] =	vst v0;
	v0 =	vadd.f32 v1, v6  }
0x14a: {  	v4 =	vld [tilespmem:s0+$0xD060];
	v6 =	vadd.f32 v8, v7  }
0x14b: {  	s7 =	simm.s32 $0x80;
	[tilespmem:s0+$0x12020] =	vst v0;
	v0 =	vld [tilespmem:s0+$0x8060]  }
0x14c: {  	s8 =	simm.s32 $0x400;
	v5 =	vadd.f32 v9, v5;
	v1 =	vld [tilespmem:s7+$0x8070];
	[tilespmem:s0+$0x12030] =	vst v6  }
.LBB2_12:
0x14d: {  	p0 =	sne.s32 s8, $0x9E00;
	v6 =	vld [tilespmem:s7+$0xD070]  }
0x14e: {  	v7 =	vld [tilespmem:s7+$0x8000];
	[tilespmem:s0+$0x12040] =	vst v5;
	v2 =	vadd.f32 v3, v2  }
0x14f: {  	v3 =	vld [tilespmem:s7+$0xD000]  }
0x150: {  	v5 =	vld [tilespmem:s7+$0x8010];
	[tilespmem:s0+$0x12050] =	vst v2;
	v0 =	vadd.f32 v4, v0  }
0x151: {  	v2 =	vld [tilespmem:s7+$0xD010]  }
0x152: {  	v4 =	vld [tilespmem:s7+$0x8020];
	v1 =	vadd.f32 v6, v1;
	[tilespmem:s0+$0x12060] =	vst v0;
	s0 =	smov.u32 s7  }
0x153: {  	v0 =	vld [tilespmem:s0+$0xD020]  }
0x154: {  	v3 =	vadd.f32 v3, v7;
	v6 =	vld [tilespmem:s0+$0x8030];
	[tilespmem:s0+$0x12070] =	vst v1  }
0x155: {  	v1 =	vld [tilespmem:s0+$0xD030]  }
0x156: {  	[tilespmem:s0+$0x12000] =	vst v3;
	v2 =	vadd.f32 v2, v5;
	v5 =	vld [tilespmem:s0+$0x8040]  }
0x157: {  	v7 =	vld [tilespmem:s0+$0xD040]  }
.Ltmp5:
0x158: {  	[tilespmem:s0+$0x12010] =	vst v2;
	v0 =	vadd.f32 v0, v4;
	v2 =	vld [tilespmem:s0+$0x8050];
	(pc) =	sbr.rel @p0 .LBB2_12-.Ltmp5, $4  }
0x159: {  	v3 =	vld [tilespmem:s0+$0xD050]  }
0x15a: {  	[tilespmem:s0+$0x12020] =	vst v0;
	v6 =	vadd.f32 v1, v6;
	v0 =	vld [tilespmem:s0+$0x8060]  }
0x15b: {  	s7 =	sshra.s32 s8, $0x2;
	v4 =	vld [tilespmem:s0+$0xD060]  }
0x15c: {  	s8 =	sadd.s32 $0x200, s8;
	v1 =	vld [tilespmem:s7+$0x8070];
	[tilespmem:s0+$0x12030] =	vst v6;
	v5 =	vadd.f32 v7, v5  }
0x15d: {  	v6 =	vld [tilespmem:s7+$0xD070]  }
0x15e: {  	v7 =	vld [tilespmem:s7+$0x8000];
	[tilespmem:s0+$0x12040] =	vst v5;
	v2 =	vadd.f32 v3, v2  }
0x15f: {  	v51 =	vld [tilespmem:s7+$0xD000]  }
0x160: {  	v5 =	vld [tilespmem:s7+$0x8010];
	[tilespmem:s0+$0x12050] =	vst v2;
	v0 =	vadd.f32 v4, v0  }
0x161: {  	v2 =	vld [tilespmem:s7+$0xD010]  }
0x162: {  	v52 =	vld [tilespmem:s7+$0x8020];
	[tilespmem:s0+$0x12060] =	vst v0  }
0x163: {  	v54 =	vld [tilespmem:s7+$0xD020]  }
0x164: {  	v55 =	vld [tilespmem:s7+$0x8030]  }
0x165: {  	v56 =	vld [tilespmem:s7+$0xD030]  }
0x166: {  	v57 =	vld [tilespmem:s7+$0x8040]  }
0x167: {  	v58 =	vld [tilespmem:s7+$0xD040]  }
0x168: {  	v59 =	vld [tilespmem:s7+$0x8050]  }
0x169: {  	v53 =	vadd.f32 v6, v1;
	v60 =	vld [tilespmem:s7+$0xD050]  }
0x16a: {  	v61 =	vld [tilespmem:s7+$0x8060];
	v3 =	vadd.f32 v51, v7  }
0x16b: {  	v62 =	vld [tilespmem:s7+$0xD060];
	[tilespmem:s7+$0x12070] =	vst v53;
	v2 =	vadd.f32 v2, v5  }
0x16c: {  	[tilespmem:s7+$0x12000] =	vst v3;
	v1 =	vadd.f32 v54, v52  }
0x16d: {  	[tilespmem:s7+$0x12010] =	vst v2;
	v0 =	vadd.f32 v56, v55  }
0x16e: {  	v3 =	vadd.f32 v58, v57;
	[tilespmem:s7+$0x12020] =	vst v1  }
0x16f: {  	v63 =	vadd.f32 v60, v59;
	[tilespmem:s7+$0x12030] =	vst v0  }
0x170: {  	[tilespmem:s7+$0x12040] =	vst v3;
	v1 =	vadd.f32 v62, v61  }
0x171: {  	[tilespmem:s7+$0x12050] =	vst v63  }
0x172: {  	s25 =	sadd.s32 $0x1, s25;
	[tilespmem:s7+$0x12060] =	vst v1  }
0x173: {  	[hbm4b:s12+s4] =	stream.linear.scatter [tilespmem:s28], [sflag:$0x7], $0x2800, $0x38;
	[tilespmem:$0x17000] =	vst v63  }
0x174: {  	p0 =	sne.s32 s25, s13;
	_ =	swait.ge [sflag:s14], $0x2800  }
.Ltmp6:
0x175: {  	[sflag:s14] =	ssyncset.done $0x0;
	(pc) =	sbr.rel @p0 .LBB2_1-.Ltmp6, $4  }
0x176: {  	[sflag:s14] =	ssyncadd.s32 $0xFFFFD800  }
0x177: {  	_ =	swait.ge [sflag:s21], $0x2800  }
0x178: {  	[sflag:s21] =	ssyncset.done $0x0  }
0x179: {  	[sflag:s21] =	ssyncadd.s32 $0xFFFFD800  }
0x17a: {  	_ =	sfence.sel $0x180000  }
0x17b: {  	[bflag:$0x0] =	sbarrier.arrive $0xFFFF  }
0x17c: {  	_ =	strace $0x90000047  }
0x17d: {  	s0 =	stileid.u32;
	[bflag:$0x2] =	sbarrier.arrive $0xFFFF  }
0x17e: {  	p0 =	sne.s32 s0, $0x0;
	s0 =	rddreg [dreg:$0x3]  }
0x17f: {  	s0 =	sadd.s32 @!p0 $0x100000, s0  }
0x180: {  	[sflag:s0] =	ssyncadd.tile.s32 @!p0 $0x1;
	_ =	shalt  }
.Lfunc_end2:
_tile_overlayer_lowered:
.L_overlay_start_2:
0x181: {  	(tag) =	ssettag $0x2  }
0x182: {  	s0 =	rddreg [dreg:$0x0];
	s2 =	stileid.u32  }
0x183: {  	s1 =	rddreg [dreg:$0x1];
	p0 =	sne.s32 s2, $0x0  }
0x184: {  	s3 =	rddreg [dreg:$0x2];
	[bflag:$0x3] =	sbarrier.arrive $0xFFFF;
	s2 =	simm.s32 @!p0 $0x1C07  }
0x185: {  	[timem:s3], [sflag:s2] =	dma.local @!p0 [hbm:s0], s1  }
0x186: {  	s0 =	simm.s32 @!p0 $0x7  }
0x187: {  	_ =	swait.ge @!p0 [sflag:s0], s1  }
0x188: {  	s1 =	ssub.s32 @!p0 $0x0, s1;
	[sflag:s0] =	ssyncset.done @!p0 $0x0  }
0x189: {  	[sflag:s0] =	ssyncadd.s32 @!p0 s1  }
0x18a: {  	[bflag:$0x3] =	sbarrier.arrive $0xFFFF  }
0x18b: {  	_ =	shalt  }

</sc_bundles>
